<compile_context>
chip_gen: v7x
topology: tpu7x:2x2x1
jax: 0.10.2.dev20260603
libtpu: 0.0.44.dev20260713+nightly
codegen_flags: <defaults>
</compile_context>

<pallas_src>
import functools

import jax
import jax.numpy as jnp
from jax import lax
from jax.experimental import pallas as pl
from jax.experimental.pallas import tpu as pltpu
from jax.experimental.pallas import tpu_sc as plsc

N = 10000
NP = 10240
E = 320000
D = 128
DH = 64
DC = 16
G = 64
NC = 2
NS = 16
NW = NC * NS
BPT = 160
BPW = 80
NQ = 4
CK = BPT // NQ
EPAD = NS * BPT * 128
DUMMY = N
BR = 2048
GRID = NP // BR
RPS = NP // NS

_mesh = plsc.VectorSubcoreMesh(core_axis_name="c", subcore_axis_name="s",
                               num_cores=NC, num_subcores=NS)



@functools.partial(
    pl.kernel,
    out_type=jax.ShapeDtypeStruct((NP, D), jnp.float32),
    mesh=_mesh,
    compiler_params=pltpu.CompilerParams(use_tc_tiling_on_sc=False),
    scratch_types=[
        pltpu.VMEM((CK, 128), jnp.int32),
        pltpu.VMEM((CK, 128), jnp.int32),
        pltpu.VMEM((4, 128, DH), jnp.float32),
        pltpu.VMEM_SHARED((NP, DH), jnp.float32),
        pltpu.VMEM_SHARED((NP, DH), jnp.float32),
        pltpu.SemaphoreType.DMA,
        pltpu.SemaphoreType.DMA,
    ],
)
def _sc_agg128(y_hbm, ep_hbm, z_hbm, out_hbm,
               src_v, dst_v, rows_v, y_sh, acc_sh, gsem, ssem):
    c = lax.axis_index("c")
    s = lax.axis_index("s")
    row0 = s * RPS
    col0 = c * DH
    pltpu.async_copy(y_hbm.at[pl.ds(row0, RPS), pl.ds(col0, DH)],
                     y_sh.at[pl.ds(row0, RPS)], gsem)
    pltpu.async_copy(z_hbm, acc_sh.at[pl.ds(row0, RPS)], gsem)
    pltpu.make_async_copy(y_hbm.at[pl.ds(row0, RPS), pl.ds(col0, DH)],
                          y_sh.at[pl.ds(row0, RPS)], gsem).wait()
    pltpu.make_async_copy(z_hbm, acc_sh.at[pl.ds(row0, RPS)], gsem).wait()
    plsc.subcore_barrier()

    @pl.loop(0, NQ)
    def _(q):
        pltpu.async_copy(ep_hbm.at[0, s, q], src_v, gsem)
        pltpu.async_copy(ep_hbm.at[1, s, q], dst_v, gsem)
        pltpu.make_async_copy(ep_hbm.at[0, s, q], src_v, gsem).wait()
        pltpu.make_async_copy(ep_hbm.at[1, s, q], dst_v, gsem).wait()
        pltpu.async_copy(y_sh.at[src_v.at[0]], rows_v.at[0], gsem)
        pltpu.async_copy(y_sh.at[src_v.at[1]], rows_v.at[1], gsem)

        @pl.loop(0, CK, step=4)
        def _(r):
            for b in range(4):
                jl = r + b
                nx = (b + 2) % 4
                pltpu.make_async_copy(
                    y_sh.at[src_v.at[jl]], rows_v.at[b], gsem).wait()
                pltpu.async_copy(
                    rows_v.at[b], acc_sh.at[dst_v.at[jl]], ssem, add=True)

                @pl.when(jl >= 2)
                def _():
                    pltpu.make_async_copy(
                        rows_v.at[nx],
                        acc_sh.at[dst_v.at[jl - 2]], ssem).wait()

                @pl.when(jl + 2 < CK)
                def _():
                    pltpu.async_copy(
                        y_sh.at[src_v.at[jl + 2]], rows_v.at[nx], gsem)

        pltpu.make_async_copy(
            rows_v.at[2], acc_sh.at[dst_v.at[CK - 2]], ssem).wait()
        pltpu.make_async_copy(
            rows_v.at[3], acc_sh.at[dst_v.at[CK - 1]], ssem).wait()

    plsc.subcore_barrier()
    pltpu.sync_copy(acc_sh.at[pl.ds(row0, RPS)],
                    out_hbm.at[pl.ds(row0, RPS), pl.ds(col0, DH)])


@functools.partial(
    pl.kernel,
    out_type=jax.ShapeDtypeStruct((NC, NP, D), jnp.float32),
    mesh=_mesh,
    compiler_params=pltpu.CompilerParams(use_tc_tiling_on_sc=False),
    scratch_types=[
        pltpu.VMEM((BPW, 128), jnp.int32),
        pltpu.VMEM((BPW, 128), jnp.int32),
        pltpu.VMEM((2, 128, DC), jnp.float32),
        pltpu.VMEM_SHARED((NP, DC), jnp.float32),
        pltpu.VMEM_SHARED((NP, DC), jnp.float32),
        pltpu.SemaphoreType.DMA,
    ],
)
def _sc_agg16(y_hbm, ep_hbm, z_hbm, out_hbm,
              src_v, dst_v, rows_v, y_sh, acc_sh, gsem):
    c = lax.axis_index("c")
    s = lax.axis_index("s")
    w = c * NS + s
    row0 = s * RPS
    pltpu.async_copy(y_hbm.at[pl.ds(row0, RPS), pl.ds(0, DC)],
                     y_sh.at[pl.ds(row0, RPS)], gsem)
    pltpu.async_copy(z_hbm, acc_sh.at[pl.ds(row0, RPS)], gsem)
    pltpu.async_copy(ep_hbm.at[0, w], src_v, gsem)
    pltpu.async_copy(ep_hbm.at[1, w], dst_v, gsem)
    pltpu.make_async_copy(y_hbm.at[pl.ds(row0, RPS), pl.ds(0, DC)],
                          y_sh.at[pl.ds(row0, RPS)], gsem).wait()
    pltpu.make_async_copy(z_hbm, acc_sh.at[pl.ds(row0, RPS)], gsem).wait()
    pltpu.make_async_copy(ep_hbm.at[0, w], src_v, gsem).wait()
    pltpu.make_async_copy(ep_hbm.at[1, w], dst_v, gsem).wait()
    plsc.subcore_barrier()

    pltpu.async_copy(y_sh.at[src_v.at[0]], rows_v.at[0], gsem)
    pltpu.async_copy(y_sh.at[src_v.at[1]], rows_v.at[1], gsem)

    @pl.loop(0, BPW, step=2)
    def _(j):
        for b in range(2):
            jj = j + b
            pltpu.make_async_copy(
                y_sh.at[src_v.at[jj]], rows_v.at[b], gsem).wait()
            pltpu.sync_copy(rows_v.at[b], acc_sh.at[dst_v.at[jj]], add=True)

            @pl.when(jj + 2 < BPW)
            def _():
                pltpu.async_copy(
                    y_sh.at[src_v.at[jj + 2]], rows_v.at[b], gsem)

    plsc.subcore_barrier()
    pltpu.sync_copy(acc_sh.at[pl.ds(row0, RPS)],
                    out_hbm.at[c, pl.ds(row0, RPS), pl.ds(0, DC)])


@functools.partial(
    pl.kernel,
    out_type=jax.ShapeDtypeStruct((NC, NP, D), jnp.float32),
    mesh=_mesh,
    compiler_params=pltpu.CompilerParams(use_tc_tiling_on_sc=False),
    scratch_types=[
        pltpu.VMEM((BPW, 128), jnp.int32),
        pltpu.VMEM((128, DC), jnp.float32),
        pltpu.VMEM_SHARED((NP, DC), jnp.float32),
        pltpu.SemaphoreType.DMA,
    ],
)
def _sc_deg(ep_hbm, ones_hbm, z_hbm, out_hbm, dst_v, ones_v, deg_sh, ssem):
    c = lax.axis_index("c")
    s = lax.axis_index("s")
    w = c * NS + s
    pltpu.sync_copy(z_hbm, deg_sh.at[pl.ds(s * RPS, RPS)])
    pltpu.sync_copy(ones_hbm, ones_v)
    pltpu.sync_copy(ep_hbm.at[1, w], dst_v)
    plsc.subcore_barrier()

    @pl.loop(0, BPW)
    def _(j):
        pltpu.async_copy(ones_v, deg_sh.at[dst_v.at[j]], ssem, add=True)

        @pl.when(j >= 1)
        def _():
            pltpu.make_async_copy(
                ones_v, deg_sh.at[dst_v.at[j - 1]], ssem).wait()

    pltpu.make_async_copy(ones_v, deg_sh.at[dst_v.at[BPW - 1]], ssem).wait()
    plsc.subcore_barrier()
    pltpu.sync_copy(deg_sh.at[pl.ds(s * RPS, RPS)],
                    out_hbm.at[c, pl.ds(s * RPS, RPS), pl.ds(0, DC)])



def _tc_first_body(x_ref, degp_ref, w_ref, y_ref, dinv_ref):
    dp = degp_ref[...]
    deg = dp[0, :, 0] + dp[1, :, 0] + 1.0
    dinv = lax.rsqrt(deg)
    xw = jnp.dot(x_ref[...], w_ref[...], preferred_element_type=jnp.float32)
    y_ref[...] = dinv[:, None] * xw
    dinv_ref[...] = jnp.broadcast_to(dinv[:, None], (BR, D))


def _tc_first(x, degp, w1):
    return pl.pallas_call(
        _tc_first_body,
        grid=(GRID,),
        in_specs=[
            pl.BlockSpec((BR, D), lambda i: (i, 0)),
            pl.BlockSpec((NC, BR, D), lambda i: (0, i, 0)),
            pl.BlockSpec((D, D), lambda i: (0, 0)),
        ],
        out_specs=[
            pl.BlockSpec((BR, D), lambda i: (i, 0)),
            pl.BlockSpec((BR, D), lambda i: (i, 0)),
        ],
        out_shape=[
            jax.ShapeDtypeStruct((NP, D), jnp.float32),
            jax.ShapeDtypeStruct((NP, D), jnp.float32),
        ],
    )(x, degp, w1)


def _tc_mid_body(agg_ref, y_ref, dinv_ref, b_ref, w_ref, o_ref, nout):
    dinv = dinv_ref[...]
    h = dinv * (agg_ref[...] + y_ref[...]) + b_ref[...]
    h = jnp.maximum(h, 0.0)
    hw = jnp.dot(h, w_ref[...], preferred_element_type=jnp.float32)
    o_ref[...] = dinv[:, :nout] * hw


def _tc_mid(agg, y, dinv, b, w):
    nout = w.shape[1]
    return pl.pallas_call(
        functools.partial(_tc_mid_body, nout=nout),
        grid=(GRID,),
        in_specs=[
            pl.BlockSpec((BR, D), lambda i: (i, 0)),
            pl.BlockSpec((BR, D), lambda i: (i, 0)),
            pl.BlockSpec((BR, D), lambda i: (i, 0)),
            pl.BlockSpec((1, D), lambda i: (0, 0)),
            pl.BlockSpec((D, nout), lambda i: (0, 0)),
        ],
        out_specs=pl.BlockSpec((BR, nout), lambda i: (i, 0)),
        out_shape=jax.ShapeDtypeStruct((NP, nout), jnp.float32),
    )(agg, y, dinv, b, w)


def _tc_pool_body(aggp_ref, y_ref, dinv_ref, b_ref, batch_ref, o_ref,
                  sums_ref, cnts_ref):
    i = pl.program_id(0)
    ag = aggp_ref[...]
    dinv = dinv_ref[...][:, :DC]
    h4 = (dinv * (ag[0, :, :DC] + ag[1, :, :DC] + y_ref[...][:, :DC])
          + b_ref[...])
    gid = jax.lax.broadcasted_iota(jnp.int32, (BR, G), 1)
    onehot = (batch_ref[...][:, :G] == gid).astype(jnp.float32)
    part_s = lax.dot_general(onehot, h4, (((0,), (0,)), ((), ())),
                             preferred_element_type=jnp.float32)
    part_c = jnp.sum(onehot, axis=0)

    @pl.when(i == 0)
    def _():
        sums_ref[...] = part_s
        cnts_ref[...] = jnp.broadcast_to(part_c[:, None], (G, DC))

    @pl.when(i > 0)
    def _():
        sums_ref[...] += part_s
        cnts_ref[...] += jnp.broadcast_to(part_c[:, None], (G, DC))

    @pl.when(i == GRID - 1)
    def _():
        o_ref[...] = sums_ref[...] / jnp.maximum(cnts_ref[...], 1.0)


def _tc_pool(aggp, y, dinv, b, batch2d):
    return pl.pallas_call(
        _tc_pool_body,
        grid=(GRID,),
        in_specs=[
            pl.BlockSpec((NC, BR, D), lambda i: (0, i, 0)),
            pl.BlockSpec((BR, D), lambda i: (i, 0)),
            pl.BlockSpec((BR, D), lambda i: (i, 0)),
            pl.BlockSpec((1, DC), lambda i: (0, 0)),
            pl.BlockSpec((BR, 128), lambda i: (i, 0)),
        ],
        out_specs=pl.BlockSpec((G, DC), lambda i: (0, 0)),
        out_shape=jax.ShapeDtypeStruct((G, DC), jnp.float32),
        scratch_shapes=[
            pltpu.VMEM((G, DC), jnp.float32),
            pltpu.VMEM((G, DC), jnp.float32),
        ],
    )(aggp, y, dinv, b, batch2d)



def kernel(x, edge_index, batch, W1, b1, W2, b2, W3, b3, W4, b4):
    f32 = jnp.float32
    npad = EPAD - E
    padblk = jnp.stack([jnp.zeros((npad,), jnp.int32),
                        jnp.full((npad,), DUMMY, jnp.int32)])
    ep = jnp.concatenate([edge_index, padblk], axis=1)
    epA = ep.reshape(2, NS, NQ, CK, 128)
    epB = ep.reshape(2, NW, BPW, 128)

    xp = jnp.zeros((NP, D), f32).at[:N].set(x)
    batchp = jnp.full((NP,), -1, jnp.int32).at[:N].set(batch)
    batch2d = jnp.broadcast_to(batchp[:, None], (NP, 128))

    w4p = jnp.zeros((D, D), f32).at[:, :10].set(W4)
    b4p = jnp.zeros((1, DC), f32).at[0, :10].set(b4)

    z16 = jnp.zeros((RPS, DC), f32)
    z64 = jnp.zeros((RPS, DH), f32)
    ones16 = jnp.ones((128, DC), f32)

    degp = _sc_deg(epB, ones16, z16)
    y1, dinv = _tc_first(xp, degp, W1)

    agg1 = _sc_agg128(y1, epA, z64)
    y2 = _tc_mid(agg1, y1, dinv, b1.reshape(1, D), W2)

    agg2 = _sc_agg128(y2, epA, z64)
    y3 = _tc_mid(agg2, y2, dinv, b2.reshape(1, D), W3)

    agg3 = _sc_agg128(y3, epA, z64)
    y4 = _tc_mid(agg3, y3, dinv, b3.reshape(1, D), w4p)

    agg4 = _sc_agg16(y4, epB, z16)
    out = _tc_pool(agg4, y4, dinv, b4p, batch2d)
    return out[:, :10]

# --- scband reference (transcript-rebuilt; emitter-appended) ---
"""Pipeline reference for scband-simple-gcn-47373489274966 (READ-ONLY COPY).

The authoritative reference and input builder live on the scoring server;
editing this copy changes nothing except your own understanding.
"""

import jax, jax.numpy as jnp
import numpy as np

N_NODES = 10000
N_EDGES = 320000
D_IN = 128
D_HID = 128
N_CLASSES = 10
NUM_GRAPHS = 64


def setup_inputs(seed: int = 0) -> dict:
    key = jax.random.key(seed)
    ks = jax.random.split(key, 12)
    x = jax.random.normal(ks[0], (N_NODES, D_IN), dtype=jnp.float32)
    edge_index = jax.random.randint(ks[1], (2, N_EDGES), 0, N_NODES, dtype=jnp.int32)
    batch = jnp.sort(jax.random.randint(ks[2], (N_NODES,), 0, NUM_GRAPHS, dtype=jnp.int32))
    W1 = jax.random.normal(ks[3], (D_IN, D_HID), dtype=jnp.float32) * 0.05
    b1 = jnp.zeros((D_HID,), dtype=jnp.float32)
    W2 = jax.random.normal(ks[4], (D_HID, D_HID), dtype=jnp.float32) * 0.05
    b2 = jnp.zeros((D_HID,), dtype=jnp.float32)
    W3 = jax.random.normal(ks[5], (D_HID, D_HID), dtype=jnp.float32) * 0.05
    b3 = jnp.zeros((D_HID,), dtype=jnp.float32)
    W4 = jax.random.normal(ks[6], (D_HID, N_CLASSES), dtype=jnp.float32) * 0.05
    b4 = jnp.zeros((N_CLASSES,), dtype=jnp.float32)
    return {"x": x, "edge_index": edge_index, "batch": batch,
            "W1": W1, "b1": b1, "W2": W2, "b2": b2,
            "W3": W3, "b3": b3, "W4": W4, "b4": b4}


def gcn_conv(x, src, dst, W, b):
    n = x.shape[0]
    loop = jnp.arange(n, dtype=src.dtype)
    s = jnp.concatenate([src, loop])
    d = jnp.concatenate([dst, loop])
    deg = jnp.zeros((n,), x.dtype).at[d].add(1.0)
    dinv = jnp.where(deg > 0, jax.lax.rsqrt(deg), 0.0)
    norm = dinv[s] * dinv[d]
    xw = x @ W
    msgs = norm[:, None] * jnp.take(xw, s, axis=0)
    out = jnp.zeros((n, W.shape[1]), x.dtype).at[d].add(msgs)
    return out + b


def reference(x, edge_index, batch, W1, b1, W2, b2, W3, b3, W4, b4):
    src, dst = edge_index[0], edge_index[1]
    h = jax.nn.relu(gcn_conv(x, src, dst, W1, b1))
    h = jax.nn.relu(gcn_conv(h, src, dst, W2, b2))
    h = jax.nn.relu(gcn_conv(h, src, dst, W3, b3))
    h = gcn_conv(h, src, dst, W4, b4)
    sums = jax.ops.segment_sum(h, batch, num_segments=NUM_GRAPHS)
    counts = jax.ops.segment_sum(jnp.ones((h.shape[0], 1), h.dtype), batch, num_segments=NUM_GRAPHS)
    return sums / jnp.maximum(counts, 1.0)

if __name__ == "__main__":
    import jax
    _d = setup_inputs()
    print(jax.jit(kernel)(*tuple(_d.values())))

</pallas_src>

<mosaic_0001>
#map = affine_map<(d0, d1) -> (0, 0)>
#map1 = affine_map<(d0, d1) -> (0, 0, 0, 0, 0)>
module attributes {stable_mosaic.version = 14 : i64} {
  func.func @_sc_agg128(%arg0: i32, %arg1: i32, %arg2: memref<10240x128xf32, #tpu.memory_space<hbm>>, %arg3: memref<2x16x4x40x128xi32, #tpu.memory_space<hbm>>, %arg4: memref<640x64xf32, #tpu.memory_space<hbm>>, %arg5: memref<10240x128xf32, #tpu.memory_space<hbm>>, %arg6: memref<40x128xi32, #tpu.memory_space<vmem>>, %arg7: memref<40x128xi32, #tpu.memory_space<vmem>>, %arg8: memref<4x128x64xf32, #tpu.memory_space<vmem>>, %arg9: memref<10240x64xf32, #tpu.memory_space<vmem_shared>>, %arg10: memref<10240x64xf32, #tpu.memory_space<vmem_shared>>, %arg11: memref<!tpu.dma_semaphore, #tpu.memory_space<semaphore_mem>>, %arg12: memref<!tpu.dma_semaphore, #tpu.memory_space<semaphore_mem>>) attributes {dimension_semantics = [#tpu.dimension_semantics<core_parallel>, #tpu.dimension_semantics<subcore_parallel>], iteration_bounds = array<i64: 2, 16>, scalar_prefetch = 0 : i64, scratch_operands = 7 : i64, tpu.core_type = #tpu.core_type<sc_vector_subcore>, window_params = [{transform_indices = #map}, {transform_indices = #map1}, {transform_indices = #map}, {transform_indices = #map}]} {
    %mul3A = arith.constant 640 : i32
    %mul3A_0 = arith.muli %arg1, %mul3A : i32
    %mul3A_1 = arith.constant 64 : i32
    %mul3A_2 = arith.muli %arg0, %mul3A_1 : i32
    %dma_start3A = arith.constant 0 : i32
    %dma_start3A_3 = tpu.memref_slice %arg9[%mul3A_0, %dma_start3A] : memref<10240x64xf32, #tpu.memory_space<vmem_shared>> -> memref<640x64xf32, #tpu.memory_space<vmem_shared>>
    %dma_start3A_4 = tpu.memref_slice %arg2[%mul3A_0, %mul3A_2] : memref<10240x128xf32, #tpu.memory_space<hbm>> -> memref<640x64xf32, #tpu.memory_space<hbm>>
    tpu.enqueue_dma source(%dma_start3A_4 : memref<640x64xf32, #tpu.memory_space<hbm>>) target(%dma_start3A_3 : memref<640x64xf32, #tpu.memory_space<vmem_shared>>) target_semaphore(%arg11 : memref<!tpu.dma_semaphore, #tpu.memory_space<semaphore_mem>>)
    %dma_start3A_5 = arith.constant 0 : i32
    %dma_start3A_6 = tpu.memref_slice %arg10[%mul3A_0, %dma_start3A_5] : memref<10240x64xf32, #tpu.memory_space<vmem_shared>> -> memref<640x64xf32, #tpu.memory_space<vmem_shared>>
    tpu.enqueue_dma source(%arg4 : memref<640x64xf32, #tpu.memory_space<hbm>>) target(%dma_start3A_6 : memref<640x64xf32, #tpu.memory_space<vmem_shared>>) target_semaphore(%arg11 : memref<!tpu.dma_semaphore, #tpu.memory_space<semaphore_mem>>)
    %dma_wait3A = arith.constant 0 : i32
    %dma_wait3A_7 = tpu.memref_slice %arg9[%mul3A_0, %dma_wait3A] : memref<10240x64xf32, #tpu.memory_space<vmem_shared>> -> memref<640x64xf32, #tpu.memory_space<vmem_shared>>
    %dma_wait3A_8 = tpu.memref_slice %arg2[%mul3A_0, %mul3A_2] : memref<10240x128xf32, #tpu.memory_space<hbm>> -> memref<640x64xf32, #tpu.memory_space<hbm>>
    tpu.wait_dma2 semaphore(%arg11 : memref<!tpu.dma_semaphore, #tpu.memory_space<semaphore_mem>>) src(%dma_wait3A_8 : memref<640x64xf32, #tpu.memory_space<hbm>>) dst(%dma_wait3A_7 : memref<640x64xf32, #tpu.memory_space<vmem_shared>>)
    %dma_wait3A_9 = arith.constant 0 : i32
    %dma_wait3A_10 = tpu.memref_slice %arg10[%mul3A_0, %dma_wait3A_9] : memref<10240x64xf32, #tpu.memory_space<vmem_shared>> -> memref<640x64xf32, #tpu.memory_space<vmem_shared>>
    tpu.wait_dma2 semaphore(%arg11 : memref<!tpu.dma_semaphore, #tpu.memory_space<semaphore_mem>>) src(%arg4 : memref<640x64xf32, #tpu.memory_space<hbm>>) dst(%dma_wait3A_10 : memref<640x64xf32, #tpu.memory_space<vmem_shared>>)
    %barrier3A = arith.constant 0 : index
    tpu.barrier barrier_id(%barrier3A)
    %scan3A = arith.constant 0 : i32
    %scan3A_11 = arith.constant 4 : i32
    %scan3A_12 = arith.addi %scan3A, %scan3A_11 : i32
    %scan3A_13 = arith.constant 1 : i32
    scf.for %scan3A_16 = %scan3A to %scan3A_12 step %scan3A_13  : i32 {
      %mul3A_17 = arith.constant 1 : i32
      %mul3A_18 = arith.muli %scan3A_16, %mul3A_17 : i32
      %add3A = arith.constant 0 : i32
      %add3A_19 = arith.addi %add3A, %mul3A_18 : i32
      %dma_start3A_20 = arith.constant 0 : i32
      %dma_start3A_21 = arith.constant 0 : i32
      %dma_start3A_22 = arith.constant 0 : i32
      %dma_start3A_23 = tpu.memref_slice %arg3[%dma_start3A_20, %arg1, %add3A_19, %dma_start3A_21, %dma_start3A_22] : memref<2x16x4x40x128xi32, #tpu.memory_space<hbm>> -> memref<1x1x1x40x128xi32, #tpu.memory_space<hbm>>
      %dma_start3A_24 = tpu.memref_squeeze %dma_start3A_23 : memref<1x1x1x40x128xi32, #tpu.memory_space<hbm>> -> memref<40x128xi32, #tpu.memory_space<hbm>>
      %dma_start3A_25 = arith.constant 0 : i32
      %dma_start3A_26 = arith.constant 0 : i32
      %dma_start3A_27 = tpu.memref_slice %arg3[%dma_start3A_20, %arg1, %add3A_19, %dma_start3A_25, %dma_start3A_26] : memref<2x16x4x40x128xi32, #tpu.memory_space<hbm>> -> memref<1x1x1x40x128xi32, #tpu.memory_space<hbm>>
      %dma_start3A_28 = tpu.memref_squeeze %dma_start3A_27 : memref<1x1x1x40x128xi32, #tpu.memory_space<hbm>> -> memref<40x128xi32, #tpu.memory_space<hbm>>
      tpu.enqueue_dma source(%dma_start3A_28 : memref<40x128xi32, #tpu.memory_space<hbm>>) target(%arg6 : memref<40x128xi32, #tpu.memory_space<vmem>>) target_semaphore(%arg11 : memref<!tpu.dma_semaphore, #tpu.memory_space<semaphore_mem>>)
      %dma_start3A_29 = arith.constant 1 : i32
      %dma_start3A_30 = arith.constant 0 : i32
      %dma_start3A_31 = arith.constant 0 : i32
      %dma_start3A_32 = tpu.memref_slice %arg3[%dma_start3A_29, %arg1, %add3A_19, %dma_start3A_30, %dma_start3A_31] : memref<2x16x4x40x128xi32, #tpu.memory_space<hbm>> -> memref<1x1x1x40x128xi32, #tpu.memory_space<hbm>>
      %dma_start3A_33 = tpu.memref_squeeze %dma_start3A_32 : memref<1x1x1x40x128xi32, #tpu.memory_space<hbm>> -> memref<40x128xi32, #tpu.memory_space<hbm>>
      %dma_start3A_34 = arith.constant 0 : i32
      %dma_start3A_35 = arith.constant 0 : i32
      %dma_start3A_36 = tpu.memref_slice %arg3[%dma_start3A_29, %arg1, %add3A_19, %dma_start3A_34, %dma_start3A_35] : memref<2x16x4x40x128xi32, #tpu.memory_space<hbm>> -> memref<1x1x1x40x128xi32, #tpu.memory_space<hbm>>
      %dma_start3A_37 = tpu.memref_squeeze %dma_start3A_36 : memref<1x1x1x40x128xi32, #tpu.memory_space<hbm>> -> memref<40x128xi32, #tpu.memory_space<hbm>>
      tpu.enqueue_dma source(%dma_start3A_37 : memref<40x128xi32, #tpu.memory_space<hbm>>) target(%arg7 : memref<40x128xi32, #tpu.memory_space<vmem>>) target_semaphore(%arg11 : memref<!tpu.dma_semaphore, #tpu.memory_space<semaphore_mem>>)
      %dma_wait3A_38 = arith.constant 0 : i32
      %dma_wait3A_39 = arith.constant 0 : i32
      %dma_wait3A_40 = arith.constant 0 : i32
      %dma_wait3A_41 = tpu.memref_slice %arg3[%dma_wait3A_38, %arg1, %add3A_19, %dma_wait3A_39, %dma_wait3A_40] : memref<2x16x4x40x128xi32, #tpu.memory_space<hbm>> -> memref<1x1x1x40x128xi32, #tpu.memory_space<hbm>>
      %dma_wait3A_42 = tpu.memref_squeeze %dma_wait3A_41 : memref<1x1x1x40x128xi32, #tpu.memory_space<hbm>> -> memref<40x128xi32, #tpu.memory_space<hbm>>
      %dma_wait3A_43 = arith.constant 0 : i32
      %dma_wait3A_44 = arith.constant 0 : i32
      %dma_wait3A_45 = tpu.memref_slice %arg3[%dma_wait3A_38, %arg1, %add3A_19, %dma_wait3A_43, %dma_wait3A_44] : memref<2x16x4x40x128xi32, #tpu.memory_space<hbm>> -> memref<1x1x1x40x128xi32, #tpu.memory_space<hbm>>
      %dma_wait3A_46 = tpu.memref_squeeze %dma_wait3A_45 : memref<1x1x1x40x128xi32, #tpu.memory_space<hbm>> -> memref<40x128xi32, #tpu.memory_space<hbm>>
      tpu.wait_dma2 semaphore(%arg11 : memref<!tpu.dma_semaphore, #tpu.memory_space<semaphore_mem>>) src(%dma_wait3A_46 : memref<40x128xi32, #tpu.memory_space<hbm>>) dst(%arg6 : memref<40x128xi32, #tpu.memory_space<vmem>>)
      %dma_wait3A_47 = arith.constant 1 : i32
      %dma_wait3A_48 = arith.constant 0 : i32
      %dma_wait3A_49 = arith.constant 0 : i32
      %dma_wait3A_50 = tpu.memref_slice %arg3[%dma_wait3A_47, %arg1, %add3A_19, %dma_wait3A_48, %dma_wait3A_49] : memref<2x16x4x40x128xi32, #tpu.memory_space<hbm>> -> memref<1x1x1x40x128xi32, #tpu.memory_space<hbm>>
      %dma_wait3A_51 = tpu.memref_squeeze %dma_wait3A_50 : memref<1x1x1x40x128xi32, #tpu.memory_space<hbm>> -> memref<40x128xi32, #tpu.memory_space<hbm>>
      %dma_wait3A_52 = arith.constant 0 : i32
      %dma_wait3A_53 = arith.constant 0 : i32
      %dma_wait3A_54 = tpu.memref_slice %arg3[%dma_wait3A_47, %arg1, %add3A_19, %dma_wait3A_52, %dma_wait3A_53] : memref<2x16x4x40x128xi32, #tpu.memory_space<hbm>> -> memref<1x1x1x40x128xi32, #tpu.memory_space<hbm>>
      %dma_wait3A_55 = tpu.memref_squeeze %dma_wait3A_54 : memref<1x1x1x40x128xi32, #tpu.memory_space<hbm>> -> memref<40x128xi32, #tpu.memory_space<hbm>>
      tpu.wait_dma2 semaphore(%arg11 : memref<!tpu.dma_semaphore, #tpu.memory_space<semaphore_mem>>) src(%dma_wait3A_55 : memref<40x128xi32, #tpu.memory_space<hbm>>) dst(%arg7 : memref<40x128xi32, #tpu.memory_space<vmem>>)
      %dma_start3A_56 = arith.constant 0 : i32
      %dma_start3A_57 = arith.constant 0 : i32
      %dma_start3A_58 = arith.constant 0 : i32
      %dma_start3A_59 = arith.constant 0 : i32
      %dma_start3A_60 = tpu.memref_slice %arg8[%dma_start3A_57, %dma_start3A_58, %dma_start3A_59] : memref<4x128x64xf32, #tpu.memory_space<vmem>> -> memref<1x128x64xf32, #tpu.memory_space<vmem>>
      %dma_start3A_61 = tpu.memref_squeeze %dma_start3A_60 : memref<1x128x64xf32, #tpu.memory_space<vmem>> -> memref<128x64xf32, #tpu.memory_space<vmem>>
      %dma_start3A_62 = arith.constant 0 : i32
      %dma_start3A_63 = tpu.memref_slice %arg6[%dma_start3A_56, %dma_start3A_62] : memref<40x128xi32, #tpu.memory_space<vmem>> -> memref<1x128xi32, #tpu.memory_space<vmem>>
      %dma_start3A_64 = tpu.memref_squeeze %dma_start3A_63 : memref<1x128xi32, #tpu.memory_space<vmem>> -> memref<128xi32, #tpu.memory_space<vmem>>
      %dma_start3A_65 = arith.constant 0 : i32
      %dma_start3A_66 = arith.constant 0 : i32
      %dma_start3A_67 = tpu.memref_slice %arg9[%dma_start3A_65, %dma_start3A_66] : memref<10240x64xf32, #tpu.memory_space<vmem_shared>> -> memref<10240x64xf32, #tpu.memory_space<vmem_shared>>
      tpu.enqueue_indirect_dma source(%dma_start3A_67 : memref<10240x64xf32, #tpu.memory_space<vmem_shared>>) target(%dma_start3A_61 : memref<128x64xf32, #tpu.memory_space<vmem>>) offsets(%dma_start3A_64 : memref<128xi32, #tpu.memory_space<vmem>>) semaphore(%arg11 : memref<!tpu.dma_semaphore, #tpu.memory_space<semaphore_mem>>)
      %dma_start3A_68 = arith.constant 1 : i32
      %dma_start3A_69 = arith.constant 1 : i32
      %dma_start3A_70 = arith.constant 0 : i32
      %dma_start3A_71 = arith.constant 0 : i32
      %dma_start3A_72 = tpu.memref_slice %arg8[%dma_start3A_69, %dma_start3A_70, %dma_start3A_71] : memref<4x128x64xf32, #tpu.memory_space<vmem>> -> memref<1x128x64xf32, #tpu.memory_space<vmem>>
      %dma_start3A_73 = tpu.memref_squeeze %dma_start3A_72 : memref<1x128x64xf32, #tpu.memory_space<vmem>> -> memref<128x64xf32, #tpu.memory_space<vmem>>
      %dma_start3A_74 = arith.constant 0 : i32
      %dma_start3A_75 = tpu.memref_slice %arg6[%dma_start3A_68, %dma_start3A_74] : memref<40x128xi32, #tpu.memory_space<vmem>> -> memref<1x128xi32, #tpu.memory_space<vmem>>
      %dma_start3A_76 = tpu.memref_squeeze %dma_start3A_75 : memref<1x128xi32, #tpu.memory_space<vmem>> -> memref<128xi32, #tpu.memory_space<vmem>>
      %dma_start3A_77 = arith.constant 0 : i32
      %dma_start3A_78 = arith.constant 0 : i32
      %dma_start3A_79 = tpu.memref_slice %arg9[%dma_start3A_77, %dma_start3A_78] : memref<10240x64xf32, #tpu.memory_space<vmem_shared>> -> memref<10240x64xf32, #tpu.memory_space<vmem_shared>>
      tpu.enqueue_indirect_dma source(%dma_start3A_79 : memref<10240x64xf32, #tpu.memory_space<vmem_shared>>) target(%dma_start3A_73 : memref<128x64xf32, #tpu.memory_space<vmem>>) offsets(%dma_start3A_76 : memref<128xi32, #tpu.memory_space<vmem>>) semaphore(%arg11 : memref<!tpu.dma_semaphore, #tpu.memory_space<semaphore_mem>>)
      %scan3A_80 = arith.constant 0 : i32
      %scan3A_81 = arith.constant 10 : i32
      %scan3A_82 = arith.addi %scan3A_80, %scan3A_81 : i32
      %scan3A_83 = arith.constant 1 : i32
      scf.for %scan3A_109 = %scan3A_80 to %scan3A_82 step %scan3A_83  : i32 {
        %mul3A_110 = arith.constant 4 : i32
        %mul3A_111 = arith.muli %scan3A_109, %mul3A_110 : i32
        %add3A_112 = arith.constant 0 : i32
        %add3A_113 = arith.addi %add3A_112, %mul3A_111 : i32
        %add3A_114 = arith.constant 0 : i32
        %add3A_115 = arith.addi %add3A_113, %add3A_114 : i32
        %dma_wait3A_116 = arith.constant 0 : i32
        %dma_wait3A_117 = arith.constant 0 : i32
        %dma_wait3A_118 = arith.constant 0 : i32
        %dma_wait3A_119 = tpu.memref_slice %arg8[%dma_wait3A_116, %dma_wait3A_117, %dma_wait3A_118] : memref<4x128x64xf32, #tpu.memory_space<vmem>> -> memref<1x128x64xf32, #tpu.memory_space<vmem>>
        %dma_wait3A_120 = tpu.memref_squeeze %dma_wait3A_119 : memref<1x128x64xf32, #tpu.memory_space<vmem>> -> memref<128x64xf32, #tpu.memory_space<vmem>>
        %dma_wait3A_121 = arith.constant 0 : i32
        %dma_wait3A_122 = tpu.memref_slice %arg6[%add3A_115, %dma_wait3A_121] : memref<40x128xi32, #tpu.memory_space<vmem>> -> memref<1x128xi32, #tpu.memory_space<vmem>>
        %dma_wait3A_123 = tpu.memref_squeeze %dma_wait3A_122 : memref<1x128xi32, #tpu.memory_space<vmem>> -> memref<128xi32, #tpu.memory_space<vmem>>
        %dma_wait3A_124 = arith.constant 0 : i32
        %dma_wait3A_125 = arith.constant 0 : i32
        %dma_wait3A_126 = tpu.memref_slice %arg9[%dma_wait3A_124, %dma_wait3A_125] : memref<10240x64xf32, #tpu.memory_space<vmem_shared>> -> memref<10240x64xf32, #tpu.memory_space<vmem_shared>>
        tpu.wait_indirect_dma semaphore(%arg11 : memref<!tpu.dma_semaphore, #tpu.memory_space<semaphore_mem>>) src(%dma_wait3A_126 : memref<10240x64xf32, #tpu.memory_space<vmem_shared>>) dst(%dma_wait3A_120 : memref<128x64xf32, #tpu.memory_space<vmem>>)
        %dma_start3A_127 = arith.constant 0 : i32
        %dma_start3A_128 = arith.constant 0 : i32
        %dma_start3A_129 = arith.constant 0 : i32
        %dma_start3A_130 = tpu.memref_slice %arg8[%dma_start3A_127, %dma_start3A_128, %dma_start3A_129] : memref<4x128x64xf32, #tpu.memory_space<vmem>> -> memref<1x128x64xf32, #tpu.memory_space<vmem>>
        %dma_start3A_131 = tpu.memref_squeeze %dma_start3A_130 : memref<1x128x64xf32, #tpu.memory_space<vmem>> -> memref<128x64xf32, #tpu.memory_space<vmem>>
        %dma_start3A_132 = arith.constant 0 : i32
        %dma_start3A_133 = tpu.memref_slice %arg7[%add3A_115, %dma_start3A_132] : memref<40x128xi32, #tpu.memory_space<vmem>> -> memref<1x128xi32, #tpu.memory_space<vmem>>
        %dma_start3A_134 = tpu.memref_squeeze %dma_start3A_133 : memref<1x128xi32, #tpu.memory_space<vmem>> -> memref<128xi32, #tpu.memory_space<vmem>>
        %dma_start3A_135 = arith.constant 0 : i32
        %dma_start3A_136 = arith.constant 0 : i32
        %dma_start3A_137 = tpu.memref_slice %arg10[%dma_start3A_135, %dma_start3A_136] : memref<10240x64xf32, #tpu.memory_space<vmem_shared>> -> memref<10240x64xf32, #tpu.memory_space<vmem_shared>>
        tpu.enqueue_indirect_dma source(%dma_start3A_131 : memref<128x64xf32, #tpu.memory_space<vmem>>) target(%dma_start3A_137 : memref<10240x64xf32, #tpu.memory_space<vmem_shared>>) offsets(%dma_start3A_134 : memref<128xi32, #tpu.memory_space<vmem>>) semaphore(%arg12 : memref<!tpu.dma_semaphore, #tpu.memory_space<semaphore_mem>>) {add = true}
        %ge3A = arith.constant 2 : i32
        %ge3A_138 = arith.cmpi sge, %add3A_115, %ge3A : i32
        %convert_element_type3A = arith.extui %ge3A_138 : i1 to i32
        %cond3A = arith.constant 0 : i32
        %cond3A_139 = arith.cmpi ne, %convert_element_type3A, %cond3A : i32
        scf.if %cond3A_139 {
          %sub3A = arith.constant 2 : i32
          %sub3A_254 = arith.subi %add3A_115, %sub3A : i32
          %dma_wait3A_255 = arith.constant 2 : i32
          %dma_wait3A_256 = arith.constant 0 : i32
          %dma_wait3A_257 = arith.constant 0 : i32
          %dma_wait3A_258 = tpu.memref_slice %arg8[%dma_wait3A_255, %dma_wait3A_256, %dma_wait3A_257] : memref<4x128x64xf32, #tpu.memory_space<vmem>> -> memref<1x128x64xf32, #tpu.memory_space<vmem>>
          %dma_wait3A_259 = tpu.memref_squeeze %dma_wait3A_258 : memref<1x128x64xf32, #tpu.memory_space<vmem>> -> memref<128x64xf32, #tpu.memory_space<vmem>>
          %dma_wait3A_260 = arith.constant 0 : i32
          %dma_wait3A_261 = tpu.memref_slice %arg7[%sub3A_254, %dma_wait3A_260] : memref<40x128xi32, #tpu.memory_space<vmem>> -> memref<1x128xi32, #tpu.memory_space<vmem>>
          %dma_wait3A_262 = tpu.memref_squeeze %dma_wait3A_261 : memref<1x128xi32, #tpu.memory_space<vmem>> -> memref<128xi32, #tpu.memory_space<vmem>>
          %dma_wait3A_263 = arith.constant 0 : i32
          %dma_wait3A_264 = arith.constant 0 : i32
          %dma_wait3A_265 = tpu.memref_slice %arg10[%dma_wait3A_263, %dma_wait3A_264] : memref<10240x64xf32, #tpu.memory_space<vmem_shared>> -> memref<10240x64xf32, #tpu.memory_space<vmem_shared>>
          tpu.wait_indirect_dma semaphore(%arg12 : memref<!tpu.dma_semaphore, #tpu.memory_space<semaphore_mem>>) src(%dma_wait3A_259 : memref<128x64xf32, #tpu.memory_space<vmem>>) dst(%dma_wait3A_265 : memref<10240x64xf32, #tpu.memory_space<vmem_shared>>)
        } else {
        }
        %add3A_140 = arith.constant 2 : i32
        %add3A_141 = arith.addi %add3A_115, %add3A_140 : i32
        %lt3A = arith.constant 40 : i32
        %lt3A_142 = arith.cmpi slt, %add3A_141, %lt3A : i32
        %convert_element_type3A_143 = arith.extui %lt3A_142 : i1 to i32
        %cond3A_144 = arith.constant 0 : i32
        %cond3A_145 = arith.cmpi ne, %convert_element_type3A_143, %cond3A_144 : i32
        scf.if %cond3A_145 {
          %add3A_254 = arith.constant 2 : i32
          %add3A_255 = arith.addi %add3A_115, %add3A_254 : i32
          %dma_start3A_256 = arith.constant 2 : i32
          %dma_start3A_257 = arith.constant 0 : i32
          %dma_start3A_258 = arith.constant 0 : i32
          %dma_start3A_259 = tpu.memref_slice %arg8[%dma_start3A_256, %dma_start3A_257, %dma_start3A_258] : memref<4x128x64xf32, #tpu.memory_space<vmem>> -> memref<1x128x64xf32, #tpu.memory_space<vmem>>
          %dma_start3A_260 = tpu.memref_squeeze %dma_start3A_259 : memref<1x128x64xf32, #tpu.memory_space<vmem>> -> memref<128x64xf32, #tpu.memory_space<vmem>>
          %dma_start3A_261 = arith.constant 0 : i32
          %dma_start3A_262 = tpu.memref_slice %arg6[%add3A_255, %dma_start3A_261] : memref<40x128xi32, #tpu.memory_space<vmem>> -> memref<1x128xi32, #tpu.memory_space<vmem>>
          %dma_start3A_263 = tpu.memref_squeeze %dma_start3A_262 : memref<1x128xi32, #tpu.memory_space<vmem>> -> memref<128xi32, #tpu.memory_space<vmem>>
          %dma_start3A_264 = arith.constant 0 : i32
          %dma_start3A_265 = arith.constant 0 : i32
          %dma_start3A_266 = tpu.memref_slice %arg9[%dma_start3A_264, %dma_start3A_265] : memref<10240x64xf32, #tpu.memory_space<vmem_shared>> -> memref<10240x64xf32, #tpu.memory_space<vmem_shared>>
          tpu.enqueue_indirect_dma source(%dma_start3A_266 : memref<10240x64xf32, #tpu.memory_space<vmem_shared>>) target(%dma_start3A_260 : memref<128x64xf32, #tpu.memory_space<vmem>>) offsets(%dma_start3A_263 : memref<128xi32, #tpu.memory_space<vmem>>) semaphore(%arg11 : memref<!tpu.dma_semaphore, #tpu.memory_space<semaphore_mem>>)
        } else {
        }
        %add3A_146 = arith.constant 1 : i32
        %add3A_147 = arith.addi %add3A_113, %add3A_146 : i32
        %dma_wait3A_148 = arith.constant 1 : i32
        %dma_wait3A_149 = arith.constant 0 : i32
        %dma_wait3A_150 = arith.constant 0 : i32
        %dma_wait3A_151 = tpu.memref_slice %arg8[%dma_wait3A_148, %dma_wait3A_149, %dma_wait3A_150] : memref<4x128x64xf32, #tpu.memory_space<vmem>> -> memref<1x128x64xf32, #tpu.memory_space<vmem>>
        %dma_wait3A_152 = tpu.memref_squeeze %dma_wait3A_151 : memref<1x128x64xf32, #tpu.memory_space<vmem>> -> memref<128x64xf32, #tpu.memory_space<vmem>>
        %dma_wait3A_153 = arith.constant 0 : i32
        %dma_wait3A_154 = tpu.memref_slice %arg6[%add3A_147, %dma_wait3A_153] : memref<40x128xi32, #tpu.memory_space<vmem>> -> memref<1x128xi32, #tpu.memory_space<vmem>>
        %dma_wait3A_155 = tpu.memref_squeeze %dma_wait3A_154 : memref<1x128xi32, #tpu.memory_space<vmem>> -> memref<128xi32, #tpu.memory_space<vmem>>
        %dma_wait3A_156 = arith.constant 0 : i32
        %dma_wait3A_157 = arith.constant 0 : i32
        %dma_wait3A_158 = tpu.memref_slice %arg9[%dma_wait3A_156, %dma_wait3A_157] : memref<10240x64xf32, #tpu.memory_space<vmem_shared>> -> memref<10240x64xf32, #tpu.memory_space<vmem_shared>>
        tpu.wait_indirect_dma semaphore(%arg11 : memref<!tpu.dma_semaphore, #tpu.memory_space<semaphore_mem>>) src(%dma_wait3A_158 : memref<10240x64xf32, #tpu.memory_space<vmem_shared>>) dst(%dma_wait3A_152 : memref<128x64xf32, #tpu.memory_space<vmem>>)
        %dma_start3A_159 = arith.constant 1 : i32
        %dma_start3A_160 = arith.constant 0 : i32
        %dma_start3A_161 = arith.constant 0 : i32
        %dma_start3A_162 = tpu.memref_slice %arg8[%dma_start3A_159, %dma_start3A_160, %dma_start3A_161] : memref<4x128x64xf32, #tpu.memory_space<vmem>> -> memref<1x128x64xf32, #tpu.memory_space<vmem>>
        %dma_start3A_163 = tpu.memref_squeeze %dma_start3A_162 : memref<1x128x64xf32, #tpu.memory_space<vmem>> -> memref<128x64xf32, #tpu.memory_space<vmem>>
        %dma_start3A_164 = arith.constant 0 : i32
        %dma_start3A_165 = tpu.memref_slice %arg7[%add3A_147, %dma_start3A_164] : memref<40x128xi32, #tpu.memory_space<vmem>> -> memref<1x128xi32, #tpu.memory_space<vmem>>
        %dma_start3A_166 = tpu.memref_squeeze %dma_start3A_165 : memref<1x128xi32, #tpu.memory_space<vmem>> -> memref<128xi32, #tpu.memory_space<vmem>>
        %dma_start3A_167 = arith.constant 0 : i32
        %dma_start3A_168 = arith.constant 0 : i32
        %dma_start3A_169 = tpu.memref_slice %arg10[%dma_start3A_167, %dma_start3A_168] : memref<10240x64xf32, #tpu.memory_space<vmem_shared>> -> memref<10240x64xf32, #tpu.memory_space<vmem_shared>>
        tpu.enqueue_indirect_dma source(%dma_start3A_163 : memref<128x64xf32, #tpu.memory_space<vmem>>) target(%dma_start3A_169 : memref<10240x64xf32, #tpu.memory_space<vmem_shared>>) offsets(%dma_start3A_166 : memref<128xi32, #tpu.memory_space<vmem>>) semaphore(%arg12 : memref<!tpu.dma_semaphore, #tpu.memory_space<semaphore_mem>>) {add = true}
        %ge3A_170 = arith.constant 2 : i32
        %ge3A_171 = arith.cmpi sge, %add3A_147, %ge3A_170 : i32
        %convert_element_type3A_172 = arith.extui %ge3A_171 : i1 to i32
        %cond3A_173 = arith.constant 0 : i32
        %cond3A_174 = arith.cmpi ne, %convert_element_type3A_172, %cond3A_173 : i32
        scf.if %cond3A_174 {
          %sub3A = arith.constant 2 : i32
          %sub3A_254 = arith.subi %add3A_147, %sub3A : i32
          %dma_wait3A_255 = arith.constant 3 : i32
          %dma_wait3A_256 = arith.constant 0 : i32
          %dma_wait3A_257 = arith.constant 0 : i32
          %dma_wait3A_258 = tpu.memref_slice %arg8[%dma_wait3A_255, %dma_wait3A_256, %dma_wait3A_257] : memref<4x128x64xf32, #tpu.memory_space<vmem>> -> memref<1x128x64xf32, #tpu.memory_space<vmem>>
          %dma_wait3A_259 = tpu.memref_squeeze %dma_wait3A_258 : memref<1x128x64xf32, #tpu.memory_space<vmem>> -> memref<128x64xf32, #tpu.memory_space<vmem>>
          %dma_wait3A_260 = arith.constant 0 : i32
          %dma_wait3A_261 = tpu.memref_slice %arg7[%sub3A_254, %dma_wait3A_260] : memref<40x128xi32, #tpu.memory_space<vmem>> -> memref<1x128xi32, #tpu.memory_space<vmem>>
          %dma_wait3A_262 = tpu.memref_squeeze %dma_wait3A_261 : memref<1x128xi32, #tpu.memory_space<vmem>> -> memref<128xi32, #tpu.memory_space<vmem>>
          %dma_wait3A_263 = arith.constant 0 : i32
          %dma_wait3A_264 = arith.constant 0 : i32
          %dma_wait3A_265 = tpu.memref_slice %arg10[%dma_wait3A_263, %dma_wait3A_264] : memref<10240x64xf32, #tpu.memory_space<vmem_shared>> -> memref<10240x64xf32, #tpu.memory_space<vmem_shared>>
          tpu.wait_indirect_dma semaphore(%arg12 : memref<!tpu.dma_semaphore, #tpu.memory_space<semaphore_mem>>) src(%dma_wait3A_259 : memref<128x64xf32, #tpu.memory_space<vmem>>) dst(%dma_wait3A_265 : memref<10240x64xf32, #tpu.memory_space<vmem_shared>>)
        } else {
        }
        %add3A_175 = arith.constant 2 : i32
        %add3A_176 = arith.addi %add3A_147, %add3A_175 : i32
        %lt3A_177 = arith.constant 40 : i32
        %lt3A_178 = arith.cmpi slt, %add3A_176, %lt3A_177 : i32
        %convert_element_type3A_179 = arith.extui %lt3A_178 : i1 to i32
        %cond3A_180 = arith.constant 0 : i32
        %cond3A_181 = arith.cmpi ne, %convert_element_type3A_179, %cond3A_180 : i32
        scf.if %cond3A_181 {
          %add3A_254 = arith.constant 2 : i32
          %add3A_255 = arith.addi %add3A_147, %add3A_254 : i32
          %dma_start3A_256 = arith.constant 3 : i32
          %dma_start3A_257 = arith.constant 0 : i32
          %dma_start3A_258 = arith.constant 0 : i32
          %dma_start3A_259 = tpu.memref_slice %arg8[%dma_start3A_256, %dma_start3A_257, %dma_start3A_258] : memref<4x128x64xf32, #tpu.memory_space<vmem>> -> memref<1x128x64xf32, #tpu.memory_space<vmem>>
          %dma_start3A_260 = tpu.memref_squeeze %dma_start3A_259 : memref<1x128x64xf32, #tpu.memory_space<vmem>> -> memref<128x64xf32, #tpu.memory_space<vmem>>
          %dma_start3A_261 = arith.constant 0 : i32
          %dma_start3A_262 = tpu.memref_slice %arg6[%add3A_255, %dma_start3A_261] : memref<40x128xi32, #tpu.memory_space<vmem>> -> memref<1x128xi32, #tpu.memory_space<vmem>>
          %dma_start3A_263 = tpu.memref_squeeze %dma_start3A_262 : memref<1x128xi32, #tpu.memory_space<vmem>> -> memref<128xi32, #tpu.memory_space<vmem>>
          %dma_start3A_264 = arith.constant 0 : i32
          %dma_start3A_265 = arith.constant 0 : i32
          %dma_start3A_266 = tpu.memref_slice %arg9[%dma_start3A_264, %dma_start3A_265] : memref<10240x64xf32, #tpu.memory_space<vmem_shared>> -> memref<10240x64xf32, #tpu.memory_space<vmem_shared>>
          tpu.enqueue_indirect_dma source(%dma_start3A_266 : memref<10240x64xf32, #tpu.memory_space<vmem_shared>>) target(%dma_start3A_260 : memref<128x64xf32, #tpu.memory_space<vmem>>) offsets(%dma_start3A_263 : memref<128xi32, #tpu.memory_space<vmem>>) semaphore(%arg11 : memref<!tpu.dma_semaphore, #tpu.memory_space<semaphore_mem>>)
        } else {
        }
        %add3A_182 = arith.constant 2 : i32
        %add3A_183 = arith.addi %add3A_113, %add3A_182 : i32
        %dma_wait3A_184 = arith.constant 2 : i32
        %dma_wait3A_185 = arith.constant 0 : i32
        %dma_wait3A_186 = arith.constant 0 : i32
        %dma_wait3A_187 = tpu.memref_slice %arg8[%dma_wait3A_184, %dma_wait3A_185, %dma_wait3A_186] : memref<4x128x64xf32, #tpu.memory_space<vmem>> -> memref<1x128x64xf32, #tpu.memory_space<vmem>>
        %dma_wait3A_188 = tpu.memref_squeeze %dma_wait3A_187 : memref<1x128x64xf32, #tpu.memory_space<vmem>> -> memref<128x64xf32, #tpu.memory_space<vmem>>
        %dma_wait3A_189 = arith.constant 0 : i32
        %dma_wait3A_190 = tpu.memref_slice %arg6[%add3A_183, %dma_wait3A_189] : memref<40x128xi32, #tpu.memory_space<vmem>> -> memref<1x128xi32, #tpu.memory_space<vmem>>
        %dma_wait3A_191 = tpu.memref_squeeze %dma_wait3A_190 : memref<1x128xi32, #tpu.memory_space<vmem>> -> memref<128xi32, #tpu.memory_space<vmem>>
        %dma_wait3A_192 = arith.constant 0 : i32
        %dma_wait3A_193 = arith.constant 0 : i32
        %dma_wait3A_194 = tpu.memref_slice %arg9[%dma_wait3A_192, %dma_wait3A_193] : memref<10240x64xf32, #tpu.memory_space<vmem_shared>> -> memref<10240x64xf32, #tpu.memory_space<vmem_shared>>
        tpu.wait_indirect_dma semaphore(%arg11 : memref<!tpu.dma_semaphore, #tpu.memory_space<semaphore_mem>>) src(%dma_wait3A_194 : memref<10240x64xf32, #tpu.memory_space<vmem_shared>>) dst(%dma_wait3A_188 : memref<128x64xf32, #tpu.memory_space<vmem>>)
        %dma_start3A_195 = arith.constant 2 : i32
        %dma_start3A_196 = arith.constant 0 : i32
        %dma_start3A_197 = arith.constant 0 : i32
        %dma_start3A_198 = tpu.memref_slice %arg8[%dma_start3A_195, %dma_start3A_196, %dma_start3A_197] : memref<4x128x64xf32, #tpu.memory_space<vmem>> -> memref<1x128x64xf32, #tpu.memory_space<vmem>>
        %dma_start3A_199 = tpu.memref_squeeze %dma_start3A_198 : memref<1x128x64xf32, #tpu.memory_space<vmem>> -> memref<128x64xf32, #tpu.memory_space<vmem>>
        %dma_start3A_200 = arith.constant 0 : i32
        %dma_start3A_201 = tpu.memref_slice %arg7[%add3A_183, %dma_start3A_200] : memref<40x128xi32, #tpu.memory_space<vmem>> -> memref<1x128xi32, #tpu.memory_space<vmem>>
        %dma_start3A_202 = tpu.memref_squeeze %dma_start3A_201 : memref<1x128xi32, #tpu.memory_space<vmem>> -> memref<128xi32, #tpu.memory_space<vmem>>
        %dma_start3A_203 = arith.constant 0 : i32
        %dma_start3A_204 = arith.constant 0 : i32
        %dma_start3A_205 = tpu.memref_slice %arg10[%dma_start3A_203, %dma_start3A_204] : memref<10240x64xf32, #tpu.memory_space<vmem_shared>> -> memref<10240x64xf32, #tpu.memory_space<vmem_shared>>
        tpu.enqueue_indirect_dma source(%dma_start3A_199 : memref<128x64xf32, #tpu.memory_space<vmem>>) target(%dma_start3A_205 : memref<10240x64xf32, #tpu.memory_space<vmem_shared>>) offsets(%dma_start3A_202 : memref<128xi32, #tpu.memory_space<vmem>>) semaphore(%arg12 : memref<!tpu.dma_semaphore, #tpu.memory_space<semaphore_mem>>) {add = true}
        %ge3A_206 = arith.constant 2 : i32
        %ge3A_207 = arith.cmpi sge, %add3A_183, %ge3A_206 : i32
        %convert_element_type3A_208 = arith.extui %ge3A_207 : i1 to i32
        %cond3A_209 = arith.constant 0 : i32
        %cond3A_210 = arith.cmpi ne, %convert_element_type3A_208, %cond3A_209 : i32
        scf.if %cond3A_210 {
          %sub3A = arith.constant 2 : i32
          %sub3A_254 = arith.subi %add3A_183, %sub3A : i32
          %dma_wait3A_255 = arith.constant 0 : i32
          %dma_wait3A_256 = arith.constant 0 : i32
          %dma_wait3A_257 = arith.constant 0 : i32
          %dma_wait3A_258 = tpu.memref_slice %arg8[%dma_wait3A_255, %dma_wait3A_256, %dma_wait3A_257] : memref<4x128x64xf32, #tpu.memory_space<vmem>> -> memref<1x128x64xf32, #tpu.memory_space<vmem>>
          %dma_wait3A_259 = tpu.memref_squeeze %dma_wait3A_258 : memref<1x128x64xf32, #tpu.memory_space<vmem>> -> memref<128x64xf32, #tpu.memory_space<vmem>>
          %dma_wait3A_260 = arith.constant 0 : i32
          %dma_wait3A_261 = tpu.memref_slice %arg7[%sub3A_254, %dma_wait3A_260] : memref<40x128xi32, #tpu.memory_space<vmem>> -> memref<1x128xi32, #tpu.memory_space<vmem>>
          %dma_wait3A_262 = tpu.memref_squeeze %dma_wait3A_261 : memref<1x128xi32, #tpu.memory_space<vmem>> -> memref<128xi32, #tpu.memory_space<vmem>>
          %dma_wait3A_263 = arith.constant 0 : i32
          %dma_wait3A_264 = arith.constant 0 : i32
          %dma_wait3A_265 = tpu.memref_slice %arg10[%dma_wait3A_263, %dma_wait3A_264] : memref<10240x64xf32, #tpu.memory_space<vmem_shared>> -> memref<10240x64xf32, #tpu.memory_space<vmem_shared>>
          tpu.wait_indirect_dma semaphore(%arg12 : memref<!tpu.dma_semaphore, #tpu.memory_space<semaphore_mem>>) src(%dma_wait3A_259 : memref<128x64xf32, #tpu.memory_space<vmem>>) dst(%dma_wait3A_265 : memref<10240x64xf32, #tpu.memory_space<vmem_shared>>)
        } else {
        }
        %add3A_211 = arith.constant 2 : i32
        %add3A_212 = arith.addi %add3A_183, %add3A_211 : i32
        %lt3A_213 = arith.constant 40 : i32
        %lt3A_214 = arith.cmpi slt, %add3A_212, %lt3A_213 : i32
        %convert_element_type3A_215 = arith.extui %lt3A_214 : i1 to i32
        %cond3A_216 = arith.constant 0 : i32
        %cond3A_217 = arith.cmpi ne, %convert_element_type3A_215, %cond3A_216 : i32
        scf.if %cond3A_217 {
          %add3A_254 = arith.constant 2 : i32
          %add3A_255 = arith.addi %add3A_183, %add3A_254 : i32
          %dma_start3A_256 = arith.constant 0 : i32
          %dma_start3A_257 = arith.constant 0 : i32
          %dma_start3A_258 = arith.constant 0 : i32
          %dma_start3A_259 = tpu.memref_slice %arg8[%dma_start3A_256, %dma_start3A_257, %dma_start3A_258] : memref<4x128x64xf32, #tpu.memory_space<vmem>> -> memref<1x128x64xf32, #tpu.memory_space<vmem>>
          %dma_start3A_260 = tpu.memref_squeeze %dma_start3A_259 : memref<1x128x64xf32, #tpu.memory_space<vmem>> -> memref<128x64xf32, #tpu.memory_space<vmem>>
          %dma_start3A_261 = arith.constant 0 : i32
          %dma_start3A_262 = tpu.memref_slice %arg6[%add3A_255, %dma_start3A_261] : memref<40x128xi32, #tpu.memory_space<vmem>> -> memref<1x128xi32, #tpu.memory_space<vmem>>
          %dma_start3A_263 = tpu.memref_squeeze %dma_start3A_262 : memref<1x128xi32, #tpu.memory_space<vmem>> -> memref<128xi32, #tpu.memory_space<vmem>>
          %dma_start3A_264 = arith.constant 0 : i32
          %dma_start3A_265 = arith.constant 0 : i32
          %dma_start3A_266 = tpu.memref_slice %arg9[%dma_start3A_264, %dma_start3A_265] : memref<10240x64xf32, #tpu.memory_space<vmem_shared>> -> memref<10240x64xf32, #tpu.memory_space<vmem_shared>>
          tpu.enqueue_indirect_dma source(%dma_start3A_266 : memref<10240x64xf32, #tpu.memory_space<vmem_shared>>) target(%dma_start3A_260 : memref<128x64xf32, #tpu.memory_space<vmem>>) offsets(%dma_start3A_263 : memref<128xi32, #tpu.memory_space<vmem>>) semaphore(%arg11 : memref<!tpu.dma_semaphore, #tpu.memory_space<semaphore_mem>>)
        } else {
        }
        %add3A_218 = arith.constant 3 : i32
        %add3A_219 = arith.addi %add3A_113, %add3A_218 : i32
        %dma_wait3A_220 = arith.constant 3 : i32
        %dma_wait3A_221 = arith.constant 0 : i32
        %dma_wait3A_222 = arith.constant 0 : i32
        %dma_wait3A_223 = tpu.memref_slice %arg8[%dma_wait3A_220, %dma_wait3A_221, %dma_wait3A_222] : memref<4x128x64xf32, #tpu.memory_space<vmem>> -> memref<1x128x64xf32, #tpu.memory_space<vmem>>
        %dma_wait3A_224 = tpu.memref_squeeze %dma_wait3A_223 : memref<1x128x64xf32, #tpu.memory_space<vmem>> -> memref<128x64xf32, #tpu.memory_space<vmem>>
        %dma_wait3A_225 = arith.constant 0 : i32
        %dma_wait3A_226 = tpu.memref_slice %arg6[%add3A_219, %dma_wait3A_225] : memref<40x128xi32, #tpu.memory_space<vmem>> -> memref<1x128xi32, #tpu.memory_space<vmem>>
        %dma_wait3A_227 = tpu.memref_squeeze %dma_wait3A_226 : memref<1x128xi32, #tpu.memory_space<vmem>> -> memref<128xi32, #tpu.memory_space<vmem>>
        %dma_wait3A_228 = arith.constant 0 : i32
        %dma_wait3A_229 = arith.constant 0 : i32
        %dma_wait3A_230 = tpu.memref_slice %arg9[%dma_wait3A_228, %dma_wait3A_229] : memref<10240x64xf32, #tpu.memory_space<vmem_shared>> -> memref<10240x64xf32, #tpu.memory_space<vmem_shared>>
        tpu.wait_indirect_dma semaphore(%arg11 : memref<!tpu.dma_semaphore, #tpu.memory_space<semaphore_mem>>) src(%dma_wait3A_230 : memref<10240x64xf32, #tpu.memory_space<vmem_shared>>) dst(%dma_wait3A_224 : memref<128x64xf32, #tpu.memory_space<vmem>>)
        %dma_start3A_231 = arith.constant 3 : i32
        %dma_start3A_232 = arith.constant 0 : i32
        %dma_start3A_233 = arith.constant 0 : i32
        %dma_start3A_234 = tpu.memref_slice %arg8[%dma_start3A_231, %dma_start3A_232, %dma_start3A_233] : memref<4x128x64xf32, #tpu.memory_space<vmem>> -> memref<1x128x64xf32, #tpu.memory_space<vmem>>
        %dma_start3A_235 = tpu.memref_squeeze %dma_start3A_234 : memref<1x128x64xf32, #tpu.memory_space<vmem>> -> memref<128x64xf32, #tpu.memory_space<vmem>>
        %dma_start3A_236 = arith.constant 0 : i32
        %dma_start3A_237 = tpu.memref_slice %arg7[%add3A_219, %dma_start3A_236] : memref<40x128xi32, #tpu.memory_space<vmem>> -> memref<1x128xi32, #tpu.memory_space<vmem>>
        %dma_start3A_238 = tpu.memref_squeeze %dma_start3A_237 : memref<1x128xi32, #tpu.memory_space<vmem>> -> memref<128xi32, #tpu.memory_space<vmem>>
        %dma_start3A_239 = arith.constant 0 : i32
        %dma_start3A_240 = arith.constant 0 : i32
        %dma_start3A_241 = tpu.memref_slice %arg10[%dma_start3A_239, %dma_start3A_240] : memref<10240x64xf32, #tpu.memory_space<vmem_shared>> -> memref<10240x64xf32, #tpu.memory_space<vmem_shared>>
        tpu.enqueue_indirect_dma source(%dma_start3A_235 : memref<128x64xf32, #tpu.memory_space<vmem>>) target(%dma_start3A_241 : memref<10240x64xf32, #tpu.memory_space<vmem_shared>>) offsets(%dma_start3A_238 : memref<128xi32, #tpu.memory_space<vmem>>) semaphore(%arg12 : memref<!tpu.dma_semaphore, #tpu.memory_space<semaphore_mem>>) {add = true}
        %ge3A_242 = arith.constant 2 : i32
        %ge3A_243 = arith.cmpi sge, %add3A_219, %ge3A_242 : i32
        %convert_element_type3A_244 = arith.extui %ge3A_243 : i1 to i32
        %cond3A_245 = arith.constant 0 : i32
        %cond3A_246 = arith.cmpi ne, %convert_element_type3A_244, %cond3A_245 : i32
        scf.if %cond3A_246 {
          %sub3A = arith.constant 2 : i32
          %sub3A_254 = arith.subi %add3A_219, %sub3A : i32
          %dma_wait3A_255 = arith.constant 1 : i32
          %dma_wait3A_256 = arith.constant 0 : i32
          %dma_wait3A_257 = arith.constant 0 : i32
          %dma_wait3A_258 = tpu.memref_slice %arg8[%dma_wait3A_255, %dma_wait3A_256, %dma_wait3A_257] : memref<4x128x64xf32, #tpu.memory_space<vmem>> -> memref<1x128x64xf32, #tpu.memory_space<vmem>>
          %dma_wait3A_259 = tpu.memref_squeeze %dma_wait3A_258 : memref<1x128x64xf32, #tpu.memory_space<vmem>> -> memref<128x64xf32, #tpu.memory_space<vmem>>
          %dma_wait3A_260 = arith.constant 0 : i32
          %dma_wait3A_261 = tpu.memref_slice %arg7[%sub3A_254, %dma_wait3A_260] : memref<40x128xi32, #tpu.memory_space<vmem>> -> memref<1x128xi32, #tpu.memory_space<vmem>>
          %dma_wait3A_262 = tpu.memref_squeeze %dma_wait3A_261 : memref<1x128xi32, #tpu.memory_space<vmem>> -> memref<128xi32, #tpu.memory_space<vmem>>
          %dma_wait3A_263 = arith.constant 0 : i32
          %dma_wait3A_264 = arith.constant 0 : i32
          %dma_wait3A_265 = tpu.memref_slice %arg10[%dma_wait3A_263, %dma_wait3A_264] : memref<10240x64xf32, #tpu.memory_space<vmem_shared>> -> memref<10240x64xf32, #tpu.memory_space<vmem_shared>>
          tpu.wait_indirect_dma semaphore(%arg12 : memref<!tpu.dma_semaphore, #tpu.memory_space<semaphore_mem>>) src(%dma_wait3A_259 : memref<128x64xf32, #tpu.memory_space<vmem>>) dst(%dma_wait3A_265 : memref<10240x64xf32, #tpu.memory_space<vmem_shared>>)
        } else {
        }
        %add3A_247 = arith.constant 2 : i32
        %add3A_248 = arith.addi %add3A_219, %add3A_247 : i32
        %lt3A_249 = arith.constant 40 : i32
        %lt3A_250 = arith.cmpi slt, %add3A_248, %lt3A_249 : i32
        %convert_element_type3A_251 = arith.extui %lt3A_250 : i1 to i32
        %cond3A_252 = arith.constant 0 : i32
        %cond3A_253 = arith.cmpi ne, %convert_element_type3A_251, %cond3A_252 : i32
        scf.if %cond3A_253 {
          %add3A_254 = arith.constant 2 : i32
          %add3A_255 = arith.addi %add3A_219, %add3A_254 : i32
          %dma_start3A_256 = arith.constant 1 : i32
          %dma_start3A_257 = arith.constant 0 : i32
          %dma_start3A_258 = arith.constant 0 : i32
          %dma_start3A_259 = tpu.memref_slice %arg8[%dma_start3A_256, %dma_start3A_257, %dma_start3A_258] : memref<4x128x64xf32, #tpu.memory_space<vmem>> -> memref<1x128x64xf32, #tpu.memory_space<vmem>>
          %dma_start3A_260 = tpu.memref_squeeze %dma_start3A_259 : memref<1x128x64xf32, #tpu.memory_space<vmem>> -> memref<128x64xf32, #tpu.memory_space<vmem>>
          %dma_start3A_261 = arith.constant 0 : i32
          %dma_start3A_262 = tpu.memref_slice %arg6[%add3A_255, %dma_start3A_261] : memref<40x128xi32, #tpu.memory_space<vmem>> -> memref<1x128xi32, #tpu.memory_space<vmem>>
          %dma_start3A_263 = tpu.memref_squeeze %dma_start3A_262 : memref<1x128xi32, #tpu.memory_space<vmem>> -> memref<128xi32, #tpu.memory_space<vmem>>
          %dma_start3A_264 = arith.constant 0 : i32
          %dma_start3A_265 = arith.constant 0 : i32
          %dma_start3A_266 = tpu.memref_slice %arg9[%dma_start3A_264, %dma_start3A_265] : memref<10240x64xf32, #tpu.memory_space<vmem_shared>> -> memref<10240x64xf32, #tpu.memory_space<vmem_shared>>
          tpu.enqueue_indirect_dma source(%dma_start3A_266 : memref<10240x64xf32, #tpu.memory_space<vmem_shared>>) target(%dma_start3A_260 : memref<128x64xf32, #tpu.memory_space<vmem>>) offsets(%dma_start3A_263 : memref<128xi32, #tpu.memory_space<vmem>>) semaphore(%arg11 : memref<!tpu.dma_semaphore, #tpu.memory_space<semaphore_mem>>)
        } else {
        }
      }
      %scan3A_84 = arith.constant 10 : i32
      %dma_wait3A_85 = arith.constant 2 : i32
      %dma_wait3A_86 = arith.constant 38 : i32
      %dma_wait3A_87 = arith.constant 0 : i32
      %dma_wait3A_88 = arith.constant 0 : i32
      %dma_wait3A_89 = tpu.memref_slice %arg8[%dma_wait3A_85, %dma_wait3A_87, %dma_wait3A_88] : memref<4x128x64xf32, #tpu.memory_space<vmem>> -> memref<1x128x64xf32, #tpu.memory_space<vmem>>
      %dma_wait3A_90 = tpu.memref_squeeze %dma_wait3A_89 : memref<1x128x64xf32, #tpu.memory_space<vmem>> -> memref<128x64xf32, #tpu.memory_space<vmem>>
      %dma_wait3A_91 = arith.constant 0 : i32
      %dma_wait3A_92 = tpu.memref_slice %arg7[%dma_wait3A_86, %dma_wait3A_91] : memref<40x128xi32, #tpu.memory_space<vmem>> -> memref<1x128xi32, #tpu.memory_space<vmem>>
      %dma_wait3A_93 = tpu.memref_squeeze %dma_wait3A_92 : memref<1x128xi32, #tpu.memory_space<vmem>> -> memref<128xi32, #tpu.memory_space<vmem>>
      %dma_wait3A_94 = arith.constant 0 : i32
      %dma_wait3A_95 = arith.constant 0 : i32
      %dma_wait3A_96 = tpu.memref_slice %arg10[%dma_wait3A_94, %dma_wait3A_95] : memref<10240x64xf32, #tpu.memory_space<vmem_shared>> -> memref<10240x64xf32, #tpu.memory_space<vmem_shared>>
      tpu.wait_indirect_dma semaphore(%arg12 : memref<!tpu.dma_semaphore, #tpu.memory_space<semaphore_mem>>) src(%dma_wait3A_90 : memref<128x64xf32, #tpu.memory_space<vmem>>) dst(%dma_wait3A_96 : memref<10240x64xf32, #tpu.memory_space<vmem_shared>>)
      %dma_wait3A_97 = arith.constant 3 : i32
      %dma_wait3A_98 = arith.constant 39 : i32
      %dma_wait3A_99 = arith.constant 0 : i32
      %dma_wait3A_100 = arith.constant 0 : i32
      %dma_wait3A_101 = tpu.memref_slice %arg8[%dma_wait3A_97, %dma_wait3A_99, %dma_wait3A_100] : memref<4x128x64xf32, #tpu.memory_space<vmem>> -> memref<1x128x64xf32, #tpu.memory_space<vmem>>
      %dma_wait3A_102 = tpu.memref_squeeze %dma_wait3A_101 : memref<1x128x64xf32, #tpu.memory_space<vmem>> -> memref<128x64xf32, #tpu.memory_space<vmem>>
      %dma_wait3A_103 = arith.constant 0 : i32
      %dma_wait3A_104 = tpu.memref_slice %arg7[%dma_wait3A_98, %dma_wait3A_103] : memref<40x128xi32, #tpu.memory_space<vmem>> -> memref<1x128xi32, #tpu.memory_space<vmem>>
      %dma_wait3A_105 = tpu.memref_squeeze %dma_wait3A_104 : memref<1x128xi32, #tpu.memory_space<vmem>> -> memref<128xi32, #tpu.memory_space<vmem>>
      %dma_wait3A_106 = arith.constant 0 : i32
      %dma_wait3A_107 = arith.constant 0 : i32
      %dma_wait3A_108 = tpu.memref_slice %arg10[%dma_wait3A_106, %dma_wait3A_107] : memref<10240x64xf32, #tpu.memory_space<vmem_shared>> -> memref<10240x64xf32, #tpu.memory_space<vmem_shared>>
      tpu.wait_indirect_dma semaphore(%arg12 : memref<!tpu.dma_semaphore, #tpu.memory_space<semaphore_mem>>) src(%dma_wait3A_102 : memref<128x64xf32, #tpu.memory_space<vmem>>) dst(%dma_wait3A_108 : memref<10240x64xf32, #tpu.memory_space<vmem_shared>>)
    }
    %scan3A_14 = arith.constant 4 : i32
    %barrier3A_15 = arith.constant 0 : index
    tpu.barrier barrier_id(%barrier3A_15)
    "tpu.region"() ({
      %run_scoped3A = tpu.sem_alloc : memref<!tpu.dma_semaphore, #tpu.memory_space<semaphore_mem>>
      %dma_start3A_16 = tpu.memref_slice %arg5[%mul3A_0, %mul3A_2] : memref<10240x128xf32, #tpu.memory_space<hbm>> -> memref<640x64xf32, #tpu.memory_space<hbm>>
      %dma_start3A_17 = arith.constant 0 : i32
      %dma_start3A_18 = tpu.memref_slice %arg10[%mul3A_0, %dma_start3A_17] : memref<10240x64xf32, #tpu.memory_space<vmem_shared>> -> memref<640x64xf32, #tpu.memory_space<vmem_shared>>
      tpu.enqueue_dma source(%dma_start3A_18 : memref<640x64xf32, #tpu.memory_space<vmem_shared>>) target(%dma_start3A_16 : memref<640x64xf32, #tpu.memory_space<hbm>>) target_semaphore(%run_scoped3A : memref<!tpu.dma_semaphore, #tpu.memory_space<semaphore_mem>>)
      %dma_wait3A_19 = tpu.memref_slice %arg5[%mul3A_0, %mul3A_2] : memref<10240x128xf32, #tpu.memory_space<hbm>> -> memref<640x64xf32, #tpu.memory_space<hbm>>
      %dma_wait3A_20 = arith.constant 0 : i32
      %dma_wait3A_21 = tpu.memref_slice %arg10[%mul3A_0, %dma_wait3A_20] : memref<10240x64xf32, #tpu.memory_space<vmem_shared>> -> memref<640x64xf32, #tpu.memory_space<vmem_shared>>
      tpu.wait_dma2 semaphore(%run_scoped3A : memref<!tpu.dma_semaphore, #tpu.memory_space<semaphore_mem>>) src(%dma_wait3A_21 : memref<640x64xf32, #tpu.memory_space<vmem_shared>>) dst(%dma_wait3A_19 : memref<640x64xf32, #tpu.memory_space<hbm>>)
      tpu.yield
    }) : () -> ()
    return
  }
}

#map = affine_map<(d0, d1) -> (0, 0, 0, 0)>
#map1 = affine_map<(d0, d1) -> (0, 0)>
#map2 = affine_map<(d0, d1) -> (0, 0, 0)>
module attributes {stable_mosaic.version = 14 : i64} {
  func.func @_sc_deg(%arg0: i32, %arg1: i32, %arg2: memref<2x32x80x128xi32, #tpu.memory_space<hbm>>, %arg3: memref<128x16xf32, #tpu.memory_space<hbm>>, %arg4: memref<640x16xf32, #tpu.memory_space<hbm>>, %arg5: memref<2x10240x128xf32, #tpu.memory_space<hbm>>, %arg6: memref<80x128xi32, #tpu.memory_space<vmem>>, %arg7: memref<128x16xf32, #tpu.memory_space<vmem>>, %arg8: memref<10240x16xf32, #tpu.memory_space<vmem_shared>>, %arg9: memref<!tpu.dma_semaphore, #tpu.memory_space<semaphore_mem>>) attributes {dimension_semantics = [#tpu.dimension_semantics<core_parallel>, #tpu.dimension_semantics<subcore_parallel>], iteration_bounds = array<i64: 2, 16>, scalar_prefetch = 0 : i64, scratch_operands = 4 : i64, tpu.core_type = #tpu.core_type<sc_vector_subcore>, window_params = [{transform_indices = #map}, {transform_indices = #map1}, {transform_indices = #map1}, {transform_indices = #map2}]} {
    %mul3A = arith.constant 16 : i32
    %mul3A_0 = arith.muli %arg0, %mul3A : i32
    %add3A = arith.addi %mul3A_0, %arg1 : i32
    %mul3A_1 = arith.constant 640 : i32
    %mul3A_2 = arith.muli %arg1, %mul3A_1 : i32
    "tpu.region"() ({
      %run_scoped3A_18 = tpu.sem_alloc : memref<!tpu.dma_semaphore, #tpu.memory_space<semaphore_mem>>
      %dma_start3A = arith.constant 0 : i32
      %dma_start3A_19 = tpu.memref_slice %arg8[%mul3A_2, %dma_start3A] : memref<10240x16xf32, #tpu.memory_space<vmem_shared>> -> memref<640x16xf32, #tpu.memory_space<vmem_shared>>
      tpu.enqueue_dma source(%arg4 : memref<640x16xf32, #tpu.memory_space<hbm>>) target(%dma_start3A_19 : memref<640x16xf32, #tpu.memory_space<vmem_shared>>) target_semaphore(%run_scoped3A_18 : memref<!tpu.dma_semaphore, #tpu.memory_space<semaphore_mem>>)
      %dma_wait3A_20 = arith.constant 0 : i32
      %dma_wait3A_21 = tpu.memref_slice %arg8[%mul3A_2, %dma_wait3A_20] : memref<10240x16xf32, #tpu.memory_space<vmem_shared>> -> memref<640x16xf32, #tpu.memory_space<vmem_shared>>
      tpu.wait_dma2 semaphore(%run_scoped3A_18 : memref<!tpu.dma_semaphore, #tpu.memory_space<semaphore_mem>>) src(%arg4 : memref<640x16xf32, #tpu.memory_space<hbm>>) dst(%dma_wait3A_21 : memref<640x16xf32, #tpu.memory_space<vmem_shared>>)
      tpu.yield
    }) : () -> ()
    "tpu.region"() ({
      %run_scoped3A_18 = tpu.sem_alloc : memref<!tpu.dma_semaphore, #tpu.memory_space<semaphore_mem>>
      tpu.enqueue_dma source(%arg3 : memref<128x16xf32, #tpu.memory_space<hbm>>) target(%arg7 : memref<128x16xf32, #tpu.memory_space<vmem>>) target_semaphore(%run_scoped3A_18 : memref<!tpu.dma_semaphore, #tpu.memory_space<semaphore_mem>>)
      tpu.wait_dma2 semaphore(%run_scoped3A_18 : memref<!tpu.dma_semaphore, #tpu.memory_space<semaphore_mem>>) src(%arg3 : memref<128x16xf32, #tpu.memory_space<hbm>>) dst(%arg7 : memref<128x16xf32, #tpu.memory_space<vmem>>)
      tpu.yield
    }) : () -> ()
    %run_scoped3A = arith.constant 1 : i32
    "tpu.region"() ({
      %run_scoped3A_18 = tpu.sem_alloc : memref<!tpu.dma_semaphore, #tpu.memory_space<semaphore_mem>>
      %dma_start3A = arith.constant 0 : i32
      %dma_start3A_19 = arith.constant 0 : i32
      %dma_start3A_20 = tpu.memref_slice %arg2[%run_scoped3A, %add3A, %dma_start3A, %dma_start3A_19] : memref<2x32x80x128xi32, #tpu.memory_space<hbm>> -> memref<1x1x80x128xi32, #tpu.memory_space<hbm>>
      %dma_start3A_21 = tpu.memref_squeeze %dma_start3A_20 : memref<1x1x80x128xi32, #tpu.memory_space<hbm>> -> memref<80x128xi32, #tpu.memory_space<hbm>>
      %dma_start3A_22 = arith.constant 0 : i32
      %dma_start3A_23 = arith.constant 0 : i32
      %dma_start3A_24 = tpu.memref_slice %arg2[%run_scoped3A, %add3A, %dma_start3A_22, %dma_start3A_23] : memref<2x32x80x128xi32, #tpu.memory_space<hbm>> -> memref<1x1x80x128xi32, #tpu.memory_space<hbm>>
      %dma_start3A_25 = tpu.memref_squeeze %dma_start3A_24 : memref<1x1x80x128xi32, #tpu.memory_space<hbm>> -> memref<80x128xi32, #tpu.memory_space<hbm>>
      tpu.enqueue_dma source(%dma_start3A_25 : memref<80x128xi32, #tpu.memory_space<hbm>>) target(%arg6 : memref<80x128xi32, #tpu.memory_space<vmem>>) target_semaphore(%run_scoped3A_18 : memref<!tpu.dma_semaphore, #tpu.memory_space<semaphore_mem>>)
      %dma_wait3A_26 = arith.constant 0 : i32
      %dma_wait3A_27 = arith.constant 0 : i32
      %dma_wait3A_28 = tpu.memref_slice %arg2[%run_scoped3A, %add3A, %dma_wait3A_26, %dma_wait3A_27] : memref<2x32x80x128xi32, #tpu.memory_space<hbm>> -> memref<1x1x80x128xi32, #tpu.memory_space<hbm>>
      %dma_wait3A_29 = tpu.memref_squeeze %dma_wait3A_28 : memref<1x1x80x128xi32, #tpu.memory_space<hbm>> -> memref<80x128xi32, #tpu.memory_space<hbm>>
      %dma_wait3A_30 = arith.constant 0 : i32
      %dma_wait3A_31 = arith.constant 0 : i32
      %dma_wait3A_32 = tpu.memref_slice %arg2[%run_scoped3A, %add3A, %dma_wait3A_30, %dma_wait3A_31] : memref<2x32x80x128xi32, #tpu.memory_space<hbm>> -> memref<1x1x80x128xi32, #tpu.memory_space<hbm>>
      %dma_wait3A_33 = tpu.memref_squeeze %dma_wait3A_32 : memref<1x1x80x128xi32, #tpu.memory_space<hbm>> -> memref<80x128xi32, #tpu.memory_space<hbm>>
      tpu.wait_dma2 semaphore(%run_scoped3A_18 : memref<!tpu.dma_semaphore, #tpu.memory_space<semaphore_mem>>) src(%dma_wait3A_33 : memref<80x128xi32, #tpu.memory_space<hbm>>) dst(%arg6 : memref<80x128xi32, #tpu.memory_space<vmem>>)
      tpu.yield
    }) : () -> ()
    %barrier3A = arith.constant 0 : index
    tpu.barrier barrier_id(%barrier3A)
    %scan3A = arith.constant 0 : i32
    %scan3A_3 = arith.constant 80 : i32
    %scan3A_4 = arith.addi %scan3A, %scan3A_3 : i32
    %scan3A_5 = arith.constant 1 : i32
    scf.for %scan3A_18 = %scan3A to %scan3A_4 step %scan3A_5  : i32 {
      %mul3A_19 = arith.constant 1 : i32
      %mul3A_20 = arith.muli %scan3A_18, %mul3A_19 : i32
      %add3A_21 = arith.constant 0 : i32
      %add3A_22 = arith.addi %add3A_21, %mul3A_20 : i32
      %dma_start3A = arith.constant 0 : i32
      %dma_start3A_23 = tpu.memref_slice %arg6[%add3A_22, %dma_start3A] : memref<80x128xi32, #tpu.memory_space<vmem>> -> memref<1x128xi32, #tpu.memory_space<vmem>>
      %dma_start3A_24 = tpu.memref_squeeze %dma_start3A_23 : memref<1x128xi32, #tpu.memory_space<vmem>> -> memref<128xi32, #tpu.memory_space<vmem>>
      %dma_start3A_25 = arith.constant 0 : i32
      %dma_start3A_26 = arith.constant 0 : i32
      %dma_start3A_27 = tpu.memref_slice %arg8[%dma_start3A_25, %dma_start3A_26] : memref<10240x16xf32, #tpu.memory_space<vmem_shared>> -> memref<10240x16xf32, #tpu.memory_space<vmem_shared>>
      tpu.enqueue_indirect_dma source(%arg7 : memref<128x16xf32, #tpu.memory_space<vmem>>) target(%dma_start3A_27 : memref<10240x16xf32, #tpu.memory_space<vmem_shared>>) offsets(%dma_start3A_24 : memref<128xi32, #tpu.memory_space<vmem>>) semaphore(%arg9 : memref<!tpu.dma_semaphore, #tpu.memory_space<semaphore_mem>>) {add = true}
      %ge3A = arith.constant 1 : i32
      %ge3A_28 = arith.cmpi sge, %add3A_22, %ge3A : i32
      %convert_element_type3A = arith.extui %ge3A_28 : i1 to i32
      %cond3A = arith.constant 0 : i32
      %cond3A_29 = arith.cmpi ne, %convert_element_type3A, %cond3A : i32
      scf.if %cond3A_29 {
        %sub3A = arith.constant 1 : i32
        %sub3A_30 = arith.subi %add3A_22, %sub3A : i32
        %dma_wait3A_31 = arith.constant 0 : i32
        %dma_wait3A_32 = tpu.memref_slice %arg6[%sub3A_30, %dma_wait3A_31] : memref<80x128xi32, #tpu.memory_space<vmem>> -> memref<1x128xi32, #tpu.memory_space<vmem>>
        %dma_wait3A_33 = tpu.memref_squeeze %dma_wait3A_32 : memref<1x128xi32, #tpu.memory_space<vmem>> -> memref<128xi32, #tpu.memory_space<vmem>>
        %dma_wait3A_34 = arith.constant 0 : i32
        %dma_wait3A_35 = arith.constant 0 : i32
        %dma_wait3A_36 = tpu.memref_slice %arg8[%dma_wait3A_34, %dma_wait3A_35] : memref<10240x16xf32, #tpu.memory_space<vmem_shared>> -> memref<10240x16xf32, #tpu.memory_space<vmem_shared>>
        tpu.wait_indirect_dma semaphore(%arg9 : memref<!tpu.dma_semaphore, #tpu.memory_space<semaphore_mem>>) src(%arg7 : memref<128x16xf32, #tpu.memory_space<vmem>>) dst(%dma_wait3A_36 : memref<10240x16xf32, #tpu.memory_space<vmem_shared>>)
      } else {
      }
    }
    %scan3A_6 = arith.constant 80 : i32
    %dma_wait3A = arith.constant 79 : i32
    %dma_wait3A_7 = arith.constant 0 : i32
    %dma_wait3A_8 = tpu.memref_slice %arg6[%dma_wait3A, %dma_wait3A_7] : memref<80x128xi32, #tpu.memory_space<vmem>> -> memref<1x128xi32, #tpu.memory_space<vmem>>
    %dma_wait3A_9 = tpu.memref_squeeze %dma_wait3A_8 : memref<1x128xi32, #tpu.memory_space<vmem>> -> memref<128xi32, #tpu.memory_space<vmem>>
    %dma_wait3A_10 = arith.constant 0 : i32
    %dma_wait3A_11 = arith.constant 0 : i32
    %dma_wait3A_12 = tpu.memref_slice %arg8[%dma_wait3A_10, %dma_wait3A_11] : memref<10240x16xf32, #tpu.memory_space<vmem_shared>> -> memref<10240x16xf32, #tpu.memory_space<vmem_shared>>
    tpu.wait_indirect_dma semaphore(%arg9 : memref<!tpu.dma_semaphore, #tpu.memory_space<semaphore_mem>>) src(%arg7 : memref<128x16xf32, #tpu.memory_space<vmem>>) dst(%dma_wait3A_12 : memref<10240x16xf32, #tpu.memory_space<vmem_shared>>)
    %barrier3A_13 = arith.constant 0 : index
    tpu.barrier barrier_id(%barrier3A_13)
    %mul3A_14 = arith.constant 640 : i32
    %mul3A_15 = arith.muli %arg1, %mul3A_14 : i32
    %mul3A_16 = arith.constant 640 : i32
    %mul3A_17 = arith.muli %arg1, %mul3A_16 : i32
    "tpu.region"() ({
      %run_scoped3A_18 = tpu.sem_alloc : memref<!tpu.dma_semaphore, #tpu.memory_space<semaphore_mem>>
      %dma_start3A = arith.constant 0 : i32
      %dma_start3A_19 = tpu.memref_slice %arg5[%arg0, %mul3A_17, %dma_start3A] : memref<2x10240x128xf32, #tpu.memory_space<hbm>> -> memref<1x640x16xf32, #tpu.memory_space<hbm>>
      %dma_start3A_20 = tpu.memref_squeeze %dma_start3A_19 : memref<1x640x16xf32, #tpu.memory_space<hbm>> -> memref<640x16xf32, #tpu.memory_space<hbm>>
      %dma_start3A_21 = arith.constant 0 : i32
      %dma_start3A_22 = tpu.memref_slice %arg8[%mul3A_15, %dma_start3A_21] : memref<10240x16xf32, #tpu.memory_space<vmem_shared>> -> memref<640x16xf32, #tpu.memory_space<vmem_shared>>
      tpu.enqueue_dma source(%dma_start3A_22 : memref<640x16xf32, #tpu.memory_space<vmem_shared>>) target(%dma_start3A_20 : memref<640x16xf32, #tpu.memory_space<hbm>>) target_semaphore(%run_scoped3A_18 : memref<!tpu.dma_semaphore, #tpu.memory_space<semaphore_mem>>)
      %dma_wait3A_23 = arith.constant 0 : i32
      %dma_wait3A_24 = tpu.memref_slice %arg5[%arg0, %mul3A_17, %dma_wait3A_23] : memref<2x10240x128xf32, #tpu.memory_space<hbm>> -> memref<1x640x16xf32, #tpu.memory_space<hbm>>
      %dma_wait3A_25 = tpu.memref_squeeze %dma_wait3A_24 : memref<1x640x16xf32, #tpu.memory_space<hbm>> -> memref<640x16xf32, #tpu.memory_space<hbm>>
      %dma_wait3A_26 = arith.constant 0 : i32
      %dma_wait3A_27 = tpu.memref_slice %arg8[%mul3A_15, %dma_wait3A_26] : memref<10240x16xf32, #tpu.memory_space<vmem_shared>> -> memref<640x16xf32, #tpu.memory_space<vmem_shared>>
      tpu.wait_dma2 semaphore(%run_scoped3A_18 : memref<!tpu.dma_semaphore, #tpu.memory_space<semaphore_mem>>) src(%dma_wait3A_27 : memref<640x16xf32, #tpu.memory_space<vmem_shared>>) dst(%dma_wait3A_25 : memref<640x16xf32, #tpu.memory_space<hbm>>)
      tpu.yield
    }) : () -> ()
    return
  }
}

#map = affine_map<(d0, d1) -> (0, 0)>
#map1 = affine_map<(d0, d1) -> (0, 0, 0, 0, 0)>
module attributes {stable_mosaic.version = 14 : i64} {
  func.func @_sc_agg128(%arg0: i32, %arg1: i32, %arg2: memref<10240x128xf32, #tpu.memory_space<hbm>>, %arg3: memref<2x16x4x40x128xi32, #tpu.memory_space<hbm>>, %arg4: memref<640x64xf32, #tpu.memory_space<hbm>>, %arg5: memref<10240x128xf32, #tpu.memory_space<hbm>>, %arg6: memref<40x128xi32, #tpu.memory_space<vmem>>, %arg7: memref<40x128xi32, #tpu.memory_space<vmem>>, %arg8: memref<4x128x64xf32, #tpu.memory_space<vmem>>, %arg9: memref<10240x64xf32, #tpu.memory_space<vmem_shared>>, %arg10: memref<10240x64xf32, #tpu.memory_space<vmem_shared>>, %arg11: memref<!tpu.dma_semaphore, #tpu.memory_space<semaphore_mem>>, %arg12: memref<!tpu.dma_semaphore, #tpu.memory_space<semaphore_mem>>) attributes {dimension_semantics = [#tpu.dimension_semantics<core_parallel>, #tpu.dimension_semantics<subcore_parallel>], iteration_bounds = array<i64: 2, 16>, scalar_prefetch = 0 : i64, scratch_operands = 7 : i64, tpu.core_type = #tpu.core_type<sc_vector_subcore>, window_params = [{transform_indices = #map}, {transform_indices = #map1}, {transform_indices = #map}, {transform_indices = #map}]} {
    %mul3A = arith.constant 640 : i32
    %mul3A_0 = arith.muli %arg1, %mul3A : i32
    %mul3A_1 = arith.constant 64 : i32
    %mul3A_2 = arith.muli %arg0, %mul3A_1 : i32
    %dma_start3A = arith.constant 0 : i32
    %dma_start3A_3 = tpu.memref_slice %arg9[%mul3A_0, %dma_start3A] : memref<10240x64xf32, #tpu.memory_space<vmem_shared>> -> memref<640x64xf32, #tpu.memory_space<vmem_shared>>
    %dma_start3A_4 = tpu.memref_slice %arg2[%mul3A_0, %mul3A_2] : memref<10240x128xf32, #tpu.memory_space<hbm>> -> memref<640x64xf32, #tpu.memory_space<hbm>>
    tpu.enqueue_dma source(%dma_start3A_4 : memref<640x64xf32, #tpu.memory_space<hbm>>) target(%dma_start3A_3 : memref<640x64xf32, #tpu.memory_space<vmem_shared>>) target_semaphore(%arg11 : memref<!tpu.dma_semaphore, #tpu.memory_space<semaphore_mem>>)
    %dma_start3A_5 = arith.constant 0 : i32
    %dma_start3A_6 = tpu.memref_slice %arg10[%mul3A_0, %dma_start3A_5] : memref<10240x64xf32, #tpu.memory_space<vmem_shared>> -> memref<640x64xf32, #tpu.memory_space<vmem_shared>>
    tpu.enqueue_dma source(%arg4 : memref<640x64xf32, #tpu.memory_space<hbm>>) target(%dma_start3A_6 : memref<640x64xf32, #tpu.memory_space<vmem_shared>>) target_semaphore(%arg11 : memref<!tpu.dma_semaphore, #tpu.memory_space<semaphore_mem>>)
    %dma_wait3A = arith.constant 0 : i32
    %dma_wait3A_7 = tpu.memref_slice %arg9[%mul3A_0, %dma_wait3A] : memref<10240x64xf32, #tpu.memory_space<vmem_shared>> -> memref<640x64xf32, #tpu.memory_space<vmem_shared>>
    %dma_wait3A_8 = tpu.memref_slice %arg2[%mul3A_0, %mul3A_2] : memref<10240x128xf32, #tpu.memory_space<hbm>> -> memref<640x64xf32, #tpu.memory_space<hbm>>
    tpu.wait_dma2 semaphore(%arg11 : memref<!tpu.dma_semaphore, #tpu.memory_space<semaphore_mem>>) src(%dma_wait3A_8 : memref<640x64xf32, #tpu.memory_space<hbm>>) dst(%dma_wait3A_7 : memref<640x64xf32, #tpu.memory_space<vmem_shared>>)
    %dma_wait3A_9 = arith.constant 0 : i32
    %dma_wait3A_10 = tpu.memref_slice %arg10[%mul3A_0, %dma_wait3A_9] : memref<10240x64xf32, #tpu.memory_space<vmem_shared>> -> memref<640x64xf32, #tpu.memory_space<vmem_shared>>
    tpu.wait_dma2 semaphore(%arg11 : memref<!tpu.dma_semaphore, #tpu.memory_space<semaphore_mem>>) src(%arg4 : memref<640x64xf32, #tpu.memory_space<hbm>>) dst(%dma_wait3A_10 : memref<640x64xf32, #tpu.memory_space<vmem_shared>>)
    %barrier3A = arith.constant 0 : index
    tpu.barrier barrier_id(%barrier3A)
    %scan3A = arith.constant 0 : i32
    %scan3A_11 = arith.constant 4 : i32
    %scan3A_12 = arith.addi %scan3A, %scan3A_11 : i32
    %scan3A_13 = arith.constant 1 : i32
    scf.for %scan3A_16 = %scan3A to %scan3A_12 step %scan3A_13  : i32 {
      %mul3A_17 = arith.constant 1 : i32
      %mul3A_18 = arith.muli %scan3A_16, %mul3A_17 : i32
      %add3A = arith.constant 0 : i32
      %add3A_19 = arith.addi %add3A, %mul3A_18 : i32
      %dma_start3A_20 = arith.constant 0 : i32
      %dma_start3A_21 = arith.constant 0 : i32
      %dma_start3A_22 = arith.constant 0 : i32
      %dma_start3A_23 = tpu.memref_slice %arg3[%dma_start3A_20, %arg1, %add3A_19, %dma_start3A_21, %dma_start3A_22] : memref<2x16x4x40x128xi32, #tpu.memory_space<hbm>> -> memref<1x1x1x40x128xi32, #tpu.memory_space<hbm>>
      %dma_start3A_24 = tpu.memref_squeeze %dma_start3A_23 : memref<1x1x1x40x128xi32, #tpu.memory_space<hbm>> -> memref<40x128xi32, #tpu.memory_space<hbm>>
      %dma_start3A_25 = arith.constant 0 : i32
      %dma_start3A_26 = arith.constant 0 : i32
      %dma_start3A_27 = tpu.memref_slice %arg3[%dma_start3A_20, %arg1, %add3A_19, %dma_start3A_25, %dma_start3A_26] : memref<2x16x4x40x128xi32, #tpu.memory_space<hbm>> -> memref<1x1x1x40x128xi32, #tpu.memory_space<hbm>>
      %dma_start3A_28 = tpu.memref_squeeze %dma_start3A_27 : memref<1x1x1x40x128xi32, #tpu.memory_space<hbm>> -> memref<40x128xi32, #tpu.memory_space<hbm>>
      tpu.enqueue_dma source(%dma_start3A_28 : memref<40x128xi32, #tpu.memory_space<hbm>>) target(%arg6 : memref<40x128xi32, #tpu.memory_space<vmem>>) target_semaphore(%arg11 : memref<!tpu.dma_semaphore, #tpu.memory_space<semaphore_mem>>)
      %dma_start3A_29 = arith.constant 1 : i32
      %dma_start3A_30 = arith.constant 0 : i32
      %dma_start3A_31 = arith.constant 0 : i32
      %dma_start3A_32 = tpu.memref_slice %arg3[%dma_start3A_29, %arg1, %add3A_19, %dma_start3A_30, %dma_start3A_31] : memref<2x16x4x40x128xi32, #tpu.memory_space<hbm>> -> memref<1x1x1x40x128xi32, #tpu.memory_space<hbm>>
      %dma_start3A_33 = tpu.memref_squeeze %dma_start3A_32 : memref<1x1x1x40x128xi32, #tpu.memory_space<hbm>> -> memref<40x128xi32, #tpu.memory_space<hbm>>
      %dma_start3A_34 = arith.constant 0 : i32
      %dma_start3A_35 = arith.constant 0 : i32
      %dma_start3A_36 = tpu.memref_slice %arg3[%dma_start3A_29, %arg1, %add3A_19, %dma_start3A_34, %dma_start3A_35] : memref<2x16x4x40x128xi32, #tpu.memory_space<hbm>> -> memref<1x1x1x40x128xi32, #tpu.memory_space<hbm>>
      %dma_start3A_37 = tpu.memref_squeeze %dma_start3A_36 : memref<1x1x1x40x128xi32, #tpu.memory_space<hbm>> -> memref<40x128xi32, #tpu.memory_space<hbm>>
      tpu.enqueue_dma source(%dma_start3A_37 : memref<40x128xi32, #tpu.memory_space<hbm>>) target(%arg7 : memref<40x128xi32, #tpu.memory_space<vmem>>) target_semaphore(%arg11 : memref<!tpu.dma_semaphore, #tpu.memory_space<semaphore_mem>>)
      %dma_wait3A_38 = arith.constant 0 : i32
      %dma_wait3A_39 = arith.constant 0 : i32
      %dma_wait3A_40 = arith.constant 0 : i32
      %dma_wait3A_41 = tpu.memref_slice %arg3[%dma_wait3A_38, %arg1, %add3A_19, %dma_wait3A_39, %dma_wait3A_40] : memref<2x16x4x40x128xi32, #tpu.memory_space<hbm>> -> memref<1x1x1x40x128xi32, #tpu.memory_space<hbm>>
      %dma_wait3A_42 = tpu.memref_squeeze %dma_wait3A_41 : memref<1x1x1x40x128xi32, #tpu.memory_space<hbm>> -> memref<40x128xi32, #tpu.memory_space<hbm>>
      %dma_wait3A_43 = arith.constant 0 : i32
      %dma_wait3A_44 = arith.constant 0 : i32
      %dma_wait3A_45 = tpu.memref_slice %arg3[%dma_wait3A_38, %arg1, %add3A_19, %dma_wait3A_43, %dma_wait3A_44] : memref<2x16x4x40x128xi32, #tpu.memory_space<hbm>> -> memref<1x1x1x40x128xi32, #tpu.memory_space<hbm>>
      %dma_wait3A_46 = tpu.memref_squeeze %dma_wait3A_45 : memref<1x1x1x40x128xi32, #tpu.memory_space<hbm>> -> memref<40x128xi32, #tpu.memory_space<hbm>>
      tpu.wait_dma2 semaphore(%arg11 : memref<!tpu.dma_semaphore, #tpu.memory_space<semaphore_mem>>) src(%dma_wait3A_46 : memref<40x128xi32, #tpu.memory_space<hbm>>) dst(%arg6 : memref<40x128xi32, #tpu.memory_space<vmem>>)
      %dma_wait3A_47 = arith.constant 1 : i32
      %dma_wait3A_48 = arith.constant 0 : i32
      %dma_wait3A_49 = arith.constant 0 : i32
      %dma_wait3A_50 = tpu.memref_slice %arg3[%dma_wait3A_47, %arg1, %add3A_19, %dma_wait3A_48, %dma_wait3A_49] : memref<2x16x4x40x128xi32, #tpu.memory_space<hbm>> -> memref<1x1x1x40x128xi32, #tpu.memory_space<hbm>>
      %dma_wait3A_51 = tpu.memref_squeeze %dma_wait3A_50 : memref<1x1x1x40x128xi32, #tpu.memory_space<hbm>> -> memref<40x128xi32, #tpu.memory_space<hbm>>
      %dma_wait3A_52 = arith.constant 0 : i32
      %dma_wait3A_53 = arith.constant 0 : i32
      %dma_wait3A_54 = tpu.memref_slice %arg3[%dma_wait3A_47, %arg1, %add3A_19, %dma_wait3A_52, %dma_wait3A_53] : memref<2x16x4x40x128xi32, #tpu.memory_space<hbm>> -> memref<1x1x1x40x128xi32, #tpu.memory_space<hbm>>
      %dma_wait3A_55 = tpu.memref_squeeze %dma_wait3A_54 : memref<1x1x1x40x128xi32, #tpu.memory_space<hbm>> -> memref<40x128xi32, #tpu.memory_space<hbm>>
      tpu.wait_dma2 semaphore(%arg11 : memref<!tpu.dma_semaphore, #tpu.memory_space<semaphore_mem>>) src(%dma_wait3A_55 : memref<40x128xi32, #tpu.memory_space<hbm>>) dst(%arg7 : memref<40x128xi32, #tpu.memory_space<vmem>>)
      %dma_start3A_56 = arith.constant 0 : i32
      %dma_start3A_57 = arith.constant 0 : i32
      %dma_start3A_58 = arith.constant 0 : i32
      %dma_start3A_59 = arith.constant 0 : i32
      %dma_start3A_60 = tpu.memref_slice %arg8[%dma_start3A_57, %dma_start3A_58, %dma_start3A_59] : memref<4x128x64xf32, #tpu.memory_space<vmem>> -> memref<1x128x64xf32, #tpu.memory_space<vmem>>
      %dma_start3A_61 = tpu.memref_squeeze %dma_start3A_60 : memref<1x128x64xf32, #tpu.memory_space<vmem>> -> memref<128x64xf32, #tpu.memory_space<vmem>>
      %dma_start3A_62 = arith.constant 0 : i32
      %dma_start3A_63 = tpu.memref_slice %arg6[%dma_start3A_56, %dma_start3A_62] : memref<40x128xi32, #tpu.memory_space<vmem>> -> memref<1x128xi32, #tpu.memory_space<vmem>>
      %dma_start3A_64 = tpu.memref_squeeze %dma_start3A_63 : memref<1x128xi32, #tpu.memory_space<vmem>> -> memref<128xi32, #tpu.memory_space<vmem>>
      %dma_start3A_65 = arith.constant 0 : i32
      %dma_start3A_66 = arith.constant 0 : i32
      %dma_start3A_67 = tpu.memref_slice %arg9[%dma_start3A_65, %dma_start3A_66] : memref<10240x64xf32, #tpu.memory_space<vmem_shared>> -> memref<10240x64xf32, #tpu.memory_space<vmem_shared>>
      tpu.enqueue_indirect_dma source(%dma_start3A_67 : memref<10240x64xf32, #tpu.memory_space<vmem_shared>>) target(%dma_start3A_61 : memref<128x64xf32, #tpu.memory_space<vmem>>) offsets(%dma_start3A_64 : memref<128xi32, #tpu.memory_space<vmem>>) semaphore(%arg11 : memref<!tpu.dma_semaphore, #tpu.memory_space<semaphore_mem>>)
      %dma_start3A_68 = arith.constant 1 : i32
      %dma_start3A_69 = arith.constant 1 : i32
      %dma_start3A_70 = arith.constant 0 : i32
      %dma_start3A_71 = arith.constant 0 : i32
      %dma_start3A_72 = tpu.memref_slice %arg8[%dma_start3A_69, %dma_start3A_70, %dma_start3A_71] : memref<4x128x64xf32, #tpu.memory_space<vmem>> -> memref<1x128x64xf32, #tpu.memory_space<vmem>>
      %dma_start3A_73 = tpu.memref_squeeze %dma_start3A_72 : memref<1x128x64xf32, #tpu.memory_space<vmem>> -> memref<128x64xf32, #tpu.memory_space<vmem>>
      %dma_start3A_74 = arith.constant 0 : i32
      %dma_start3A_75 = tpu.memref_slice %arg6[%dma_start3A_68, %dma_start3A_74] : memref<40x128xi32, #tpu.memory_space<vmem>> -> memref<1x128xi32, #tpu.memory_space<vmem>>
      %dma_start3A_76 = tpu.memref_squeeze %dma_start3A_75 : memref<1x128xi32, #tpu.memory_space<vmem>> -> memref<128xi32, #tpu.memory_space<vmem>>
      %dma_start3A_77 = arith.constant 0 : i32
      %dma_start3A_78 = arith.constant 0 : i32
      %dma_start3A_79 = tpu.memref_slice %arg9[%dma_start3A_77, %dma_start3A_78] : memref<10240x64xf32, #tpu.memory_space<vmem_shared>> -> memref<10240x64xf32, #tpu.memory_space<vmem_shared>>
      tpu.enqueue_indirect_dma source(%dma_start3A_79 : memref<10240x64xf32, #tpu.memory_space<vmem_shared>>) target(%dma_start3A_73 : memref<128x64xf32, #tpu.memory_space<vmem>>) offsets(%dma_start3A_76 : memref<128xi32, #tpu.memory_space<vmem>>) semaphore(%arg11 : memref<!tpu.dma_semaphore, #tpu.memory_space<semaphore_mem>>)
      %scan3A_80 = arith.constant 0 : i32
      %scan3A_81 = arith.constant 10 : i32
      %scan3A_82 = arith.addi %scan3A_80, %scan3A_81 : i32
      %scan3A_83 = arith.constant 1 : i32
      scf.for %scan3A_109 = %scan3A_80 to %scan3A_82 step %scan3A_83  : i32 {
        %mul3A_110 = arith.constant 4 : i32
        %mul3A_111 = arith.muli %scan3A_109, %mul3A_110 : i32
        %add3A_112 = arith.constant 0 : i32
        %add3A_113 = arith.addi %add3A_112, %mul3A_111 : i32
        %add3A_114 = arith.constant 0 : i32
        %add3A_115 = arith.addi %add3A_113, %add3A_114 : i32
        %dma_wait3A_116 = arith.constant 0 : i32
        %dma_wait3A_117 = arith.constant 0 : i32
        %dma_wait3A_118 = arith.constant 0 : i32
        %dma_wait3A_119 = tpu.memref_slice %arg8[%dma_wait3A_116, %dma_wait3A_117, %dma_wait3A_118] : memref<4x128x64xf32, #tpu.memory_space<vmem>> -> memref<1x128x64xf32, #tpu.memory_space<vmem>>
        %dma_wait3A_120 = tpu.memref_squeeze %dma_wait3A_119 : memref<1x128x64xf32, #tpu.memory_space<vmem>> -> memref<128x64xf32, #tpu.memory_space<vmem>>
        %dma_wait3A_121 = arith.constant 0 : i32
        %dma_wait3A_122 = tpu.memref_slice %arg6[%add3A_115, %dma_wait3A_121] : memref<40x128xi32, #tpu.memory_space<vmem>> -> memref<1x128xi32, #tpu.memory_space<vmem>>
        %dma_wait3A_123 = tpu.memref_squeeze %dma_wait3A_122 : memref<1x128xi32, #tpu.memory_space<vmem>> -> memref<128xi32, #tpu.memory_space<vmem>>
        %dma_wait3A_124 = arith.constant 0 : i32
        %dma_wait3A_125 = arith.constant 0 : i32
        %dma_wait3A_126 = tpu.memref_slice %arg9[%dma_wait3A_124, %dma_wait3A_125] : memref<10240x64xf32, #tpu.memory_space<vmem_shared>> -> memref<10240x64xf32, #tpu.memory_space<vmem_shared>>
        tpu.wait_indirect_dma semaphore(%arg11 : memref<!tpu.dma_semaphore, #tpu.memory_space<semaphore_mem>>) src(%dma_wait3A_126 : memref<10240x64xf32, #tpu.memory_space<vmem_shared>>) dst(%dma_wait3A_120 : memref<128x64xf32, #tpu.memory_space<vmem>>)
        %dma_start3A_127 = arith.constant 0 : i32
        %dma_start3A_128 = arith.constant 0 : i32
        %dma_start3A_129 = arith.constant 0 : i32
        %dma_start3A_130 = tpu.memref_slice %arg8[%dma_start3A_127, %dma_start3A_128, %dma_start3A_129] : memref<4x128x64xf32, #tpu.memory_space<vmem>> -> memref<1x128x64xf32, #tpu.memory_space<vmem>>
        %dma_start3A_131 = tpu.memref_squeeze %dma_start3A_130 : memref<1x128x64xf32, #tpu.memory_space<vmem>> -> memref<128x64xf32, #tpu.memory_space<vmem>>
        %dma_start3A_132 = arith.constant 0 : i32
        %dma_start3A_133 = tpu.memref_slice %arg7[%add3A_115, %dma_start3A_132] : memref<40x128xi32, #tpu.memory_space<vmem>> -> memref<1x128xi32, #tpu.memory_space<vmem>>
        %dma_start3A_134 = tpu.memref_squeeze %dma_start3A_133 : memref<1x128xi32, #tpu.memory_space<vmem>> -> memref<128xi32, #tpu.memory_space<vmem>>
        %dma_start3A_135 = arith.constant 0 : i32
        %dma_start3A_136 = arith.constant 0 : i32
        %dma_start3A_137 = tpu.memref_slice %arg10[%dma_start3A_135, %dma_start3A_136] : memref<10240x64xf32, #tpu.memory_space<vmem_shared>> -> memref<10240x64xf32, #tpu.memory_space<vmem_shared>>
        tpu.enqueue_indirect_dma source(%dma_start3A_131 : memref<128x64xf32, #tpu.memory_space<vmem>>) target(%dma_start3A_137 : memref<10240x64xf32, #tpu.memory_space<vmem_shared>>) offsets(%dma_start3A_134 : memref<128xi32, #tpu.memory_space<vmem>>) semaphore(%arg12 : memref<!tpu.dma_semaphore, #tpu.memory_space<semaphore_mem>>) {add = true}
        %ge3A = arith.constant 2 : i32
        %ge3A_138 = arith.cmpi sge, %add3A_115, %ge3A : i32
        %convert_element_type3A = arith.extui %ge3A_138 : i1 to i32
        %cond3A = arith.constant 0 : i32
        %cond3A_139 = arith.cmpi ne, %convert_element_type3A, %cond3A : i32
        scf.if %cond3A_139 {
          %sub3A = arith.constant 2 : i32
          %sub3A_254 = arith.subi %add3A_115, %sub3A : i32
          %dma_wait3A_255 = arith.constant 2 : i32
          %dma_wait3A_256 = arith.constant 0 : i32
          %dma_wait3A_257 = arith.constant 0 : i32
          %dma_wait3A_258 = tpu.memref_slice %arg8[%dma_wait3A_255, %dma_wait3A_256, %dma_wait3A_257] : memref<4x128x64xf32, #tpu.memory_space<vmem>> -> memref<1x128x64xf32, #tpu.memory_space<vmem>>
          %dma_wait3A_259 = tpu.memref_squeeze %dma_wait3A_258 : memref<1x128x64xf32, #tpu.memory_space<vmem>> -> memref<128x64xf32, #tpu.memory_space<vmem>>
          %dma_wait3A_260 = arith.constant 0 : i32
          %dma_wait3A_261 = tpu.memref_slice %arg7[%sub3A_254, %dma_wait3A_260] : memref<40x128xi32, #tpu.memory_space<vmem>> -> memref<1x128xi32, #tpu.memory_space<vmem>>
          %dma_wait3A_262 = tpu.memref_squeeze %dma_wait3A_261 : memref<1x128xi32, #tpu.memory_space<vmem>> -> memref<128xi32, #tpu.memory_space<vmem>>
          %dma_wait3A_263 = arith.constant 0 : i32
          %dma_wait3A_264 = arith.constant 0 : i32
          %dma_wait3A_265 = tpu.memref_slice %arg10[%dma_wait3A_263, %dma_wait3A_264] : memref<10240x64xf32, #tpu.memory_space<vmem_shared>> -> memref<10240x64xf32, #tpu.memory_space<vmem_shared>>
          tpu.wait_indirect_dma semaphore(%arg12 : memref<!tpu.dma_semaphore, #tpu.memory_space<semaphore_mem>>) src(%dma_wait3A_259 : memref<128x64xf32, #tpu.memory_space<vmem>>) dst(%dma_wait3A_265 : memref<10240x64xf32, #tpu.memory_space<vmem_shared>>)
        } else {
        }
        %add3A_140 = arith.constant 2 : i32
        %add3A_141 = arith.addi %add3A_115, %add3A_140 : i32
        %lt3A = arith.constant 40 : i32
        %lt3A_142 = arith.cmpi slt, %add3A_141, %lt3A : i32
        %convert_element_type3A_143 = arith.extui %lt3A_142 : i1 to i32
        %cond3A_144 = arith.constant 0 : i32
        %cond3A_145 = arith.cmpi ne, %convert_element_type3A_143, %cond3A_144 : i32
        scf.if %cond3A_145 {
          %add3A_254 = arith.constant 2 : i32
          %add3A_255 = arith.addi %add3A_115, %add3A_254 : i32
          %dma_start3A_256 = arith.constant 2 : i32
          %dma_start3A_257 = arith.constant 0 : i32
          %dma_start3A_258 = arith.constant 0 : i32
          %dma_start3A_259 = tpu.memref_slice %arg8[%dma_start3A_256, %dma_start3A_257, %dma_start3A_258] : memref<4x128x64xf32, #tpu.memory_space<vmem>> -> memref<1x128x64xf32, #tpu.memory_space<vmem>>
          %dma_start3A_260 = tpu.memref_squeeze %dma_start3A_259 : memref<1x128x64xf32, #tpu.memory_space<vmem>> -> memref<128x64xf32, #tpu.memory_space<vmem>>
          %dma_start3A_261 = arith.constant 0 : i32
          %dma_start3A_262 = tpu.memref_slice %arg6[%add3A_255, %dma_start3A_261] : memref<40x128xi32, #tpu.memory_space<vmem>> -> memref<1x128xi32, #tpu.memory_space<vmem>>
          %dma_start3A_263 = tpu.memref_squeeze %dma_start3A_262 : memref<1x128xi32, #tpu.memory_space<vmem>> -> memref<128xi32, #tpu.memory_space<vmem>>
          %dma_start3A_264 = arith.constant 0 : i32
          %dma_start3A_265 = arith.constant 0 : i32
          %dma_start3A_266 = tpu.memref_slice %arg9[%dma_start3A_264, %dma_start3A_265] : memref<10240x64xf32, #tpu.memory_space<vmem_shared>> -> memref<10240x64xf32, #tpu.memory_space<vmem_shared>>
          tpu.enqueue_indirect_dma source(%dma_start3A_266 : memref<10240x64xf32, #tpu.memory_space<vmem_shared>>) target(%dma_start3A_260 : memref<128x64xf32, #tpu.memory_space<vmem>>) offsets(%dma_start3A_263 : memref<128xi32, #tpu.memory_space<vmem>>) semaphore(%arg11 : memref<!tpu.dma_semaphore, #tpu.memory_space<semaphore_mem>>)
        } else {
        }
        %add3A_146 = arith.constant 1 : i32
        %add3A_147 = arith.addi %add3A_113, %add3A_146 : i32
        %dma_wait3A_148 = arith.constant 1 : i32
        %dma_wait3A_149 = arith.constant 0 : i32
        %dma_wait3A_150 = arith.constant 0 : i32
        %dma_wait3A_151 = tpu.memref_slice %arg8[%dma_wait3A_148, %dma_wait3A_149, %dma_wait3A_150] : memref<4x128x64xf32, #tpu.memory_space<vmem>> -> memref<1x128x64xf32, #tpu.memory_space<vmem>>
        %dma_wait3A_152 = tpu.memref_squeeze %dma_wait3A_151 : memref<1x128x64xf32, #tpu.memory_space<vmem>> -> memref<128x64xf32, #tpu.memory_space<vmem>>
        %dma_wait3A_153 = arith.constant 0 : i32
        %dma_wait3A_154 = tpu.memref_slice %arg6[%add3A_147, %dma_wait3A_153] : memref<40x128xi32, #tpu.memory_space<vmem>> -> memref<1x128xi32, #tpu.memory_space<vmem>>
        %dma_wait3A_155 = tpu.memref_squeeze %dma_wait3A_154 : memref<1x128xi32, #tpu.memory_space<vmem>> -> memref<128xi32, #tpu.memory_space<vmem>>
        %dma_wait3A_156 = arith.constant 0 : i32
        %dma_wait3A_157 = arith.constant 0 : i32
        %dma_wait3A_158 = tpu.memref_slice %arg9[%dma_wait3A_156, %dma_wait3A_157] : memref<10240x64xf32, #tpu.memory_space<vmem_shared>> -> memref<10240x64xf32, #tpu.memory_space<vmem_shared>>
        tpu.wait_indirect_dma semaphore(%arg11 : memref<!tpu.dma_semaphore, #tpu.memory_space<semaphore_mem>>) src(%dma_wait3A_158 : memref<10240x64xf32, #tpu.memory_space<vmem_shared>>) dst(%dma_wait3A_152 : memref<128x64xf32, #tpu.memory_space<vmem>>)
        %dma_start3A_159 = arith.constant 1 : i32
        %dma_start3A_160 = arith.constant 0 : i32
        %dma_start3A_161 = arith.constant 0 : i32
        %dma_start3A_162 = tpu.memref_slice %arg8[%dma_start3A_159, %dma_start3A_160, %dma_start3A_161] : memref<4x128x64xf32, #tpu.memory_space<vmem>> -> memref<1x128x64xf32, #tpu.memory_space<vmem>>
        %dma_start3A_163 = tpu.memref_squeeze %dma_start3A_162 : memref<1x128x64xf32, #tpu.memory_space<vmem>> -> memref<128x64xf32, #tpu.memory_space<vmem>>
        %dma_start3A_164 = arith.constant 0 : i32
        %dma_start3A_165 = tpu.memref_slice %arg7[%add3A_147, %dma_start3A_164] : memref<40x128xi32, #tpu.memory_space<vmem>> -> memref<1x128xi32, #tpu.memory_space<vmem>>
        %dma_start3A_166 = tpu.memref_squeeze %dma_start3A_165 : memref<1x128xi32, #tpu.memory_space<vmem>> -> memref<128xi32, #tpu.memory_space<vmem>>
        %dma_start3A_167 = arith.constant 0 : i32
        %dma_start3A_168 = arith.constant 0 : i32
        %dma_start3A_169 = tpu.memref_slice %arg10[%dma_start3A_167, %dma_start3A_168] : memref<10240x64xf32, #tpu.memory_space<vmem_shared>> -> memref<10240x64xf32, #tpu.memory_space<vmem_shared>>
        tpu.enqueue_indirect_dma source(%dma_start3A_163 : memref<128x64xf32, #tpu.memory_space<vmem>>) target(%dma_start3A_169 : memref<10240x64xf32, #tpu.memory_space<vmem_shared>>) offsets(%dma_start3A_166 : memref<128xi32, #tpu.memory_space<vmem>>) semaphore(%arg12 : memref<!tpu.dma_semaphore, #tpu.memory_space<semaphore_mem>>) {add = true}
        %ge3A_170 = arith.constant 2 : i32
        %ge3A_171 = arith.cmpi sge, %add3A_147, %ge3A_170 : i32
        %convert_element_type3A_172 = arith.extui %ge3A_171 : i1 to i32
        %cond3A_173 = arith.constant 0 : i32
        %cond3A_174 = arith.cmpi ne, %convert_element_type3A_172, %cond3A_173 : i32
        scf.if %cond3A_174 {
          %sub3A = arith.constant 2 : i32
          %sub3A_254 = arith.subi %add3A_147, %sub3A : i32
          %dma_wait3A_255 = arith.constant 3 : i32
          %dma_wait3A_256 = arith.constant 0 : i32
          %dma_wait3A_257 = arith.constant 0 : i32
          %dma_wait3A_258 = tpu.memref_slice %arg8[%dma_wait3A_255, %dma_wait3A_256, %dma_wait3A_257] : memref<4x128x64xf32, #tpu.memory_space<vmem>> -> memref<1x128x64xf32, #tpu.memory_space<vmem>>
          %dma_wait3A_259 = tpu.memref_squeeze %dma_wait3A_258 : memref<1x128x64xf32, #tpu.memory_space<vmem>> -> memref<128x64xf32, #tpu.memory_space<vmem>>
          %dma_wait3A_260 = arith.constant 0 : i32
          %dma_wait3A_261 = tpu.memref_slice %arg7[%sub3A_254, %dma_wait3A_260] : memref<40x128xi32, #tpu.memory_space<vmem>> -> memref<1x128xi32, #tpu.memory_space<vmem>>
          %dma_wait3A_262 = tpu.memref_squeeze %dma_wait3A_261 : memref<1x128xi32, #tpu.memory_space<vmem>> -> memref<128xi32, #tpu.memory_space<vmem>>
          %dma_wait3A_263 = arith.constant 0 : i32
          %dma_wait3A_264 = arith.constant 0 : i32
          %dma_wait3A_265 = tpu.memref_slice %arg10[%dma_wait3A_263, %dma_wait3A_264] : memref<10240x64xf32, #tpu.memory_space<vmem_shared>> -> memref<10240x64xf32, #tpu.memory_space<vmem_shared>>
          tpu.wait_indirect_dma semaphore(%arg12 : memref<!tpu.dma_semaphore, #tpu.memory_space<semaphore_mem>>) src(%dma_wait3A_259 : memref<128x64xf32, #tpu.memory_space<vmem>>) dst(%dma_wait3A_265 : memref<10240x64xf32, #tpu.memory_space<vmem_shared>>)
        } else {
        }
        %add3A_175 = arith.constant 2 : i32
        %add3A_176 = arith.addi %add3A_147, %add3A_175 : i32
        %lt3A_177 = arith.constant 40 : i32
        %lt3A_178 = arith.cmpi slt, %add3A_176, %lt3A_177 : i32
        %convert_element_type3A_179 = arith.extui %lt3A_178 : i1 to i32
        %cond3A_180 = arith.constant 0 : i32
        %cond3A_181 = arith.cmpi ne, %convert_element_type3A_179, %cond3A_180 : i32
        scf.if %cond3A_181 {
          %add3A_254 = arith.constant 2 : i32
          %add3A_255 = arith.addi %add3A_147, %add3A_254 : i32
          %dma_start3A_256 = arith.constant 3 : i32
          %dma_start3A_257 = arith.constant 0 : i32
          %dma_start3A_258 = arith.constant 0 : i32
          %dma_start3A_259 = tpu.memref_slice %arg8[%dma_start3A_256, %dma_start3A_257, %dma_start3A_258] : memref<4x128x64xf32, #tpu.memory_space<vmem>> -> memref<1x128x64xf32, #tpu.memory_space<vmem>>
          %dma_start3A_260 = tpu.memref_squeeze %dma_start3A_259 : memref<1x128x64xf32, #tpu.memory_space<vmem>> -> memref<128x64xf32, #tpu.memory_space<vmem>>
          %dma_start3A_261 = arith.constant 0 : i32
          %dma_start3A_262 = tpu.memref_slice %arg6[%add3A_255, %dma_start3A_261] : memref<40x128xi32, #tpu.memory_space<vmem>> -> memref<1x128xi32, #tpu.memory_space<vmem>>
          %dma_start3A_263 = tpu.memref_squeeze %dma_start3A_262 : memref<1x128xi32, #tpu.memory_space<vmem>> -> memref<128xi32, #tpu.memory_space<vmem>>
          %dma_start3A_264 = arith.constant 0 : i32
          %dma_start3A_265 = arith.constant 0 : i32
          %dma_start3A_266 = tpu.memref_slice %arg9[%dma_start3A_264, %dma_start3A_265] : memref<10240x64xf32, #tpu.memory_space<vmem_shared>> -> memref<10240x64xf32, #tpu.memory_space<vmem_shared>>
          tpu.enqueue_indirect_dma source(%dma_start3A_266 : memref<10240x64xf32, #tpu.memory_space<vmem_shared>>) target(%dma_start3A_260 : memref<128x64xf32, #tpu.memory_space<vmem>>) offsets(%dma_start3A_263 : memref<128xi32, #tpu.memory_space<vmem>>) semaphore(%arg11 : memref<!tpu.dma_semaphore, #tpu.memory_space<semaphore_mem>>)
        } else {
        }
        %add3A_182 = arith.constant 2 : i32
        %add3A_183 = arith.addi %add3A_113, %add3A_182 : i32
        %dma_wait3A_184 = arith.constant 2 : i32
        %dma_wait3A_185 = arith.constant 0 : i32
        %dma_wait3A_186 = arith.constant 0 : i32
        %dma_wait3A_187 = tpu.memref_slice %arg8[%dma_wait3A_184, %dma_wait3A_185, %dma_wait3A_186] : memref<4x128x64xf32, #tpu.memory_space<vmem>> -> memref<1x128x64xf32, #tpu.memory_space<vmem>>
        %dma_wait3A_188 = tpu.memref_squeeze %dma_wait3A_187 : memref<1x128x64xf32, #tpu.memory_space<vmem>> -> memref<128x64xf32, #tpu.memory_space<vmem>>
        %dma_wait3A_189 = arith.constant 0 : i32
        %dma_wait3A_190 = tpu.memref_slice %arg6[%add3A_183, %dma_wait3A_189] : memref<40x128xi32, #tpu.memory_space<vmem>> -> memref<1x128xi32, #tpu.memory_space<vmem>>
        %dma_wait3A_191 = tpu.memref_squeeze %dma_wait3A_190 : memref<1x128xi32, #tpu.memory_space<vmem>> -> memref<128xi32, #tpu.memory_space<vmem>>
        %dma_wait3A_192 = arith.constant 0 : i32
        %dma_wait3A_193 = arith.constant 0 : i32
        %dma_wait3A_194 = tpu.memref_slice %arg9[%dma_wait3A_192, %dma_wait3A_193] : memref<10240x64xf32, #tpu.memory_space<vmem_shared>> -> memref<10240x64xf32, #tpu.memory_space<vmem_shared>>
        tpu.wait_indirect_dma semaphore(%arg11 : memref<!tpu.dma_semaphore, #tpu.memory_space<semaphore_mem>>) src(%dma_wait3A_194 : memref<10240x64xf32, #tpu.memory_space<vmem_shared>>) dst(%dma_wait3A_188 : memref<128x64xf32, #tpu.memory_space<vmem>>)
        %dma_start3A_195 = arith.constant 2 : i32
        %dma_start3A_196 = arith.constant 0 : i32
        %dma_start3A_197 = arith.constant 0 : i32
        %dma_start3A_198 = tpu.memref_slice %arg8[%dma_start3A_195, %dma_start3A_196, %dma_start3A_197] : memref<4x128x64xf32, #tpu.memory_space<vmem>> -> memref<1x128x64xf32, #tpu.memory_space<vmem>>
        %dma_start3A_199 = tpu.memref_squeeze %dma_start3A_198 : memref<1x128x64xf32, #tpu.memory_space<vmem>> -> memref<128x64xf32, #tpu.memory_space<vmem>>
        %dma_start3A_200 = arith.constant 0 : i32
        %dma_start3A_201 = tpu.memref_slice %arg7[%add3A_183, %dma_start3A_200] : memref<40x128xi32, #tpu.memory_space<vmem>> -> memref<1x128xi32, #tpu.memory_space<vmem>>
        %dma_start3A_202 = tpu.memref_squeeze %dma_start3A_201 : memref<1x128xi32, #tpu.memory_space<vmem>> -> memref<128xi32, #tpu.memory_space<vmem>>
        %dma_start3A_203 = arith.constant 0 : i32
        %dma_start3A_204 = arith.constant 0 : i32
        %dma_start3A_205 = tpu.memref_slice %arg10[%dma_start3A_203, %dma_start3A_204] : memref<10240x64xf32, #tpu.memory_space<vmem_shared>> -> memref<10240x64xf32, #tpu.memory_space<vmem_shared>>
        tpu.enqueue_indirect_dma source(%dma_start3A_199 : memref<128x64xf32, #tpu.memory_space<vmem>>) target(%dma_start3A_205 : memref<10240x64xf32, #tpu.memory_space<vmem_shared>>) offsets(%dma_start3A_202 : memref<128xi32, #tpu.memory_space<vmem>>) semaphore(%arg12 : memref<!tpu.dma_semaphore, #tpu.memory_space<semaphore_mem>>) {add = true}
        %ge3A_206 = arith.constant 2 : i32
        %ge3A_207 = arith.cmpi sge, %add3A_183, %ge3A_206 : i32
        %convert_element_type3A_208 = arith.extui %ge3A_207 : i1 to i32
        %cond3A_209 = arith.constant 0 : i32
        %cond3A_210 = arith.cmpi ne, %convert_element_type3A_208, %cond3A_209 : i32
        scf.if %cond3A_210 {
          %sub3A = arith.constant 2 : i32
          %sub3A_254 = arith.subi %add3A_183, %sub3A : i32
          %dma_wait3A_255 = arith.constant 0 : i32
          %dma_wait3A_256 = arith.constant 0 : i32
          %dma_wait3A_257 = arith.constant 0 : i32
          %dma_wait3A_258 = tpu.memref_slice %arg8[%dma_wait3A_255, %dma_wait3A_256, %dma_wait3A_257] : memref<4x128x64xf32, #tpu.memory_space<vmem>> -> memref<1x128x64xf32, #tpu.memory_space<vmem>>
          %dma_wait3A_259 = tpu.memref_squeeze %dma_wait3A_258 : memref<1x128x64xf32, #tpu.memory_space<vmem>> -> memref<128x64xf32, #tpu.memory_space<vmem>>
          %dma_wait3A_260 = arith.constant 0 : i32
          %dma_wait3A_261 = tpu.memref_slice %arg7[%sub3A_254, %dma_wait3A_260] : memref<40x128xi32, #tpu.memory_space<vmem>> -> memref<1x128xi32, #tpu.memory_space<vmem>>
          %dma_wait3A_262 = tpu.memref_squeeze %dma_wait3A_261 : memref<1x128xi32, #tpu.memory_space<vmem>> -> memref<128xi32, #tpu.memory_space<vmem>>
          %dma_wait3A_263 = arith.constant 0 : i32
          %dma_wait3A_264 = arith.constant 0 : i32
          %dma_wait3A_265 = tpu.memref_slice %arg10[%dma_wait3A_263, %dma_wait3A_264] : memref<10240x64xf32, #tpu.memory_space<vmem_shared>> -> memref<10240x64xf32, #tpu.memory_space<vmem_shared>>
          tpu.wait_indirect_dma semaphore(%arg12 : memref<!tpu.dma_semaphore, #tpu.memory_space<semaphore_mem>>) src(%dma_wait3A_259 : memref<128x64xf32, #tpu.memory_space<vmem>>) dst(%dma_wait3A_265 : memref<10240x64xf32, #tpu.memory_space<vmem_shared>>)
        } else {
        }
        %add3A_211 = arith.constant 2 : i32
        %add3A_212 = arith.addi %add3A_183, %add3A_211 : i32
        %lt3A_213 = arith.constant 40 : i32
        %lt3A_214 = arith.cmpi slt, %add3A_212, %lt3A_213 : i32
        %convert_element_type3A_215 = arith.extui %lt3A_214 : i1 to i32
        %cond3A_216 = arith.constant 0 : i32
        %cond3A_217 = arith.cmpi ne, %convert_element_type3A_215, %cond3A_216 : i32
        scf.if %cond3A_217 {
          %add3A_254 = arith.constant 2 : i32
          %add3A_255 = arith.addi %add3A_183, %add3A_254 : i32
          %dma_start3A_256 = arith.constant 0 : i32
          %dma_start3A_257 = arith.constant 0 : i32
          %dma_start3A_258 = arith.constant 0 : i32
          %dma_start3A_259 = tpu.memref_slice %arg8[%dma_start3A_256, %dma_start3A_257, %dma_start3A_258] : memref<4x128x64xf32, #tpu.memory_space<vmem>> -> memref<1x128x64xf32, #tpu.memory_space<vmem>>
          %dma_start3A_260 = tpu.memref_squeeze %dma_start3A_259 : memref<1x128x64xf32, #tpu.memory_space<vmem>> -> memref<128x64xf32, #tpu.memory_space<vmem>>
          %dma_start3A_261 = arith.constant 0 : i32
          %dma_start3A_262 = tpu.memref_slice %arg6[%add3A_255, %dma_start3A_261] : memref<40x128xi32, #tpu.memory_space<vmem>> -> memref<1x128xi32, #tpu.memory_space<vmem>>
          %dma_start3A_263 = tpu.memref_squeeze %dma_start3A_262 : memref<1x128xi32, #tpu.memory_space<vmem>> -> memref<128xi32, #tpu.memory_space<vmem>>
          %dma_start3A_264 = arith.constant 0 : i32
          %dma_start3A_265 = arith.constant 0 : i32
          %dma_start3A_266 = tpu.memref_slice %arg9[%dma_start3A_264, %dma_start3A_265] : memref<10240x64xf32, #tpu.memory_space<vmem_shared>> -> memref<10240x64xf32, #tpu.memory_space<vmem_shared>>
          tpu.enqueue_indirect_dma source(%dma_start3A_266 : memref<10240x64xf32, #tpu.memory_space<vmem_shared>>) target(%dma_start3A_260 : memref<128x64xf32, #tpu.memory_space<vmem>>) offsets(%dma_start3A_263 : memref<128xi32, #tpu.memory_space<vmem>>) semaphore(%arg11 : memref<!tpu.dma_semaphore, #tpu.memory_space<semaphore_mem>>)
        } else {
        }
        %add3A_218 = arith.constant 3 : i32
        %add3A_219 = arith.addi %add3A_113, %add3A_218 : i32
        %dma_wait3A_220 = arith.constant 3 : i32
        %dma_wait3A_221 = arith.constant 0 : i32
        %dma_wait3A_222 = arith.constant 0 : i32
        %dma_wait3A_223 = tpu.memref_slice %arg8[%dma_wait3A_220, %dma_wait3A_221, %dma_wait3A_222] : memref<4x128x64xf32, #tpu.memory_space<vmem>> -> memref<1x128x64xf32, #tpu.memory_space<vmem>>
        %dma_wait3A_224 = tpu.memref_squeeze %dma_wait3A_223 : memref<1x128x64xf32, #tpu.memory_space<vmem>> -> memref<128x64xf32, #tpu.memory_space<vmem>>
        %dma_wait3A_225 = arith.constant 0 : i32
        %dma_wait3A_226 = tpu.memref_slice %arg6[%add3A_219, %dma_wait3A_225] : memref<40x128xi32, #tpu.memory_space<vmem>> -> memref<1x128xi32, #tpu.memory_space<vmem>>
        %dma_wait3A_227 = tpu.memref_squeeze %dma_wait3A_226 : memref<1x128xi32, #tpu.memory_space<vmem>> -> memref<128xi32, #tpu.memory_space<vmem>>
        %dma_wait3A_228 = arith.constant 0 : i32
        %dma_wait3A_229 = arith.constant 0 : i32
        %dma_wait3A_230 = tpu.memref_slice %arg9[%dma_wait3A_228, %dma_wait3A_229] : memref<10240x64xf32, #tpu.memory_space<vmem_shared>> -> memref<10240x64xf32, #tpu.memory_space<vmem_shared>>
        tpu.wait_indirect_dma semaphore(%arg11 : memref<!tpu.dma_semaphore, #tpu.memory_space<semaphore_mem>>) src(%dma_wait3A_230 : memref<10240x64xf32, #tpu.memory_space<vmem_shared>>) dst(%dma_wait3A_224 : memref<128x64xf32, #tpu.memory_space<vmem>>)
        %dma_start3A_231 = arith.constant 3 : i32
        %dma_start3A_232 = arith.constant 0 : i32
        %dma_start3A_233 = arith.constant 0 : i32
        %dma_start3A_234 = tpu.memref_slice %arg8[%dma_start3A_231, %dma_start3A_232, %dma_start3A_233] : memref<4x128x64xf32, #tpu.memory_space<vmem>> -> memref<1x128x64xf32, #tpu.memory_space<vmem>>
        %dma_start3A_235 = tpu.memref_squeeze %dma_start3A_234 : memref<1x128x64xf32, #tpu.memory_space<vmem>> -> memref<128x64xf32, #tpu.memory_space<vmem>>
        %dma_start3A_236 = arith.constant 0 : i32
        %dma_start3A_237 = tpu.memref_slice %arg7[%add3A_219, %dma_start3A_236] : memref<40x128xi32, #tpu.memory_space<vmem>> -> memref<1x128xi32, #tpu.memory_space<vmem>>
        %dma_start3A_238 = tpu.memref_squeeze %dma_start3A_237 : memref<1x128xi32, #tpu.memory_space<vmem>> -> memref<128xi32, #tpu.memory_space<vmem>>
        %dma_start3A_239 = arith.constant 0 : i32
        %dma_start3A_240 = arith.constant 0 : i32
        %dma_start3A_241 = tpu.memref_slice %arg10[%dma_start3A_239, %dma_start3A_240] : memref<10240x64xf32, #tpu.memory_space<vmem_shared>> -> memref<10240x64xf32, #tpu.memory_space<vmem_shared>>
        tpu.enqueue_indirect_dma source(%dma_start3A_235 : memref<128x64xf32, #tpu.memory_space<vmem>>) target(%dma_start3A_241 : memref<10240x64xf32, #tpu.memory_space<vmem_shared>>) offsets(%dma_start3A_238 : memref<128xi32, #tpu.memory_space<vmem>>) semaphore(%arg12 : memref<!tpu.dma_semaphore, #tpu.memory_space<semaphore_mem>>) {add = true}
        %ge3A_242 = arith.constant 2 : i32
        %ge3A_243 = arith.cmpi sge, %add3A_219, %ge3A_242 : i32
        %convert_element_type3A_244 = arith.extui %ge3A_243 : i1 to i32
        %cond3A_245 = arith.constant 0 : i32
        %cond3A_246 = arith.cmpi ne, %convert_element_type3A_244, %cond3A_245 : i32
        scf.if %cond3A_246 {
          %sub3A = arith.constant 2 : i32
          %sub3A_254 = arith.subi %add3A_219, %sub3A : i32
          %dma_wait3A_255 = arith.constant 1 : i32
          %dma_wait3A_256 = arith.constant 0 : i32
          %dma_wait3A_257 = arith.constant 0 : i32
          %dma_wait3A_258 = tpu.memref_slice %arg8[%dma_wait3A_255, %dma_wait3A_256, %dma_wait3A_257] : memref<4x128x64xf32, #tpu.memory_space<vmem>> -> memref<1x128x64xf32, #tpu.memory_space<vmem>>
          %dma_wait3A_259 = tpu.memref_squeeze %dma_wait3A_258 : memref<1x128x64xf32, #tpu.memory_space<vmem>> -> memref<128x64xf32, #tpu.memory_space<vmem>>
          %dma_wait3A_260 = arith.constant 0 : i32
          %dma_wait3A_261 = tpu.memref_slice %arg7[%sub3A_254, %dma_wait3A_260] : memref<40x128xi32, #tpu.memory_space<vmem>> -> memref<1x128xi32, #tpu.memory_space<vmem>>
          %dma_wait3A_262 = tpu.memref_squeeze %dma_wait3A_261 : memref<1x128xi32, #tpu.memory_space<vmem>> -> memref<128xi32, #tpu.memory_space<vmem>>
          %dma_wait3A_263 = arith.constant 0 : i32
          %dma_wait3A_264 = arith.constant 0 : i32
          %dma_wait3A_265 = tpu.memref_slice %arg10[%dma_wait3A_263, %dma_wait3A_264] : memref<10240x64xf32, #tpu.memory_space<vmem_shared>> -> memref<10240x64xf32, #tpu.memory_space<vmem_shared>>
          tpu.wait_indirect_dma semaphore(%arg12 : memref<!tpu.dma_semaphore, #tpu.memory_space<semaphore_mem>>) src(%dma_wait3A_259 : memref<128x64xf32, #tpu.memory_space<vmem>>) dst(%dma_wait3A_265 : memref<10240x64xf32, #tpu.memory_space<vmem_shared>>)
        } else {
        }
        %add3A_247 = arith.constant 2 : i32
        %add3A_248 = arith.addi %add3A_219, %add3A_247 : i32
        %lt3A_249 = arith.constant 40 : i32
        %lt3A_250 = arith.cmpi slt, %add3A_248, %lt3A_249 : i32
        %convert_element_type3A_251 = arith.extui %lt3A_250 : i1 to i32
        %cond3A_252 = arith.constant 0 : i32
        %cond3A_253 = arith.cmpi ne, %convert_element_type3A_251, %cond3A_252 : i32
        scf.if %cond3A_253 {
          %add3A_254 = arith.constant 2 : i32
          %add3A_255 = arith.addi %add3A_219, %add3A_254 : i32
          %dma_start3A_256 = arith.constant 1 : i32
          %dma_start3A_257 = arith.constant 0 : i32
          %dma_start3A_258 = arith.constant 0 : i32
          %dma_start3A_259 = tpu.memref_slice %arg8[%dma_start3A_256, %dma_start3A_257, %dma_start3A_258] : memref<4x128x64xf32, #tpu.memory_space<vmem>> -> memref<1x128x64xf32, #tpu.memory_space<vmem>>
          %dma_start3A_260 = tpu.memref_squeeze %dma_start3A_259 : memref<1x128x64xf32, #tpu.memory_space<vmem>> -> memref<128x64xf32, #tpu.memory_space<vmem>>
          %dma_start3A_261 = arith.constant 0 : i32
          %dma_start3A_262 = tpu.memref_slice %arg6[%add3A_255, %dma_start3A_261] : memref<40x128xi32, #tpu.memory_space<vmem>> -> memref<1x128xi32, #tpu.memory_space<vmem>>
          %dma_start3A_263 = tpu.memref_squeeze %dma_start3A_262 : memref<1x128xi32, #tpu.memory_space<vmem>> -> memref<128xi32, #tpu.memory_space<vmem>>
          %dma_start3A_264 = arith.constant 0 : i32
          %dma_start3A_265 = arith.constant 0 : i32
          %dma_start3A_266 = tpu.memref_slice %arg9[%dma_start3A_264, %dma_start3A_265] : memref<10240x64xf32, #tpu.memory_space<vmem_shared>> -> memref<10240x64xf32, #tpu.memory_space<vmem_shared>>
          tpu.enqueue_indirect_dma source(%dma_start3A_266 : memref<10240x64xf32, #tpu.memory_space<vmem_shared>>) target(%dma_start3A_260 : memref<128x64xf32, #tpu.memory_space<vmem>>) offsets(%dma_start3A_263 : memref<128xi32, #tpu.memory_space<vmem>>) semaphore(%arg11 : memref<!tpu.dma_semaphore, #tpu.memory_space<semaphore_mem>>)
        } else {
        }
      }
      %scan3A_84 = arith.constant 10 : i32
      %dma_wait3A_85 = arith.constant 2 : i32
      %dma_wait3A_86 = arith.constant 38 : i32
      %dma_wait3A_87 = arith.constant 0 : i32
      %dma_wait3A_88 = arith.constant 0 : i32
      %dma_wait3A_89 = tpu.memref_slice %arg8[%dma_wait3A_85, %dma_wait3A_87, %dma_wait3A_88] : memref<4x128x64xf32, #tpu.memory_space<vmem>> -> memref<1x128x64xf32, #tpu.memory_space<vmem>>
      %dma_wait3A_90 = tpu.memref_squeeze %dma_wait3A_89 : memref<1x128x64xf32, #tpu.memory_space<vmem>> -> memref<128x64xf32, #tpu.memory_space<vmem>>
      %dma_wait3A_91 = arith.constant 0 : i32
      %dma_wait3A_92 = tpu.memref_slice %arg7[%dma_wait3A_86, %dma_wait3A_91] : memref<40x128xi32, #tpu.memory_space<vmem>> -> memref<1x128xi32, #tpu.memory_space<vmem>>
      %dma_wait3A_93 = tpu.memref_squeeze %dma_wait3A_92 : memref<1x128xi32, #tpu.memory_space<vmem>> -> memref<128xi32, #tpu.memory_space<vmem>>
      %dma_wait3A_94 = arith.constant 0 : i32
      %dma_wait3A_95 = arith.constant 0 : i32
      %dma_wait3A_96 = tpu.memref_slice %arg10[%dma_wait3A_94, %dma_wait3A_95] : memref<10240x64xf32, #tpu.memory_space<vmem_shared>> -> memref<10240x64xf32, #tpu.memory_space<vmem_shared>>
      tpu.wait_indirect_dma semaphore(%arg12 : memref<!tpu.dma_semaphore, #tpu.memory_space<semaphore_mem>>) src(%dma_wait3A_90 : memref<128x64xf32, #tpu.memory_space<vmem>>) dst(%dma_wait3A_96 : memref<10240x64xf32, #tpu.memory_space<vmem_shared>>)
      %dma_wait3A_97 = arith.constant 3 : i32
      %dma_wait3A_98 = arith.constant 39 : i32
      %dma_wait3A_99 = arith.constant 0 : i32
      %dma_wait3A_100 = arith.constant 0 : i32
      %dma_wait3A_101 = tpu.memref_slice %arg8[%dma_wait3A_97, %dma_wait3A_99, %dma_wait3A_100] : memref<4x128x64xf32, #tpu.memory_space<vmem>> -> memref<1x128x64xf32, #tpu.memory_space<vmem>>
      %dma_wait3A_102 = tpu.memref_squeeze %dma_wait3A_101 : memref<1x128x64xf32, #tpu.memory_space<vmem>> -> memref<128x64xf32, #tpu.memory_space<vmem>>
      %dma_wait3A_103 = arith.constant 0 : i32
      %dma_wait3A_104 = tpu.memref_slice %arg7[%dma_wait3A_98, %dma_wait3A_103] : memref<40x128xi32, #tpu.memory_space<vmem>> -> memref<1x128xi32, #tpu.memory_space<vmem>>
      %dma_wait3A_105 = tpu.memref_squeeze %dma_wait3A_104 : memref<1x128xi32, #tpu.memory_space<vmem>> -> memref<128xi32, #tpu.memory_space<vmem>>
      %dma_wait3A_106 = arith.constant 0 : i32
      %dma_wait3A_107 = arith.constant 0 : i32
      %dma_wait3A_108 = tpu.memref_slice %arg10[%dma_wait3A_106, %dma_wait3A_107] : memref<10240x64xf32, #tpu.memory_space<vmem_shared>> -> memref<10240x64xf32, #tpu.memory_space<vmem_shared>>
      tpu.wait_indirect_dma semaphore(%arg12 : memref<!tpu.dma_semaphore, #tpu.memory_space<semaphore_mem>>) src(%dma_wait3A_102 : memref<128x64xf32, #tpu.memory_space<vmem>>) dst(%dma_wait3A_108 : memref<10240x64xf32, #tpu.memory_space<vmem_shared>>)
    }
    %scan3A_14 = arith.constant 4 : i32
    %barrier3A_15 = arith.constant 0 : index
    tpu.barrier barrier_id(%barrier3A_15)
    "tpu.region"() ({
      %run_scoped3A = tpu.sem_alloc : memref<!tpu.dma_semaphore, #tpu.memory_space<semaphore_mem>>
      %dma_start3A_16 = tpu.memref_slice %arg5[%mul3A_0, %mul3A_2] : memref<10240x128xf32, #tpu.memory_space<hbm>> -> memref<640x64xf32, #tpu.memory_space<hbm>>
      %dma_start3A_17 = arith.constant 0 : i32
      %dma_start3A_18 = tpu.memref_slice %arg10[%mul3A_0, %dma_start3A_17] : memref<10240x64xf32, #tpu.memory_space<vmem_shared>> -> memref<640x64xf32, #tpu.memory_space<vmem_shared>>
      tpu.enqueue_dma source(%dma_start3A_18 : memref<640x64xf32, #tpu.memory_space<vmem_shared>>) target(%dma_start3A_16 : memref<640x64xf32, #tpu.memory_space<hbm>>) target_semaphore(%run_scoped3A : memref<!tpu.dma_semaphore, #tpu.memory_space<semaphore_mem>>)
      %dma_wait3A_19 = tpu.memref_slice %arg5[%mul3A_0, %mul3A_2] : memref<10240x128xf32, #tpu.memory_space<hbm>> -> memref<640x64xf32, #tpu.memory_space<hbm>>
      %dma_wait3A_20 = arith.constant 0 : i32
      %dma_wait3A_21 = tpu.memref_slice %arg10[%mul3A_0, %dma_wait3A_20] : memref<10240x64xf32, #tpu.memory_space<vmem_shared>> -> memref<640x64xf32, #tpu.memory_space<vmem_shared>>
      tpu.wait_dma2 semaphore(%run_scoped3A : memref<!tpu.dma_semaphore, #tpu.memory_space<semaphore_mem>>) src(%dma_wait3A_21 : memref<640x64xf32, #tpu.memory_space<vmem_shared>>) dst(%dma_wait3A_19 : memref<640x64xf32, #tpu.memory_space<hbm>>)
      tpu.yield
    }) : () -> ()
    return
  }
}

#map = affine_map<(d0, d1) -> (0, 0)>
#map1 = affine_map<(d0, d1) -> (0, 0, 0, 0, 0)>
module attributes {stable_mosaic.version = 14 : i64} {
  func.func @_sc_agg128(%arg0: i32, %arg1: i32, %arg2: memref<10240x128xf32, #tpu.memory_space<hbm>>, %arg3: memref<2x16x4x40x128xi32, #tpu.memory_space<hbm>>, %arg4: memref<640x64xf32, #tpu.memory_space<hbm>>, %arg5: memref<10240x128xf32, #tpu.memory_space<hbm>>, %arg6: memref<40x128xi32, #tpu.memory_space<vmem>>, %arg7: memref<40x128xi32, #tpu.memory_space<vmem>>, %arg8: memref<4x128x64xf32, #tpu.memory_space<vmem>>, %arg9: memref<10240x64xf32, #tpu.memory_space<vmem_shared>>, %arg10: memref<10240x64xf32, #tpu.memory_space<vmem_shared>>, %arg11: memref<!tpu.dma_semaphore, #tpu.memory_space<semaphore_mem>>, %arg12: memref<!tpu.dma_semaphore, #tpu.memory_space<semaphore_mem>>) attributes {dimension_semantics = [#tpu.dimension_semantics<core_parallel>, #tpu.dimension_semantics<subcore_parallel>], iteration_bounds = array<i64: 2, 16>, scalar_prefetch = 0 : i64, scratch_operands = 7 : i64, tpu.core_type = #tpu.core_type<sc_vector_subcore>, window_params = [{transform_indices = #map}, {transform_indices = #map1}, {transform_indices = #map}, {transform_indices = #map}]} {
    %mul3A = arith.constant 640 : i32
    %mul3A_0 = arith.muli %arg1, %mul3A : i32
    %mul3A_1 = arith.constant 64 : i32
    %mul3A_2 = arith.muli %arg0, %mul3A_1 : i32
    %dma_start3A = arith.constant 0 : i32
    %dma_start3A_3 = tpu.memref_slice %arg9[%mul3A_0, %dma_start3A] : memref<10240x64xf32, #tpu.memory_space<vmem_shared>> -> memref<640x64xf32, #tpu.memory_space<vmem_shared>>
    %dma_start3A_4 = tpu.memref_slice %arg2[%mul3A_0, %mul3A_2] : memref<10240x128xf32, #tpu.memory_space<hbm>> -> memref<640x64xf32, #tpu.memory_space<hbm>>
    tpu.enqueue_dma source(%dma_start3A_4 : memref<640x64xf32, #tpu.memory_space<hbm>>) target(%dma_start3A_3 : memref<640x64xf32, #tpu.memory_space<vmem_shared>>) target_semaphore(%arg11 : memref<!tpu.dma_semaphore, #tpu.memory_space<semaphore_mem>>)
    %dma_start3A_5 = arith.constant 0 : i32
    %dma_start3A_6 = tpu.memref_slice %arg10[%mul3A_0, %dma_start3A_5] : memref<10240x64xf32, #tpu.memory_space<vmem_shared>> -> memref<640x64xf32, #tpu.memory_space<vmem_shared>>
    tpu.enqueue_dma source(%arg4 : memref<640x64xf32, #tpu.memory_space<hbm>>) target(%dma_start3A_6 : memref<640x64xf32, #tpu.memory_space<vmem_shared>>) target_semaphore(%arg11 : memref<!tpu.dma_semaphore, #tpu.memory_space<semaphore_mem>>)
    %dma_wait3A = arith.constant 0 : i32
    %dma_wait3A_7 = tpu.memref_slice %arg9[%mul3A_0, %dma_wait3A] : memref<10240x64xf32, #tpu.memory_space<vmem_shared>> -> memref<640x64xf32, #tpu.memory_space<vmem_shared>>
    %dma_wait3A_8 = tpu.memref_slice %arg2[%mul3A_0, %mul3A_2] : memref<10240x128xf32, #tpu.memory_space<hbm>> -> memref<640x64xf32, #tpu.memory_space<hbm>>
    tpu.wait_dma2 semaphore(%arg11 : memref<!tpu.dma_semaphore, #tpu.memory_space<semaphore_mem>>) src(%dma_wait3A_8 : memref<640x64xf32, #tpu.memory_space<hbm>>) dst(%dma_wait3A_7 : memref<640x64xf32, #tpu.memory_space<vmem_shared>>)
    %dma_wait3A_9 = arith.constant 0 : i32
    %dma_wait3A_10 = tpu.memref_slice %arg10[%mul3A_0, %dma_wait3A_9] : memref<10240x64xf32, #tpu.memory_space<vmem_shared>> -> memref<640x64xf32, #tpu.memory_space<vmem_shared>>
    tpu.wait_dma2 semaphore(%arg11 : memref<!tpu.dma_semaphore, #tpu.memory_space<semaphore_mem>>) src(%arg4 : memref<640x64xf32, #tpu.memory_space<hbm>>) dst(%dma_wait3A_10 : memref<640x64xf32, #tpu.memory_space<vmem_shared>>)
    %barrier3A = arith.constant 0 : index
    tpu.barrier barrier_id(%barrier3A)
    %scan3A = arith.constant 0 : i32
    %scan3A_11 = arith.constant 4 : i32
    %scan3A_12 = arith.addi %scan3A, %scan3A_11 : i32
    %scan3A_13 = arith.constant 1 : i32
    scf.for %scan3A_16 = %scan3A to %scan3A_12 step %scan3A_13  : i32 {
      %mul3A_17 = arith.constant 1 : i32
      %mul3A_18 = arith.muli %scan3A_16, %mul3A_17 : i32
      %add3A = arith.constant 0 : i32
      %add3A_19 = arith.addi %add3A, %mul3A_18 : i32
      %dma_start3A_20 = arith.constant 0 : i32
      %dma_start3A_21 = arith.constant 0 : i32
      %dma_start3A_22 = arith.constant 0 : i32
      %dma_start3A_23 = tpu.memref_slice %arg3[%dma_start3A_20, %arg1, %add3A_19, %dma_start3A_21, %dma_start3A_22] : memref<2x16x4x40x128xi32, #tpu.memory_space<hbm>> -> memref<1x1x1x40x128xi32, #tpu.memory_space<hbm>>
      %dma_start3A_24 = tpu.memref_squeeze %dma_start3A_23 : memref<1x1x1x40x128xi32, #tpu.memory_space<hbm>> -> memref<40x128xi32, #tpu.memory_space<hbm>>
      %dma_start3A_25 = arith.constant 0 : i32
      %dma_start3A_26 = arith.constant 0 : i32
      %dma_start3A_27 = tpu.memref_slice %arg3[%dma_start3A_20, %arg1, %add3A_19, %dma_start3A_25, %dma_start3A_26] : memref<2x16x4x40x128xi32, #tpu.memory_space<hbm>> -> memref<1x1x1x40x128xi32, #tpu.memory_space<hbm>>
      %dma_start3A_28 = tpu.memref_squeeze %dma_start3A_27 : memref<1x1x1x40x128xi32, #tpu.memory_space<hbm>> -> memref<40x128xi32, #tpu.memory_space<hbm>>
      tpu.enqueue_dma source(%dma_start3A_28 : memref<40x128xi32, #tpu.memory_space<hbm>>) target(%arg6 : memref<40x128xi32, #tpu.memory_space<vmem>>) target_semaphore(%arg11 : memref<!tpu.dma_semaphore, #tpu.memory_space<semaphore_mem>>)
      %dma_start3A_29 = arith.constant 1 : i32
      %dma_start3A_30 = arith.constant 0 : i32
      %dma_start3A_31 = arith.constant 0 : i32
      %dma_start3A_32 = tpu.memref_slice %arg3[%dma_start3A_29, %arg1, %add3A_19, %dma_start3A_30, %dma_start3A_31] : memref<2x16x4x40x128xi32, #tpu.memory_space<hbm>> -> memref<1x1x1x40x128xi32, #tpu.memory_space<hbm>>
      %dma_start3A_33 = tpu.memref_squeeze %dma_start3A_32 : memref<1x1x1x40x128xi32, #tpu.memory_space<hbm>> -> memref<40x128xi32, #tpu.memory_space<hbm>>
      %dma_start3A_34 = arith.constant 0 : i32
      %dma_start3A_35 = arith.constant 0 : i32
      %dma_start3A_36 = tpu.memref_slice %arg3[%dma_start3A_29, %arg1, %add3A_19, %dma_start3A_34, %dma_start3A_35] : memref<2x16x4x40x128xi32, #tpu.memory_space<hbm>> -> memref<1x1x1x40x128xi32, #tpu.memory_space<hbm>>
      %dma_start3A_37 = tpu.memref_squeeze %dma_start3A_36 : memref<1x1x1x40x128xi32, #tpu.memory_space<hbm>> -> memref<40x128xi32, #tpu.memory_space<hbm>>
      tpu.enqueue_dma source(%dma_start3A_37 : memref<40x128xi32, #tpu.memory_space<hbm>>) target(%arg7 : memref<40x128xi32, #tpu.memory_space<vmem>>) target_semaphore(%arg11 : memref<!tpu.dma_semaphore, #tpu.memory_space<semaphore_mem>>)
      %dma_wait3A_38 = arith.constant 0 : i32
      %dma_wait3A_39 = arith.constant 0 : i32
      %dma_wait3A_40 = arith.constant 0 : i32
      %dma_wait3A_41 = tpu.memref_slice %arg3[%dma_wait3A_38, %arg1, %add3A_19, %dma_wait3A_39, %dma_wait3A_40] : memref<2x16x4x40x128xi32, #tpu.memory_space<hbm>> -> memref<1x1x1x40x128xi32, #tpu.memory_space<hbm>>
      %dma_wait3A_42 = tpu.memref_squeeze %dma_wait3A_41 : memref<1x1x1x40x128xi32, #tpu.memory_space<hbm>> -> memref<40x128xi32, #tpu.memory_space<hbm>>
      %dma_wait3A_43 = arith.constant 0 : i32
      %dma_wait3A_44 = arith.constant 0 : i32
      %dma_wait3A_45 = tpu.memref_slice %arg3[%dma_wait3A_38, %arg1, %add3A_19, %dma_wait3A_43, %dma_wait3A_44] : memref<2x16x4x40x128xi32, #tpu.memory_space<hbm>> -> memref<1x1x1x40x128xi32, #tpu.memory_space<hbm>>
      %dma_wait3A_46 = tpu.memref_squeeze %dma_wait3A_45 : memref<1x1x1x40x128xi32, #tpu.memory_space<hbm>> -> memref<40x128xi32, #tpu.memory_space<hbm>>
      tpu.wait_dma2 semaphore(%arg11 : memref<!tpu.dma_semaphore, #tpu.memory_space<semaphore_mem>>) src(%dma_wait3A_46 : memref<40x128xi32, #tpu.memory_space<hbm>>) dst(%arg6 : memref<40x128xi32, #tpu.memory_space<vmem>>)
      %dma_wait3A_47 = arith.constant 1 : i32
      %dma_wait3A_48 = arith.constant 0 : i32
      %dma_wait3A_49 = arith.constant 0 : i32
      %dma_wait3A_50 = tpu.memref_slice %arg3[%dma_wait3A_47, %arg1, %add3A_19, %dma_wait3A_48, %dma_wait3A_49] : memref<2x16x4x40x128xi32, #tpu.memory_space<hbm>> -> memref<1x1x1x40x128xi32, #tpu.memory_space<hbm>>
      %dma_wait3A_51 = tpu.memref_squeeze %dma_wait3A_50 : memref<1x1x1x40x128xi32, #tpu.memory_space<hbm>> -> memref<40x128xi32, #tpu.memory_space<hbm>>
      %dma_wait3A_52 = arith.constant 0 : i32
      %dma_wait3A_53 = arith.constant 0 : i32
      %dma_wait3A_54 = tpu.memref_slice %arg3[%dma_wait3A_47, %arg1, %add3A_19, %dma_wait3A_52, %dma_wait3A_53] : memref<2x16x4x40x128xi32, #tpu.memory_space<hbm>> -> memref<1x1x1x40x128xi32, #tpu.memory_space<hbm>>
      %dma_wait3A_55 = tpu.memref_squeeze %dma_wait3A_54 : memref<1x1x1x40x128xi32, #tpu.memory_space<hbm>> -> memref<40x128xi32, #tpu.memory_space<hbm>>
      tpu.wait_dma2 semaphore(%arg11 : memref<!tpu.dma_semaphore, #tpu.memory_space<semaphore_mem>>) src(%dma_wait3A_55 : memref<40x128xi32, #tpu.memory_space<hbm>>) dst(%arg7 : memref<40x128xi32, #tpu.memory_space<vmem>>)
      %dma_start3A_56 = arith.constant 0 : i32
      %dma_start3A_57 = arith.constant 0 : i32
      %dma_start3A_58 = arith.constant 0 : i32
      %dma_start3A_59 = arith.constant 0 : i32
      %dma_start3A_60 = tpu.memref_slice %arg8[%dma_start3A_57, %dma_start3A_58, %dma_start3A_59] : memref<4x128x64xf32, #tpu.memory_space<vmem>> -> memref<1x128x64xf32, #tpu.memory_space<vmem>>
      %dma_start3A_61 = tpu.memref_squeeze %dma_start3A_60 : memref<1x128x64xf32, #tpu.memory_space<vmem>> -> memref<128x64xf32, #tpu.memory_space<vmem>>
      %dma_start3A_62 = arith.constant 0 : i32
      %dma_start3A_63 = tpu.memref_slice %arg6[%dma_start3A_56, %dma_start3A_62] : memref<40x128xi32, #tpu.memory_space<vmem>> -> memref<1x128xi32, #tpu.memory_space<vmem>>
      %dma_start3A_64 = tpu.memref_squeeze %dma_start3A_63 : memref<1x128xi32, #tpu.memory_space<vmem>> -> memref<128xi32, #tpu.memory_space<vmem>>
      %dma_start3A_65 = arith.constant 0 : i32
      %dma_start3A_66 = arith.constant 0 : i32
      %dma_start3A_67 = tpu.memref_slice %arg9[%dma_start3A_65, %dma_start3A_66] : memref<10240x64xf32, #tpu.memory_space<vmem_shared>> -> memref<10240x64xf32, #tpu.memory_space<vmem_shared>>
      tpu.enqueue_indirect_dma source(%dma_start3A_67 : memref<10240x64xf32, #tpu.memory_space<vmem_shared>>) target(%dma_start3A_61 : memref<128x64xf32, #tpu.memory_space<vmem>>) offsets(%dma_start3A_64 : memref<128xi32, #tpu.memory_space<vmem>>) semaphore(%arg11 : memref<!tpu.dma_semaphore, #tpu.memory_space<semaphore_mem>>)
      %dma_start3A_68 = arith.constant 1 : i32
      %dma_start3A_69 = arith.constant 1 : i32
      %dma_start3A_70 = arith.constant 0 : i32
      %dma_start3A_71 = arith.constant 0 : i32
      %dma_start3A_72 = tpu.memref_slice %arg8[%dma_start3A_69, %dma_start3A_70, %dma_start3A_71] : memref<4x128x64xf32, #tpu.memory_space<vmem>> -> memref<1x128x64xf32, #tpu.memory_space<vmem>>
      %dma_start3A_73 = tpu.memref_squeeze %dma_start3A_72 : memref<1x128x64xf32, #tpu.memory_space<vmem>> -> memref<128x64xf32, #tpu.memory_space<vmem>>
      %dma_start3A_74 = arith.constant 0 : i32
      %dma_start3A_75 = tpu.memref_slice %arg6[%dma_start3A_68, %dma_start3A_74] : memref<40x128xi32, #tpu.memory_space<vmem>> -> memref<1x128xi32, #tpu.memory_space<vmem>>
      %dma_start3A_76 = tpu.memref_squeeze %dma_start3A_75 : memref<1x128xi32, #tpu.memory_space<vmem>> -> memref<128xi32, #tpu.memory_space<vmem>>
      %dma_start3A_77 = arith.constant 0 : i32
      %dma_start3A_78 = arith.constant 0 : i32
      %dma_start3A_79 = tpu.memref_slice %arg9[%dma_start3A_77, %dma_start3A_78] : memref<10240x64xf32, #tpu.memory_space<vmem_shared>> -> memref<10240x64xf32, #tpu.memory_space<vmem_shared>>
      tpu.enqueue_indirect_dma source(%dma_start3A_79 : memref<10240x64xf32, #tpu.memory_space<vmem_shared>>) target(%dma_start3A_73 : memref<128x64xf32, #tpu.memory_space<vmem>>) offsets(%dma_start3A_76 : memref<128xi32, #tpu.memory_space<vmem>>) semaphore(%arg11 : memref<!tpu.dma_semaphore, #tpu.memory_space<semaphore_mem>>)
      %scan3A_80 = arith.constant 0 : i32
      %scan3A_81 = arith.constant 10 : i32
      %scan3A_82 = arith.addi %scan3A_80, %scan3A_81 : i32
      %scan3A_83 = arith.constant 1 : i32
      scf.for %scan3A_109 = %scan3A_80 to %scan3A_82 step %scan3A_83  : i32 {
        %mul3A_110 = arith.constant 4 : i32
        %mul3A_111 = arith.muli %scan3A_109, %mul3A_110 : i32
        %add3A_112 = arith.constant 0 : i32
        %add3A_113 = arith.addi %add3A_112, %mul3A_111 : i32
        %add3A_114 = arith.constant 0 : i32
        %add3A_115 = arith.addi %add3A_113, %add3A_114 : i32
        %dma_wait3A_116 = arith.constant 0 : i32
        %dma_wait3A_117 = arith.constant 0 : i32
        %dma_wait3A_118 = arith.constant 0 : i32
        %dma_wait3A_119 = tpu.memref_slice %arg8[%dma_wait3A_116, %dma_wait3A_117, %dma_wait3A_118] : memref<4x128x64xf32, #tpu.memory_space<vmem>> -> memref<1x128x64xf32, #tpu.memory_space<vmem>>
        %dma_wait3A_120 = tpu.memref_squeeze %dma_wait3A_119 : memref<1x128x64xf32, #tpu.memory_space<vmem>> -> memref<128x64xf32, #tpu.memory_space<vmem>>
        %dma_wait3A_121 = arith.constant 0 : i32
        %dma_wait3A_122 = tpu.memref_slice %arg6[%add3A_115, %dma_wait3A_121] : memref<40x128xi32, #tpu.memory_space<vmem>> -> memref<1x128xi32, #tpu.memory_space<vmem>>
        %dma_wait3A_123 = tpu.memref_squeeze %dma_wait3A_122 : memref<1x128xi32, #tpu.memory_space<vmem>> -> memref<128xi32, #tpu.memory_space<vmem>>
        %dma_wait3A_124 = arith.constant 0 : i32
        %dma_wait3A_125 = arith.constant 0 : i32
        %dma_wait3A_126 = tpu.memref_slice %arg9[%dma_wait3A_124, %dma_wait3A_125] : memref<10240x64xf32, #tpu.memory_space<vmem_shared>> -> memref<10240x64xf32, #tpu.memory_space<vmem_shared>>
        tpu.wait_indirect_dma semaphore(%arg11 : memref<!tpu.dma_semaphore, #tpu.memory_space<semaphore_mem>>) src(%dma_wait3A_126 : memref<10240x64xf32, #tpu.memory_space<vmem_shared>>) dst(%dma_wait3A_120 : memref<128x64xf32, #tpu.memory_space<vmem>>)
        %dma_start3A_127 = arith.constant 0 : i32
        %dma_start3A_128 = arith.constant 0 : i32
        %dma_start3A_129 = arith.constant 0 : i32
        %dma_start3A_130 = tpu.memref_slice %arg8[%dma_start3A_127, %dma_start3A_128, %dma_start3A_129] : memref<4x128x64xf32, #tpu.memory_space<vmem>> -> memref<1x128x64xf32, #tpu.memory_space<vmem>>
        %dma_start3A_131 = tpu.memref_squeeze %dma_start3A_130 : memref<1x128x64xf32, #tpu.memory_space<vmem>> -> memref<128x64xf32, #tpu.memory_space<vmem>>
        %dma_start3A_132 = arith.constant 0 : i32
        %dma_start3A_133 = tpu.memref_slice %arg7[%add3A_115, %dma_start3A_132] : memref<40x128xi32, #tpu.memory_space<vmem>> -> memref<1x128xi32, #tpu.memory_space<vmem>>
        %dma_start3A_134 = tpu.memref_squeeze %dma_start3A_133 : memref<1x128xi32, #tpu.memory_space<vmem>> -> memref<128xi32, #tpu.memory_space<vmem>>
        %dma_start3A_135 = arith.constant 0 : i32
        %dma_start3A_136 = arith.constant 0 : i32
        %dma_start3A_137 = tpu.memref_slice %arg10[%dma_start3A_135, %dma_start3A_136] : memref<10240x64xf32, #tpu.memory_space<vmem_shared>> -> memref<10240x64xf32, #tpu.memory_space<vmem_shared>>
        tpu.enqueue_indirect_dma source(%dma_start3A_131 : memref<128x64xf32, #tpu.memory_space<vmem>>) target(%dma_start3A_137 : memref<10240x64xf32, #tpu.memory_space<vmem_shared>>) offsets(%dma_start3A_134 : memref<128xi32, #tpu.memory_space<vmem>>) semaphore(%arg12 : memref<!tpu.dma_semaphore, #tpu.memory_space<semaphore_mem>>) {add = true}
        %ge3A = arith.constant 2 : i32
        %ge3A_138 = arith.cmpi sge, %add3A_115, %ge3A : i32
        %convert_element_type3A = arith.extui %ge3A_138 : i1 to i32
        %cond3A = arith.constant 0 : i32
        %cond3A_139 = arith.cmpi ne, %convert_element_type3A, %cond3A : i32
        scf.if %cond3A_139 {
          %sub3A = arith.constant 2 : i32
          %sub3A_254 = arith.subi %add3A_115, %sub3A : i32
          %dma_wait3A_255 = arith.constant 2 : i32
          %dma_wait3A_256 = arith.constant 0 : i32
          %dma_wait3A_257 = arith.constant 0 : i32
          %dma_wait3A_258 = tpu.memref_slice %arg8[%dma_wait3A_255, %dma_wait3A_256, %dma_wait3A_257] : memref<4x128x64xf32, #tpu.memory_space<vmem>> -> memref<1x128x64xf32, #tpu.memory_space<vmem>>
          %dma_wait3A_259 = tpu.memref_squeeze %dma_wait3A_258 : memref<1x128x64xf32, #tpu.memory_space<vmem>> -> memref<128x64xf32, #tpu.memory_space<vmem>>
          %dma_wait3A_260 = arith.constant 0 : i32
          %dma_wait3A_261 = tpu.memref_slice %arg7[%sub3A_254, %dma_wait3A_260] : memref<40x128xi32, #tpu.memory_space<vmem>> -> memref<1x128xi32, #tpu.memory_space<vmem>>
          %dma_wait3A_262 = tpu.memref_squeeze %dma_wait3A_261 : memref<1x128xi32, #tpu.memory_space<vmem>> -> memref<128xi32, #tpu.memory_space<vmem>>
          %dma_wait3A_263 = arith.constant 0 : i32
          %dma_wait3A_264 = arith.constant 0 : i32
          %dma_wait3A_265 = tpu.memref_slice %arg10[%dma_wait3A_263, %dma_wait3A_264] : memref<10240x64xf32, #tpu.memory_space<vmem_shared>> -> memref<10240x64xf32, #tpu.memory_space<vmem_shared>>
          tpu.wait_indirect_dma semaphore(%arg12 : memref<!tpu.dma_semaphore, #tpu.memory_space<semaphore_mem>>) src(%dma_wait3A_259 : memref<128x64xf32, #tpu.memory_space<vmem>>) dst(%dma_wait3A_265 : memref<10240x64xf32, #tpu.memory_space<vmem_shared>>)
        } else {
        }
        %add3A_140 = arith.constant 2 : i32
        %add3A_141 = arith.addi %add3A_115, %add3A_140 : i32
        %lt3A = arith.constant 40 : i32
        %lt3A_142 = arith.cmpi slt, %add3A_141, %lt3A : i32
        %convert_element_type3A_143 = arith.extui %lt3A_142 : i1 to i32
        %cond3A_144 = arith.constant 0 : i32
        %cond3A_145 = arith.cmpi ne, %convert_element_type3A_143, %cond3A_144 : i32
        scf.if %cond3A_145 {
          %add3A_254 = arith.constant 2 : i32
          %add3A_255 = arith.addi %add3A_115, %add3A_254 : i32
          %dma_start3A_256 = arith.constant 2 : i32
          %dma_start3A_257 = arith.constant 0 : i32
          %dma_start3A_258 = arith.constant 0 : i32
          %dma_start3A_259 = tpu.memref_slice %arg8[%dma_start3A_256, %dma_start3A_257, %dma_start3A_258] : memref<4x128x64xf32, #tpu.memory_space<vmem>> -> memref<1x128x64xf32, #tpu.memory_space<vmem>>
          %dma_start3A_260 = tpu.memref_squeeze %dma_start3A_259 : memref<1x128x64xf32, #tpu.memory_space<vmem>> -> memref<128x64xf32, #tpu.memory_space<vmem>>
          %dma_start3A_261 = arith.constant 0 : i32
          %dma_start3A_262 = tpu.memref_slice %arg6[%add3A_255, %dma_start3A_261] : memref<40x128xi32, #tpu.memory_space<vmem>> -> memref<1x128xi32, #tpu.memory_space<vmem>>
          %dma_start3A_263 = tpu.memref_squeeze %dma_start3A_262 : memref<1x128xi32, #tpu.memory_space<vmem>> -> memref<128xi32, #tpu.memory_space<vmem>>
          %dma_start3A_264 = arith.constant 0 : i32
          %dma_start3A_265 = arith.constant 0 : i32
          %dma_start3A_266 = tpu.memref_slice %arg9[%dma_start3A_264, %dma_start3A_265] : memref<10240x64xf32, #tpu.memory_space<vmem_shared>> -> memref<10240x64xf32, #tpu.memory_space<vmem_shared>>
          tpu.enqueue_indirect_dma source(%dma_start3A_266 : memref<10240x64xf32, #tpu.memory_space<vmem_shared>>) target(%dma_start3A_260 : memref<128x64xf32, #tpu.memory_space<vmem>>) offsets(%dma_start3A_263 : memref<128xi32, #tpu.memory_space<vmem>>) semaphore(%arg11 : memref<!tpu.dma_semaphore, #tpu.memory_space<semaphore_mem>>)
        } else {
        }
        %add3A_146 = arith.constant 1 : i32
        %add3A_147 = arith.addi %add3A_113, %add3A_146 : i32
        %dma_wait3A_148 = arith.constant 1 : i32
        %dma_wait3A_149 = arith.constant 0 : i32
        %dma_wait3A_150 = arith.constant 0 : i32
        %dma_wait3A_151 = tpu.memref_slice %arg8[%dma_wait3A_148, %dma_wait3A_149, %dma_wait3A_150] : memref<4x128x64xf32, #tpu.memory_space<vmem>> -> memref<1x128x64xf32, #tpu.memory_space<vmem>>
        %dma_wait3A_152 = tpu.memref_squeeze %dma_wait3A_151 : memref<1x128x64xf32, #tpu.memory_space<vmem>> -> memref<128x64xf32, #tpu.memory_space<vmem>>
        %dma_wait3A_153 = arith.constant 0 : i32
        %dma_wait3A_154 = tpu.memref_slice %arg6[%add3A_147, %dma_wait3A_153] : memref<40x128xi32, #tpu.memory_space<vmem>> -> memref<1x128xi32, #tpu.memory_space<vmem>>
        %dma_wait3A_155 = tpu.memref_squeeze %dma_wait3A_154 : memref<1x128xi32, #tpu.memory_space<vmem>> -> memref<128xi32, #tpu.memory_space<vmem>>
        %dma_wait3A_156 = arith.constant 0 : i32
        %dma_wait3A_157 = arith.constant 0 : i32
        %dma_wait3A_158 = tpu.memref_slice %arg9[%dma_wait3A_156, %dma_wait3A_157] : memref<10240x64xf32, #tpu.memory_space<vmem_shared>> -> memref<10240x64xf32, #tpu.memory_space<vmem_shared>>
        tpu.wait_indirect_dma semaphore(%arg11 : memref<!tpu.dma_semaphore, #tpu.memory_space<semaphore_mem>>) src(%dma_wait3A_158 : memref<10240x64xf32, #tpu.memory_space<vmem_shared>>) dst(%dma_wait3A_152 : memref<128x64xf32, #tpu.memory_space<vmem>>)
        %dma_start3A_159 = arith.constant 1 : i32
        %dma_start3A_160 = arith.constant 0 : i32
        %dma_start3A_161 = arith.constant 0 : i32
        %dma_start3A_162 = tpu.memref_slice %arg8[%dma_start3A_159, %dma_start3A_160, %dma_start3A_161] : memref<4x128x64xf32, #tpu.memory_space<vmem>> -> memref<1x128x64xf32, #tpu.memory_space<vmem>>
        %dma_start3A_163 = tpu.memref_squeeze %dma_start3A_162 : memref<1x128x64xf32, #tpu.memory_space<vmem>> -> memref<128x64xf32, #tpu.memory_space<vmem>>
        %dma_start3A_164 = arith.constant 0 : i32
        %dma_start3A_165 = tpu.memref_slice %arg7[%add3A_147, %dma_start3A_164] : memref<40x128xi32, #tpu.memory_space<vmem>> -> memref<1x128xi32, #tpu.memory_space<vmem>>
        %dma_start3A_166 = tpu.memref_squeeze %dma_start3A_165 : memref<1x128xi32, #tpu.memory_space<vmem>> -> memref<128xi32, #tpu.memory_space<vmem>>
        %dma_start3A_167 = arith.constant 0 : i32
        %dma_start3A_168 = arith.constant 0 : i32
        %dma_start3A_169 = tpu.memref_slice %arg10[%dma_start3A_167, %dma_start3A_168] : memref<10240x64xf32, #tpu.memory_space<vmem_shared>> -> memref<10240x64xf32, #tpu.memory_space<vmem_shared>>
        tpu.enqueue_indirect_dma source(%dma_start3A_163 : memref<128x64xf32, #tpu.memory_space<vmem>>) target(%dma_start3A_169 : memref<10240x64xf32, #tpu.memory_space<vmem_shared>>) offsets(%dma_start3A_166 : memref<128xi32, #tpu.memory_space<vmem>>) semaphore(%arg12 : memref<!tpu.dma_semaphore, #tpu.memory_space<semaphore_mem>>) {add = true}
        %ge3A_170 = arith.constant 2 : i32
        %ge3A_171 = arith.cmpi sge, %add3A_147, %ge3A_170 : i32
        %convert_element_type3A_172 = arith.extui %ge3A_171 : i1 to i32
        %cond3A_173 = arith.constant 0 : i32
        %cond3A_174 = arith.cmpi ne, %convert_element_type3A_172, %cond3A_173 : i32
        scf.if %cond3A_174 {
          %sub3A = arith.constant 2 : i32
          %sub3A_254 = arith.subi %add3A_147, %sub3A : i32
          %dma_wait3A_255 = arith.constant 3 : i32
          %dma_wait3A_256 = arith.constant 0 : i32
          %dma_wait3A_257 = arith.constant 0 : i32
          %dma_wait3A_258 = tpu.memref_slice %arg8[%dma_wait3A_255, %dma_wait3A_256, %dma_wait3A_257] : memref<4x128x64xf32, #tpu.memory_space<vmem>> -> memref<1x128x64xf32, #tpu.memory_space<vmem>>
          %dma_wait3A_259 = tpu.memref_squeeze %dma_wait3A_258 : memref<1x128x64xf32, #tpu.memory_space<vmem>> -> memref<128x64xf32, #tpu.memory_space<vmem>>
          %dma_wait3A_260 = arith.constant 0 : i32
          %dma_wait3A_261 = tpu.memref_slice %arg7[%sub3A_254, %dma_wait3A_260] : memref<40x128xi32, #tpu.memory_space<vmem>> -> memref<1x128xi32, #tpu.memory_space<vmem>>
          %dma_wait3A_262 = tpu.memref_squeeze %dma_wait3A_261 : memref<1x128xi32, #tpu.memory_space<vmem>> -> memref<128xi32, #tpu.memory_space<vmem>>
          %dma_wait3A_263 = arith.constant 0 : i32
          %dma_wait3A_264 = arith.constant 0 : i32
          %dma_wait3A_265 = tpu.memref_slice %arg10[%dma_wait3A_263, %dma_wait3A_264] : memref<10240x64xf32, #tpu.memory_space<vmem_shared>> -> memref<10240x64xf32, #tpu.memory_space<vmem_shared>>
          tpu.wait_indirect_dma semaphore(%arg12 : memref<!tpu.dma_semaphore, #tpu.memory_space<semaphore_mem>>) src(%dma_wait3A_259 : memref<128x64xf32, #tpu.memory_space<vmem>>) dst(%dma_wait3A_265 : memref<10240x64xf32, #tpu.memory_space<vmem_shared>>)
        } else {
        }
        %add3A_175 = arith.constant 2 : i32
        %add3A_176 = arith.addi %add3A_147, %add3A_175 : i32
        %lt3A_177 = arith.constant 40 : i32
        %lt3A_178 = arith.cmpi slt, %add3A_176, %lt3A_177 : i32
        %convert_element_type3A_179 = arith.extui %lt3A_178 : i1 to i32
        %cond3A_180 = arith.constant 0 : i32
        %cond3A_181 = arith.cmpi ne, %convert_element_type3A_179, %cond3A_180 : i32
        scf.if %cond3A_181 {
          %add3A_254 = arith.constant 2 : i32
          %add3A_255 = arith.addi %add3A_147, %add3A_254 : i32
          %dma_start3A_256 = arith.constant 3 : i32
          %dma_start3A_257 = arith.constant 0 : i32
          %dma_start3A_258 = arith.constant 0 : i32
          %dma_start3A_259 = tpu.memref_slice %arg8[%dma_start3A_256, %dma_start3A_257, %dma_start3A_258] : memref<4x128x64xf32, #tpu.memory_space<vmem>> -> memref<1x128x64xf32, #tpu.memory_space<vmem>>
          %dma_start3A_260 = tpu.memref_squeeze %dma_start3A_259 : memref<1x128x64xf32, #tpu.memory_space<vmem>> -> memref<128x64xf32, #tpu.memory_space<vmem>>
          %dma_start3A_261 = arith.constant 0 : i32
          %dma_start3A_262 = tpu.memref_slice %arg6[%add3A_255, %dma_start3A_261] : memref<40x128xi32, #tpu.memory_space<vmem>> -> memref<1x128xi32, #tpu.memory_space<vmem>>
          %dma_start3A_263 = tpu.memref_squeeze %dma_start3A_262 : memref<1x128xi32, #tpu.memory_space<vmem>> -> memref<128xi32, #tpu.memory_space<vmem>>
          %dma_start3A_264 = arith.constant 0 : i32
          %dma_start3A_265 = arith.constant 0 : i32
          %dma_start3A_266 = tpu.memref_slice %arg9[%dma_start3A_264, %dma_start3A_265] : memref<10240x64xf32, #tpu.memory_space<vmem_shared>> -> memref<10240x64xf32, #tpu.memory_space<vmem_shared>>
          tpu.enqueue_indirect_dma source(%dma_start3A_266 : memref<10240x64xf32, #tpu.memory_space<vmem_shared>>) target(%dma_start3A_260 : memref<128x64xf32, #tpu.memory_space<vmem>>) offsets(%dma_start3A_263 : memref<128xi32, #tpu.memory_space<vmem>>) semaphore(%arg11 : memref<!tpu.dma_semaphore, #tpu.memory_space<semaphore_mem>>)
        } else {
        }
        %add3A_182 = arith.constant 2 : i32
        %add3A_183 = arith.addi %add3A_113, %add3A_182 : i32
        %dma_wait3A_184 = arith.constant 2 : i32
        %dma_wait3A_185 = arith.constant 0 : i32
        %dma_wait3A_186 = arith.constant 0 : i32
        %dma_wait3A_187 = tpu.memref_slice %arg8[%dma_wait3A_184, %dma_wait3A_185, %dma_wait3A_186] : memref<4x128x64xf32, #tpu.memory_space<vmem>> -> memref<1x128x64xf32, #tpu.memory_space<vmem>>
        %dma_wait3A_188 = tpu.memref_squeeze %dma_wait3A_187 : memref<1x128x64xf32, #tpu.memory_space<vmem>> -> memref<128x64xf32, #tpu.memory_space<vmem>>
        %dma_wait3A_189 = arith.constant 0 : i32
        %dma_wait3A_190 = tpu.memref_slice %arg6[%add3A_183, %dma_wait3A_189] : memref<40x128xi32, #tpu.memory_space<vmem>> -> memref<1x128xi32, #tpu.memory_space<vmem>>
        %dma_wait3A_191 = tpu.memref_squeeze %dma_wait3A_190 : memref<1x128xi32, #tpu.memory_space<vmem>> -> memref<128xi32, #tpu.memory_space<vmem>>
        %dma_wait3A_192 = arith.constant 0 : i32
        %dma_wait3A_193 = arith.constant 0 : i32
        %dma_wait3A_194 = tpu.memref_slice %arg9[%dma_wait3A_192, %dma_wait3A_193] : memref<10240x64xf32, #tpu.memory_space<vmem_shared>> -> memref<10240x64xf32, #tpu.memory_space<vmem_shared>>
        tpu.wait_indirect_dma semaphore(%arg11 : memref<!tpu.dma_semaphore, #tpu.memory_space<semaphore_mem>>) src(%dma_wait3A_194 : memref<10240x64xf32, #tpu.memory_space<vmem_shared>>) dst(%dma_wait3A_188 : memref<128x64xf32, #tpu.memory_space<vmem>>)
        %dma_start3A_195 = arith.constant 2 : i32
        %dma_start3A_196 = arith.constant 0 : i32
        %dma_start3A_197 = arith.constant 0 : i32
        %dma_start3A_198 = tpu.memref_slice %arg8[%dma_start3A_195, %dma_start3A_196, %dma_start3A_197] : memref<4x128x64xf32, #tpu.memory_space<vmem>> -> memref<1x128x64xf32, #tpu.memory_space<vmem>>
        %dma_start3A_199 = tpu.memref_squeeze %dma_start3A_198 : memref<1x128x64xf32, #tpu.memory_space<vmem>> -> memref<128x64xf32, #tpu.memory_space<vmem>>
        %dma_start3A_200 = arith.constant 0 : i32
        %dma_start3A_201 = tpu.memref_slice %arg7[%add3A_183, %dma_start3A_200] : memref<40x128xi32, #tpu.memory_space<vmem>> -> memref<1x128xi32, #tpu.memory_space<vmem>>
        %dma_start3A_202 = tpu.memref_squeeze %dma_start3A_201 : memref<1x128xi32, #tpu.memory_space<vmem>> -> memref<128xi32, #tpu.memory_space<vmem>>
        %dma_start3A_203 = arith.constant 0 : i32
        %dma_start3A_204 = arith.constant 0 : i32
        %dma_start3A_205 = tpu.memref_slice %arg10[%dma_start3A_203, %dma_start3A_204] : memref<10240x64xf32, #tpu.memory_space<vmem_shared>> -> memref<10240x64xf32, #tpu.memory_space<vmem_shared>>
        tpu.enqueue_indirect_dma source(%dma_start3A_199 : memref<128x64xf32, #tpu.memory_space<vmem>>) target(%dma_start3A_205 : memref<10240x64xf32, #tpu.memory_space<vmem_shared>>) offsets(%dma_start3A_202 : memref<128xi32, #tpu.memory_space<vmem>>) semaphore(%arg12 : memref<!tpu.dma_semaphore, #tpu.memory_space<semaphore_mem>>) {add = true}
        %ge3A_206 = arith.constant 2 : i32
        %ge3A_207 = arith.cmpi sge, %add3A_183, %ge3A_206 : i32
        %convert_element_type3A_208 = arith.extui %ge3A_207 : i1 to i32
        %cond3A_209 = arith.constant 0 : i32
        %cond3A_210 = arith.cmpi ne, %convert_element_type3A_208, %cond3A_209 : i32
        scf.if %cond3A_210 {
          %sub3A = arith.constant 2 : i32
          %sub3A_254 = arith.subi %add3A_183, %sub3A : i32
          %dma_wait3A_255 = arith.constant 0 : i32
          %dma_wait3A_256 = arith.constant 0 : i32
          %dma_wait3A_257 = arith.constant 0 : i32
          %dma_wait3A_258 = tpu.memref_slice %arg8[%dma_wait3A_255, %dma_wait3A_256, %dma_wait3A_257] : memref<4x128x64xf32, #tpu.memory_space<vmem>> -> memref<1x128x64xf32, #tpu.memory_space<vmem>>
          %dma_wait3A_259 = tpu.memref_squeeze %dma_wait3A_258 : memref<1x128x64xf32, #tpu.memory_space<vmem>> -> memref<128x64xf32, #tpu.memory_space<vmem>>
          %dma_wait3A_260 = arith.constant 0 : i32
          %dma_wait3A_261 = tpu.memref_slice %arg7[%sub3A_254, %dma_wait3A_260] : memref<40x128xi32, #tpu.memory_space<vmem>> -> memref<1x128xi32, #tpu.memory_space<vmem>>
          %dma_wait3A_262 = tpu.memref_squeeze %dma_wait3A_261 : memref<1x128xi32, #tpu.memory_space<vmem>> -> memref<128xi32, #tpu.memory_space<vmem>>
          %dma_wait3A_263 = arith.constant 0 : i32
          %dma_wait3A_264 = arith.constant 0 : i32
          %dma_wait3A_265 = tpu.memref_slice %arg10[%dma_wait3A_263, %dma_wait3A_264] : memref<10240x64xf32, #tpu.memory_space<vmem_shared>> -> memref<10240x64xf32, #tpu.memory_space<vmem_shared>>
          tpu.wait_indirect_dma semaphore(%arg12 : memref<!tpu.dma_semaphore, #tpu.memory_space<semaphore_mem>>) src(%dma_wait3A_259 : memref<128x64xf32, #tpu.memory_space<vmem>>) dst(%dma_wait3A_265 : memref<10240x64xf32, #tpu.memory_space<vmem_shared>>)
        } else {
        }
        %add3A_211 = arith.constant 2 : i32
        %add3A_212 = arith.addi %add3A_183, %add3A_211 : i32
        %lt3A_213 = arith.constant 40 : i32
        %lt3A_214 = arith.cmpi slt, %add3A_212, %lt3A_213 : i32
        %convert_element_type3A_215 = arith.extui %lt3A_214 : i1 to i32
        %cond3A_216 = arith.constant 0 : i32
        %cond3A_217 = arith.cmpi ne, %convert_element_type3A_215, %cond3A_216 : i32
        scf.if %cond3A_217 {
          %add3A_254 = arith.constant 2 : i32
          %add3A_255 = arith.addi %add3A_183, %add3A_254 : i32
          %dma_start3A_256 = arith.constant 0 : i32
          %dma_start3A_257 = arith.constant 0 : i32
          %dma_start3A_258 = arith.constant 0 : i32
          %dma_start3A_259 = tpu.memref_slice %arg8[%dma_start3A_256, %dma_start3A_257, %dma_start3A_258] : memref<4x128x64xf32, #tpu.memory_space<vmem>> -> memref<1x128x64xf32, #tpu.memory_space<vmem>>
          %dma_start3A_260 = tpu.memref_squeeze %dma_start3A_259 : memref<1x128x64xf32, #tpu.memory_space<vmem>> -> memref<128x64xf32, #tpu.memory_space<vmem>>
          %dma_start3A_261 = arith.constant 0 : i32
          %dma_start3A_262 = tpu.memref_slice %arg6[%add3A_255, %dma_start3A_261] : memref<40x128xi32, #tpu.memory_space<vmem>> -> memref<1x128xi32, #tpu.memory_space<vmem>>
          %dma_start3A_263 = tpu.memref_squeeze %dma_start3A_262 : memref<1x128xi32, #tpu.memory_space<vmem>> -> memref<128xi32, #tpu.memory_space<vmem>>
          %dma_start3A_264 = arith.constant 0 : i32
          %dma_start3A_265 = arith.constant 0 : i32
          %dma_start3A_266 = tpu.memref_slice %arg9[%dma_start3A_264, %dma_start3A_265] : memref<10240x64xf32, #tpu.memory_space<vmem_shared>> -> memref<10240x64xf32, #tpu.memory_space<vmem_shared>>
          tpu.enqueue_indirect_dma source(%dma_start3A_266 : memref<10240x64xf32, #tpu.memory_space<vmem_shared>>) target(%dma_start3A_260 : memref<128x64xf32, #tpu.memory_space<vmem>>) offsets(%dma_start3A_263 : memref<128xi32, #tpu.memory_space<vmem>>) semaphore(%arg11 : memref<!tpu.dma_semaphore, #tpu.memory_space<semaphore_mem>>)
        } else {
        }
        %add3A_218 = arith.constant 3 : i32
        %add3A_219 = arith.addi %add3A_113, %add3A_218 : i32
        %dma_wait3A_220 = arith.constant 3 : i32
        %dma_wait3A_221 = arith.constant 0 : i32
        %dma_wait3A_222 = arith.constant 0 : i32
        %dma_wait3A_223 = tpu.memref_slice %arg8[%dma_wait3A_220, %dma_wait3A_221, %dma_wait3A_222] : memref<4x128x64xf32, #tpu.memory_space<vmem>> -> memref<1x128x64xf32, #tpu.memory_space<vmem>>
        %dma_wait3A_224 = tpu.memref_squeeze %dma_wait3A_223 : memref<1x128x64xf32, #tpu.memory_space<vmem>> -> memref<128x64xf32, #tpu.memory_space<vmem>>
        %dma_wait3A_225 = arith.constant 0 : i32
        %dma_wait3A_226 = tpu.memref_slice %arg6[%add3A_219, %dma_wait3A_225] : memref<40x128xi32, #tpu.memory_space<vmem>> -> memref<1x128xi32, #tpu.memory_space<vmem>>
        %dma_wait3A_227 = tpu.memref_squeeze %dma_wait3A_226 : memref<1x128xi32, #tpu.memory_space<vmem>> -> memref<128xi32, #tpu.memory_space<vmem>>
        %dma_wait3A_228 = arith.constant 0 : i32
        %dma_wait3A_229 = arith.constant 0 : i32
        %dma_wait3A_230 = tpu.memref_slice %arg9[%dma_wait3A_228, %dma_wait3A_229] : memref<10240x64xf32, #tpu.memory_space<vmem_shared>> -> memref<10240x64xf32, #tpu.memory_space<vmem_shared>>
        tpu.wait_indirect_dma semaphore(%arg11 : memref<!tpu.dma_semaphore, #tpu.memory_space<semaphore_mem>>) src(%dma_wait3A_230 : memref<10240x64xf32, #tpu.memory_space<vmem_shared>>) dst(%dma_wait3A_224 : memref<128x64xf32, #tpu.memory_space<vmem>>)
        %dma_start3A_231 = arith.constant 3 : i32
        %dma_start3A_232 = arith.constant 0 : i32
        %dma_start3A_233 = arith.constant 0 : i32
        %dma_start3A_234 = tpu.memref_slice %arg8[%dma_start3A_231, %dma_start3A_232, %dma_start3A_233] : memref<4x128x64xf32, #tpu.memory_space<vmem>> -> memref<1x128x64xf32, #tpu.memory_space<vmem>>
        %dma_start3A_235 = tpu.memref_squeeze %dma_start3A_234 : memref<1x128x64xf32, #tpu.memory_space<vmem>> -> memref<128x64xf32, #tpu.memory_space<vmem>>
        %dma_start3A_236 = arith.constant 0 : i32
        %dma_start3A_237 = tpu.memref_slice %arg7[%add3A_219, %dma_start3A_236] : memref<40x128xi32, #tpu.memory_space<vmem>> -> memref<1x128xi32, #tpu.memory_space<vmem>>
        %dma_start3A_238 = tpu.memref_squeeze %dma_start3A_237 : memref<1x128xi32, #tpu.memory_space<vmem>> -> memref<128xi32, #tpu.memory_space<vmem>>
        %dma_start3A_239 = arith.constant 0 : i32
        %dma_start3A_240 = arith.constant 0 : i32
        %dma_start3A_241 = tpu.memref_slice %arg10[%dma_start3A_239, %dma_start3A_240] : memref<10240x64xf32, #tpu.memory_space<vmem_shared>> -> memref<10240x64xf32, #tpu.memory_space<vmem_shared>>
        tpu.enqueue_indirect_dma source(%dma_start3A_235 : memref<128x64xf32, #tpu.memory_space<vmem>>) target(%dma_start3A_241 : memref<10240x64xf32, #tpu.memory_space<vmem_shared>>) offsets(%dma_start3A_238 : memref<128xi32, #tpu.memory_space<vmem>>) semaphore(%arg12 : memref<!tpu.dma_semaphore, #tpu.memory_space<semaphore_mem>>) {add = true}
        %ge3A_242 = arith.constant 2 : i32
        %ge3A_243 = arith.cmpi sge, %add3A_219, %ge3A_242 : i32
        %convert_element_type3A_244 = arith.extui %ge3A_243 : i1 to i32
        %cond3A_245 = arith.constant 0 : i32
        %cond3A_246 = arith.cmpi ne, %convert_element_type3A_244, %cond3A_245 : i32
        scf.if %cond3A_246 {
          %sub3A = arith.constant 2 : i32
          %sub3A_254 = arith.subi %add3A_219, %sub3A : i32
          %dma_wait3A_255 = arith.constant 1 : i32
          %dma_wait3A_256 = arith.constant 0 : i32
          %dma_wait3A_257 = arith.constant 0 : i32
          %dma_wait3A_258 = tpu.memref_slice %arg8[%dma_wait3A_255, %dma_wait3A_256, %dma_wait3A_257] : memref<4x128x64xf32, #tpu.memory_space<vmem>> -> memref<1x128x64xf32, #tpu.memory_space<vmem>>
          %dma_wait3A_259 = tpu.memref_squeeze %dma_wait3A_258 : memref<1x128x64xf32, #tpu.memory_space<vmem>> -> memref<128x64xf32, #tpu.memory_space<vmem>>
          %dma_wait3A_260 = arith.constant 0 : i32
          %dma_wait3A_261 = tpu.memref_slice %arg7[%sub3A_254, %dma_wait3A_260] : memref<40x128xi32, #tpu.memory_space<vmem>> -> memref<1x128xi32, #tpu.memory_space<vmem>>
          %dma_wait3A_262 = tpu.memref_squeeze %dma_wait3A_261 : memref<1x128xi32, #tpu.memory_space<vmem>> -> memref<128xi32, #tpu.memory_space<vmem>>
          %dma_wait3A_263 = arith.constant 0 : i32
          %dma_wait3A_264 = arith.constant 0 : i32
          %dma_wait3A_265 = tpu.memref_slice %arg10[%dma_wait3A_263, %dma_wait3A_264] : memref<10240x64xf32, #tpu.memory_space<vmem_shared>> -> memref<10240x64xf32, #tpu.memory_space<vmem_shared>>
          tpu.wait_indirect_dma semaphore(%arg12 : memref<!tpu.dma_semaphore, #tpu.memory_space<semaphore_mem>>) src(%dma_wait3A_259 : memref<128x64xf32, #tpu.memory_space<vmem>>) dst(%dma_wait3A_265 : memref<10240x64xf32, #tpu.memory_space<vmem_shared>>)
        } else {
        }
        %add3A_247 = arith.constant 2 : i32
        %add3A_248 = arith.addi %add3A_219, %add3A_247 : i32
        %lt3A_249 = arith.constant 40 : i32
        %lt3A_250 = arith.cmpi slt, %add3A_248, %lt3A_249 : i32
        %convert_element_type3A_251 = arith.extui %lt3A_250 : i1 to i32
        %cond3A_252 = arith.constant 0 : i32
        %cond3A_253 = arith.cmpi ne, %convert_element_type3A_251, %cond3A_252 : i32
        scf.if %cond3A_253 {
          %add3A_254 = arith.constant 2 : i32
          %add3A_255 = arith.addi %add3A_219, %add3A_254 : i32
          %dma_start3A_256 = arith.constant 1 : i32
          %dma_start3A_257 = arith.constant 0 : i32
          %dma_start3A_258 = arith.constant 0 : i32
          %dma_start3A_259 = tpu.memref_slice %arg8[%dma_start3A_256, %dma_start3A_257, %dma_start3A_258] : memref<4x128x64xf32, #tpu.memory_space<vmem>> -> memref<1x128x64xf32, #tpu.memory_space<vmem>>
          %dma_start3A_260 = tpu.memref_squeeze %dma_start3A_259 : memref<1x128x64xf32, #tpu.memory_space<vmem>> -> memref<128x64xf32, #tpu.memory_space<vmem>>
          %dma_start3A_261 = arith.constant 0 : i32
          %dma_start3A_262 = tpu.memref_slice %arg6[%add3A_255, %dma_start3A_261] : memref<40x128xi32, #tpu.memory_space<vmem>> -> memref<1x128xi32, #tpu.memory_space<vmem>>
          %dma_start3A_263 = tpu.memref_squeeze %dma_start3A_262 : memref<1x128xi32, #tpu.memory_space<vmem>> -> memref<128xi32, #tpu.memory_space<vmem>>
          %dma_start3A_264 = arith.constant 0 : i32
          %dma_start3A_265 = arith.constant 0 : i32
          %dma_start3A_266 = tpu.memref_slice %arg9[%dma_start3A_264, %dma_start3A_265] : memref<10240x64xf32, #tpu.memory_space<vmem_shared>> -> memref<10240x64xf32, #tpu.memory_space<vmem_shared>>
          tpu.enqueue_indirect_dma source(%dma_start3A_266 : memref<10240x64xf32, #tpu.memory_space<vmem_shared>>) target(%dma_start3A_260 : memref<128x64xf32, #tpu.memory_space<vmem>>) offsets(%dma_start3A_263 : memref<128xi32, #tpu.memory_space<vmem>>) semaphore(%arg11 : memref<!tpu.dma_semaphore, #tpu.memory_space<semaphore_mem>>)
        } else {
        }
      }
      %scan3A_84 = arith.constant 10 : i32
      %dma_wait3A_85 = arith.constant 2 : i32
      %dma_wait3A_86 = arith.constant 38 : i32
      %dma_wait3A_87 = arith.constant 0 : i32
      %dma_wait3A_88 = arith.constant 0 : i32
      %dma_wait3A_89 = tpu.memref_slice %arg8[%dma_wait3A_85, %dma_wait3A_87, %dma_wait3A_88] : memref<4x128x64xf32, #tpu.memory_space<vmem>> -> memref<1x128x64xf32, #tpu.memory_space<vmem>>
      %dma_wait3A_90 = tpu.memref_squeeze %dma_wait3A_89 : memref<1x128x64xf32, #tpu.memory_space<vmem>> -> memref<128x64xf32, #tpu.memory_space<vmem>>
      %dma_wait3A_91 = arith.constant 0 : i32
      %dma_wait3A_92 = tpu.memref_slice %arg7[%dma_wait3A_86, %dma_wait3A_91] : memref<40x128xi32, #tpu.memory_space<vmem>> -> memref<1x128xi32, #tpu.memory_space<vmem>>
      %dma_wait3A_93 = tpu.memref_squeeze %dma_wait3A_92 : memref<1x128xi32, #tpu.memory_space<vmem>> -> memref<128xi32, #tpu.memory_space<vmem>>
      %dma_wait3A_94 = arith.constant 0 : i32
      %dma_wait3A_95 = arith.constant 0 : i32
      %dma_wait3A_96 = tpu.memref_slice %arg10[%dma_wait3A_94, %dma_wait3A_95] : memref<10240x64xf32, #tpu.memory_space<vmem_shared>> -> memref<10240x64xf32, #tpu.memory_space<vmem_shared>>
      tpu.wait_indirect_dma semaphore(%arg12 : memref<!tpu.dma_semaphore, #tpu.memory_space<semaphore_mem>>) src(%dma_wait3A_90 : memref<128x64xf32, #tpu.memory_space<vmem>>) dst(%dma_wait3A_96 : memref<10240x64xf32, #tpu.memory_space<vmem_shared>>)
      %dma_wait3A_97 = arith.constant 3 : i32
      %dma_wait3A_98 = arith.constant 39 : i32
      %dma_wait3A_99 = arith.constant 0 : i32
      %dma_wait3A_100 = arith.constant 0 : i32
      %dma_wait3A_101 = tpu.memref_slice %arg8[%dma_wait3A_97, %dma_wait3A_99, %dma_wait3A_100] : memref<4x128x64xf32, #tpu.memory_space<vmem>> -> memref<1x128x64xf32, #tpu.memory_space<vmem>>
      %dma_wait3A_102 = tpu.memref_squeeze %dma_wait3A_101 : memref<1x128x64xf32, #tpu.memory_space<vmem>> -> memref<128x64xf32, #tpu.memory_space<vmem>>
      %dma_wait3A_103 = arith.constant 0 : i32
      %dma_wait3A_104 = tpu.memref_slice %arg7[%dma_wait3A_98, %dma_wait3A_103] : memref<40x128xi32, #tpu.memory_space<vmem>> -> memref<1x128xi32, #tpu.memory_space<vmem>>
      %dma_wait3A_105 = tpu.memref_squeeze %dma_wait3A_104 : memref<1x128xi32, #tpu.memory_space<vmem>> -> memref<128xi32, #tpu.memory_space<vmem>>
      %dma_wait3A_106 = arith.constant 0 : i32
      %dma_wait3A_107 = arith.constant 0 : i32
      %dma_wait3A_108 = tpu.memref_slice %arg10[%dma_wait3A_106, %dma_wait3A_107] : memref<10240x64xf32, #tpu.memory_space<vmem_shared>> -> memref<10240x64xf32, #tpu.memory_space<vmem_shared>>
      tpu.wait_indirect_dma semaphore(%arg12 : memref<!tpu.dma_semaphore, #tpu.memory_space<semaphore_mem>>) src(%dma_wait3A_102 : memref<128x64xf32, #tpu.memory_space<vmem>>) dst(%dma_wait3A_108 : memref<10240x64xf32, #tpu.memory_space<vmem_shared>>)
    }
    %scan3A_14 = arith.constant 4 : i32
    %barrier3A_15 = arith.constant 0 : index
    tpu.barrier barrier_id(%barrier3A_15)
    "tpu.region"() ({
      %run_scoped3A = tpu.sem_alloc : memref<!tpu.dma_semaphore, #tpu.memory_space<semaphore_mem>>
      %dma_start3A_16 = tpu.memref_slice %arg5[%mul3A_0, %mul3A_2] : memref<10240x128xf32, #tpu.memory_space<hbm>> -> memref<640x64xf32, #tpu.memory_space<hbm>>
      %dma_start3A_17 = arith.constant 0 : i32
      %dma_start3A_18 = tpu.memref_slice %arg10[%mul3A_0, %dma_start3A_17] : memref<10240x64xf32, #tpu.memory_space<vmem_shared>> -> memref<640x64xf32, #tpu.memory_space<vmem_shared>>
      tpu.enqueue_dma source(%dma_start3A_18 : memref<640x64xf32, #tpu.memory_space<vmem_shared>>) target(%dma_start3A_16 : memref<640x64xf32, #tpu.memory_space<hbm>>) target_semaphore(%run_scoped3A : memref<!tpu.dma_semaphore, #tpu.memory_space<semaphore_mem>>)
      %dma_wait3A_19 = tpu.memref_slice %arg5[%mul3A_0, %mul3A_2] : memref<10240x128xf32, #tpu.memory_space<hbm>> -> memref<640x64xf32, #tpu.memory_space<hbm>>
      %dma_wait3A_20 = arith.constant 0 : i32
      %dma_wait3A_21 = tpu.memref_slice %arg10[%mul3A_0, %dma_wait3A_20] : memref<10240x64xf32, #tpu.memory_space<vmem_shared>> -> memref<640x64xf32, #tpu.memory_space<vmem_shared>>
      tpu.wait_dma2 semaphore(%run_scoped3A : memref<!tpu.dma_semaphore, #tpu.memory_space<semaphore_mem>>) src(%dma_wait3A_21 : memref<640x64xf32, #tpu.memory_space<vmem_shared>>) dst(%dma_wait3A_19 : memref<640x64xf32, #tpu.memory_space<hbm>>)
      tpu.yield
    }) : () -> ()
    return
  }
}

#map = affine_map<(d0, d1) -> (0, 0)>
#map1 = affine_map<(d0, d1) -> (0, 0, 0, 0)>
#map2 = affine_map<(d0, d1) -> (0, 0, 0)>
module attributes {stable_mosaic.version = 14 : i64} {
  func.func @_sc_agg16(%arg0: i32, %arg1: i32, %arg2: memref<10240x128xf32, #tpu.memory_space<hbm>>, %arg3: memref<2x32x80x128xi32, #tpu.memory_space<hbm>>, %arg4: memref<640x16xf32, #tpu.memory_space<hbm>>, %arg5: memref<2x10240x128xf32, #tpu.memory_space<hbm>>, %arg6: memref<80x128xi32, #tpu.memory_space<vmem>>, %arg7: memref<80x128xi32, #tpu.memory_space<vmem>>, %arg8: memref<2x128x16xf32, #tpu.memory_space<vmem>>, %arg9: memref<10240x16xf32, #tpu.memory_space<vmem_shared>>, %arg10: memref<10240x16xf32, #tpu.memory_space<vmem_shared>>, %arg11: memref<!tpu.dma_semaphore, #tpu.memory_space<semaphore_mem>>) attributes {dimension_semantics = [#tpu.dimension_semantics<core_parallel>, #tpu.dimension_semantics<subcore_parallel>], iteration_bounds = array<i64: 2, 16>, scalar_prefetch = 0 : i64, scratch_operands = 6 : i64, tpu.core_type = #tpu.core_type<sc_vector_subcore>, window_params = [{transform_indices = #map}, {transform_indices = #map1}, {transform_indices = #map}, {transform_indices = #map2}]} {
    %mul3A = arith.constant 16 : i32
    %mul3A_0 = arith.muli %arg0, %mul3A : i32
    %add3A = arith.addi %mul3A_0, %arg1 : i32
    %mul3A_1 = arith.constant 640 : i32
    %mul3A_2 = arith.muli %arg1, %mul3A_1 : i32
    %dma_start3A = arith.constant 0 : i32
    %dma_start3A_3 = tpu.memref_slice %arg9[%mul3A_2, %dma_start3A] : memref<10240x16xf32, #tpu.memory_space<vmem_shared>> -> memref<640x16xf32, #tpu.memory_space<vmem_shared>>
    %dma_start3A_4 = arith.constant 0 : i32
    %dma_start3A_5 = tpu.memref_slice %arg2[%mul3A_2, %dma_start3A_4] : memref<10240x128xf32, #tpu.memory_space<hbm>> -> memref<640x16xf32, #tpu.memory_space<hbm>>
    tpu.enqueue_dma source(%dma_start3A_5 : memref<640x16xf32, #tpu.memory_space<hbm>>) target(%dma_start3A_3 : memref<640x16xf32, #tpu.memory_space<vmem_shared>>) target_semaphore(%arg11 : memref<!tpu.dma_semaphore, #tpu.memory_space<semaphore_mem>>)
    %dma_start3A_6 = arith.constant 0 : i32
    %dma_start3A_7 = tpu.memref_slice %arg10[%mul3A_2, %dma_start3A_6] : memref<10240x16xf32, #tpu.memory_space<vmem_shared>> -> memref<640x16xf32, #tpu.memory_space<vmem_shared>>
    tpu.enqueue_dma source(%arg4 : memref<640x16xf32, #tpu.memory_space<hbm>>) target(%dma_start3A_7 : memref<640x16xf32, #tpu.memory_space<vmem_shared>>) target_semaphore(%arg11 : memref<!tpu.dma_semaphore, #tpu.memory_space<semaphore_mem>>)
    %dma_start3A_8 = arith.constant 0 : i32
    %dma_start3A_9 = arith.constant 0 : i32
    %dma_start3A_10 = arith.constant 0 : i32
    %dma_start3A_11 = tpu.memref_slice %arg3[%dma_start3A_8, %add3A, %dma_start3A_9, %dma_start3A_10] : memref<2x32x80x128xi32, #tpu.memory_space<hbm>> -> memref<1x1x80x128xi32, #tpu.memory_space<hbm>>
    %dma_start3A_12 = tpu.memref_squeeze %dma_start3A_11 : memref<1x1x80x128xi32, #tpu.memory_space<hbm>> -> memref<80x128xi32, #tpu.memory_space<hbm>>
    %dma_start3A_13 = arith.constant 0 : i32
    %dma_start3A_14 = arith.constant 0 : i32
    %dma_start3A_15 = tpu.memref_slice %arg3[%dma_start3A_8, %add3A, %dma_start3A_13, %dma_start3A_14] : memref<2x32x80x128xi32, #tpu.memory_space<hbm>> -> memref<1x1x80x128xi32, #tpu.memory_space<hbm>>
    %dma_start3A_16 = tpu.memref_squeeze %dma_start3A_15 : memref<1x1x80x128xi32, #tpu.memory_space<hbm>> -> memref<80x128xi32, #tpu.memory_space<hbm>>
    tpu.enqueue_dma source(%dma_start3A_16 : memref<80x128xi32, #tpu.memory_space<hbm>>) target(%arg6 : memref<80x128xi32, #tpu.memory_space<vmem>>) target_semaphore(%arg11 : memref<!tpu.dma_semaphore, #tpu.memory_space<semaphore_mem>>)
    %dma_start3A_17 = arith.constant 1 : i32
    %dma_start3A_18 = arith.constant 0 : i32
    %dma_start3A_19 = arith.constant 0 : i32
    %dma_start3A_20 = tpu.memref_slice %arg3[%dma_start3A_17, %add3A, %dma_start3A_18, %dma_start3A_19] : memref<2x32x80x128xi32, #tpu.memory_space<hbm>> -> memref<1x1x80x128xi32, #tpu.memory_space<hbm>>
    %dma_start3A_21 = tpu.memref_squeeze %dma_start3A_20 : memref<1x1x80x128xi32, #tpu.memory_space<hbm>> -> memref<80x128xi32, #tpu.memory_space<hbm>>
    %dma_start3A_22 = arith.constant 0 : i32
    %dma_start3A_23 = arith.constant 0 : i32
    %dma_start3A_24 = tpu.memref_slice %arg3[%dma_start3A_17, %add3A, %dma_start3A_22, %dma_start3A_23] : memref<2x32x80x128xi32, #tpu.memory_space<hbm>> -> memref<1x1x80x128xi32, #tpu.memory_space<hbm>>
    %dma_start3A_25 = tpu.memref_squeeze %dma_start3A_24 : memref<1x1x80x128xi32, #tpu.memory_space<hbm>> -> memref<80x128xi32, #tpu.memory_space<hbm>>
    tpu.enqueue_dma source(%dma_start3A_25 : memref<80x128xi32, #tpu.memory_space<hbm>>) target(%arg7 : memref<80x128xi32, #tpu.memory_space<vmem>>) target_semaphore(%arg11 : memref<!tpu.dma_semaphore, #tpu.memory_space<semaphore_mem>>)
    %dma_wait3A = arith.constant 0 : i32
    %dma_wait3A_26 = tpu.memref_slice %arg9[%mul3A_2, %dma_wait3A] : memref<10240x16xf32, #tpu.memory_space<vmem_shared>> -> memref<640x16xf32, #tpu.memory_space<vmem_shared>>
    %dma_wait3A_27 = arith.constant 0 : i32
    %dma_wait3A_28 = tpu.memref_slice %arg2[%mul3A_2, %dma_wait3A_27] : memref<10240x128xf32, #tpu.memory_space<hbm>> -> memref<640x16xf32, #tpu.memory_space<hbm>>
    tpu.wait_dma2 semaphore(%arg11 : memref<!tpu.dma_semaphore, #tpu.memory_space<semaphore_mem>>) src(%dma_wait3A_28 : memref<640x16xf32, #tpu.memory_space<hbm>>) dst(%dma_wait3A_26 : memref<640x16xf32, #tpu.memory_space<vmem_shared>>)
    %dma_wait3A_29 = arith.constant 0 : i32
    %dma_wait3A_30 = tpu.memref_slice %arg10[%mul3A_2, %dma_wait3A_29] : memref<10240x16xf32, #tpu.memory_space<vmem_shared>> -> memref<640x16xf32, #tpu.memory_space<vmem_shared>>
    tpu.wait_dma2 semaphore(%arg11 : memref<!tpu.dma_semaphore, #tpu.memory_space<semaphore_mem>>) src(%arg4 : memref<640x16xf32, #tpu.memory_space<hbm>>) dst(%dma_wait3A_30 : memref<640x16xf32, #tpu.memory_space<vmem_shared>>)
    %dma_wait3A_31 = arith.constant 0 : i32
    %dma_wait3A_32 = arith.constant 0 : i32
    %dma_wait3A_33 = arith.constant 0 : i32
    %dma_wait3A_34 = tpu.memref_slice %arg3[%dma_wait3A_31, %add3A, %dma_wait3A_32, %dma_wait3A_33] : memref<2x32x80x128xi32, #tpu.memory_space<hbm>> -> memref<1x1x80x128xi32, #tpu.memory_space<hbm>>
    %dma_wait3A_35 = tpu.memref_squeeze %dma_wait3A_34 : memref<1x1x80x128xi32, #tpu.memory_space<hbm>> -> memref<80x128xi32, #tpu.memory_space<hbm>>
    %dma_wait3A_36 = arith.constant 0 : i32
    %dma_wait3A_37 = arith.constant 0 : i32
    %dma_wait3A_38 = tpu.memref_slice %arg3[%dma_wait3A_31, %add3A, %dma_wait3A_36, %dma_wait3A_37] : memref<2x32x80x128xi32, #tpu.memory_space<hbm>> -> memref<1x1x80x128xi32, #tpu.memory_space<hbm>>
    %dma_wait3A_39 = tpu.memref_squeeze %dma_wait3A_38 : memref<1x1x80x128xi32, #tpu.memory_space<hbm>> -> memref<80x128xi32, #tpu.memory_space<hbm>>
    tpu.wait_dma2 semaphore(%arg11 : memref<!tpu.dma_semaphore, #tpu.memory_space<semaphore_mem>>) src(%dma_wait3A_39 : memref<80x128xi32, #tpu.memory_space<hbm>>) dst(%arg6 : memref<80x128xi32, #tpu.memory_space<vmem>>)
    %dma_wait3A_40 = arith.constant 1 : i32
    %dma_wait3A_41 = arith.constant 0 : i32
    %dma_wait3A_42 = arith.constant 0 : i32
    %dma_wait3A_43 = tpu.memref_slice %arg3[%dma_wait3A_40, %add3A, %dma_wait3A_41, %dma_wait3A_42] : memref<2x32x80x128xi32, #tpu.memory_space<hbm>> -> memref<1x1x80x128xi32, #tpu.memory_space<hbm>>
    %dma_wait3A_44 = tpu.memref_squeeze %dma_wait3A_43 : memref<1x1x80x128xi32, #tpu.memory_space<hbm>> -> memref<80x128xi32, #tpu.memory_space<hbm>>
    %dma_wait3A_45 = arith.constant 0 : i32
    %dma_wait3A_46 = arith.constant 0 : i32
    %dma_wait3A_47 = tpu.memref_slice %arg3[%dma_wait3A_40, %add3A, %dma_wait3A_45, %dma_wait3A_46] : memref<2x32x80x128xi32, #tpu.memory_space<hbm>> -> memref<1x1x80x128xi32, #tpu.memory_space<hbm>>
    %dma_wait3A_48 = tpu.memref_squeeze %dma_wait3A_47 : memref<1x1x80x128xi32, #tpu.memory_space<hbm>> -> memref<80x128xi32, #tpu.memory_space<hbm>>
    tpu.wait_dma2 semaphore(%arg11 : memref<!tpu.dma_semaphore, #tpu.memory_space<semaphore_mem>>) src(%dma_wait3A_48 : memref<80x128xi32, #tpu.memory_space<hbm>>) dst(%arg7 : memref<80x128xi32, #tpu.memory_space<vmem>>)
    %barrier3A = arith.constant 0 : index
    tpu.barrier barrier_id(%barrier3A)
    %dma_start3A_49 = arith.constant 0 : i32
    %dma_start3A_50 = arith.constant 0 : i32
    %dma_start3A_51 = arith.constant 0 : i32
    %dma_start3A_52 = arith.constant 0 : i32
    %dma_start3A_53 = tpu.memref_slice %arg8[%dma_start3A_50, %dma_start3A_51, %dma_start3A_52] : memref<2x128x16xf32, #tpu.memory_space<vmem>> -> memref<1x128x16xf32, #tpu.memory_space<vmem>>
    %dma_start3A_54 = tpu.memref_squeeze %dma_start3A_53 : memref<1x128x16xf32, #tpu.memory_space<vmem>> -> memref<128x16xf32, #tpu.memory_space<vmem>>
    %dma_start3A_55 = arith.constant 0 : i32
    %dma_start3A_56 = tpu.memref_slice %arg6[%dma_start3A_49, %dma_start3A_55] : memref<80x128xi32, #tpu.memory_space<vmem>> -> memref<1x128xi32, #tpu.memory_space<vmem>>
    %dma_start3A_57 = tpu.memref_squeeze %dma_start3A_56 : memref<1x128xi32, #tpu.memory_space<vmem>> -> memref<128xi32, #tpu.memory_space<vmem>>
    %dma_start3A_58 = arith.constant 0 : i32
    %dma_start3A_59 = arith.constant 0 : i32
    %dma_start3A_60 = tpu.memref_slice %arg9[%dma_start3A_58, %dma_start3A_59] : memref<10240x16xf32, #tpu.memory_space<vmem_shared>> -> memref<10240x16xf32, #tpu.memory_space<vmem_shared>>
    tpu.enqueue_indirect_dma source(%dma_start3A_60 : memref<10240x16xf32, #tpu.memory_space<vmem_shared>>) target(%dma_start3A_54 : memref<128x16xf32, #tpu.memory_space<vmem>>) offsets(%dma_start3A_57 : memref<128xi32, #tpu.memory_space<vmem>>) semaphore(%arg11 : memref<!tpu.dma_semaphore, #tpu.memory_space<semaphore_mem>>)
    %dma_start3A_61 = arith.constant 1 : i32
    %dma_start3A_62 = arith.constant 1 : i32
    %dma_start3A_63 = arith.constant 0 : i32
    %dma_start3A_64 = arith.constant 0 : i32
    %dma_start3A_65 = tpu.memref_slice %arg8[%dma_start3A_62, %dma_start3A_63, %dma_start3A_64] : memref<2x128x16xf32, #tpu.memory_space<vmem>> -> memref<1x128x16xf32, #tpu.memory_space<vmem>>
    %dma_start3A_66 = tpu.memref_squeeze %dma_start3A_65 : memref<1x128x16xf32, #tpu.memory_space<vmem>> -> memref<128x16xf32, #tpu.memory_space<vmem>>
    %dma_start3A_67 = arith.constant 0 : i32
    %dma_start3A_68 = tpu.memref_slice %arg6[%dma_start3A_61, %dma_start3A_67] : memref<80x128xi32, #tpu.memory_space<vmem>> -> memref<1x128xi32, #tpu.memory_space<vmem>>
    %dma_start3A_69 = tpu.memref_squeeze %dma_start3A_68 : memref<1x128xi32, #tpu.memory_space<vmem>> -> memref<128xi32, #tpu.memory_space<vmem>>
    %dma_start3A_70 = arith.constant 0 : i32
    %dma_start3A_71 = arith.constant 0 : i32
    %dma_start3A_72 = tpu.memref_slice %arg9[%dma_start3A_70, %dma_start3A_71] : memref<10240x16xf32, #tpu.memory_space<vmem_shared>> -> memref<10240x16xf32, #tpu.memory_space<vmem_shared>>
    tpu.enqueue_indirect_dma source(%dma_start3A_72 : memref<10240x16xf32, #tpu.memory_space<vmem_shared>>) target(%dma_start3A_66 : memref<128x16xf32, #tpu.memory_space<vmem>>) offsets(%dma_start3A_69 : memref<128xi32, #tpu.memory_space<vmem>>) semaphore(%arg11 : memref<!tpu.dma_semaphore, #tpu.memory_space<semaphore_mem>>)
    %scan3A = arith.constant 0 : i32
    %scan3A_73 = arith.constant 40 : i32
    %scan3A_74 = arith.addi %scan3A, %scan3A_73 : i32
    %scan3A_75 = arith.constant 1 : i32
    scf.for %scan3A_78 = %scan3A to %scan3A_74 step %scan3A_75  : i32 {
      %mul3A_79 = arith.constant 2 : i32
      %mul3A_80 = arith.muli %scan3A_78, %mul3A_79 : i32
      %add3A_81 = arith.constant 0 : i32
      %add3A_82 = arith.addi %add3A_81, %mul3A_80 : i32
      %add3A_83 = arith.constant 0 : i32
      %add3A_84 = arith.addi %add3A_82, %add3A_83 : i32
      %dma_wait3A_85 = arith.constant 0 : i32
      %dma_wait3A_86 = arith.constant 0 : i32
      %dma_wait3A_87 = arith.constant 0 : i32
      %dma_wait3A_88 = tpu.memref_slice %arg8[%dma_wait3A_85, %dma_wait3A_86, %dma_wait3A_87] : memref<2x128x16xf32, #tpu.memory_space<vmem>> -> memref<1x128x16xf32, #tpu.memory_space<vmem>>
      %dma_wait3A_89 = tpu.memref_squeeze %dma_wait3A_88 : memref<1x128x16xf32, #tpu.memory_space<vmem>> -> memref<128x16xf32, #tpu.memory_space<vmem>>
      %dma_wait3A_90 = arith.constant 0 : i32
      %dma_wait3A_91 = tpu.memref_slice %arg6[%add3A_84, %dma_wait3A_90] : memref<80x128xi32, #tpu.memory_space<vmem>> -> memref<1x128xi32, #tpu.memory_space<vmem>>
      %dma_wait3A_92 = tpu.memref_squeeze %dma_wait3A_91 : memref<1x128xi32, #tpu.memory_space<vmem>> -> memref<128xi32, #tpu.memory_space<vmem>>
      %dma_wait3A_93 = arith.constant 0 : i32
      %dma_wait3A_94 = arith.constant 0 : i32
      %dma_wait3A_95 = tpu.memref_slice %arg9[%dma_wait3A_93, %dma_wait3A_94] : memref<10240x16xf32, #tpu.memory_space<vmem_shared>> -> memref<10240x16xf32, #tpu.memory_space<vmem_shared>>
      tpu.wait_indirect_dma semaphore(%arg11 : memref<!tpu.dma_semaphore, #tpu.memory_space<semaphore_mem>>) src(%dma_wait3A_95 : memref<10240x16xf32, #tpu.memory_space<vmem_shared>>) dst(%dma_wait3A_89 : memref<128x16xf32, #tpu.memory_space<vmem>>)
      %run_scoped3A = arith.constant 0 : i32
      "tpu.region"() ({
        %run_scoped3A_121 = tpu.sem_alloc : memref<!tpu.dma_semaphore, #tpu.memory_space<semaphore_mem>>
        %dma_start3A_122 = arith.constant 0 : i32
        %dma_start3A_123 = arith.constant 0 : i32
        %dma_start3A_124 = tpu.memref_slice %arg8[%run_scoped3A, %dma_start3A_122, %dma_start3A_123] : memref<2x128x16xf32, #tpu.memory_space<vmem>> -> memref<1x128x16xf32, #tpu.memory_space<vmem>>
        %dma_start3A_125 = tpu.memref_squeeze %dma_start3A_124 : memref<1x128x16xf32, #tpu.memory_space<vmem>> -> memref<128x16xf32, #tpu.memory_space<vmem>>
        %dma_start3A_126 = arith.constant 0 : i32
        %dma_start3A_127 = tpu.memref_slice %arg7[%add3A_84, %dma_start3A_126] : memref<80x128xi32, #tpu.memory_space<vmem>> -> memref<1x128xi32, #tpu.memory_space<vmem>>
        %dma_start3A_128 = tpu.memref_squeeze %dma_start3A_127 : memref<1x128xi32, #tpu.memory_space<vmem>> -> memref<128xi32, #tpu.memory_space<vmem>>
        %dma_start3A_129 = arith.constant 0 : i32
        %dma_start3A_130 = arith.constant 0 : i32
        %dma_start3A_131 = tpu.memref_slice %arg10[%dma_start3A_129, %dma_start3A_130] : memref<10240x16xf32, #tpu.memory_space<vmem_shared>> -> memref<10240x16xf32, #tpu.memory_space<vmem_shared>>
        tpu.enqueue_indirect_dma source(%dma_start3A_125 : memref<128x16xf32, #tpu.memory_space<vmem>>) target(%dma_start3A_131 : memref<10240x16xf32, #tpu.memory_space<vmem_shared>>) offsets(%dma_start3A_128 : memref<128xi32, #tpu.memory_space<vmem>>) semaphore(%run_scoped3A_121 : memref<!tpu.dma_semaphore, #tpu.memory_space<semaphore_mem>>) {add = true}
        %dma_wait3A_132 = arith.constant 0 : i32
        %dma_wait3A_133 = arith.constant 0 : i32
        %dma_wait3A_134 = tpu.memref_slice %arg8[%run_scoped3A, %dma_wait3A_132, %dma_wait3A_133] : memref<2x128x16xf32, #tpu.memory_space<vmem>> -> memref<1x128x16xf32, #tpu.memory_space<vmem>>
        %dma_wait3A_135 = tpu.memref_squeeze %dma_wait3A_134 : memref<1x128x16xf32, #tpu.memory_space<vmem>> -> memref<128x16xf32, #tpu.memory_space<vmem>>
        %dma_wait3A_136 = arith.constant 0 : i32
        %dma_wait3A_137 = tpu.memref_slice %arg7[%add3A_84, %dma_wait3A_136] : memref<80x128xi32, #tpu.memory_space<vmem>> -> memref<1x128xi32, #tpu.memory_space<vmem>>
        %dma_wait3A_138 = tpu.memref_squeeze %dma_wait3A_137 : memref<1x128xi32, #tpu.memory_space<vmem>> -> memref<128xi32, #tpu.memory_space<vmem>>
        %dma_wait3A_139 = arith.constant 0 : i32
        %dma_wait3A_140 = arith.constant 0 : i32
        %dma_wait3A_141 = tpu.memref_slice %arg10[%dma_wait3A_139, %dma_wait3A_140] : memref<10240x16xf32, #tpu.memory_space<vmem_shared>> -> memref<10240x16xf32, #tpu.memory_space<vmem_shared>>
        tpu.wait_indirect_dma semaphore(%run_scoped3A_121 : memref<!tpu.dma_semaphore, #tpu.memory_space<semaphore_mem>>) src(%dma_wait3A_135 : memref<128x16xf32, #tpu.memory_space<vmem>>) dst(%dma_wait3A_141 : memref<10240x16xf32, #tpu.memory_space<vmem_shared>>)
        tpu.yield
      }) : () -> ()
      %add3A_96 = arith.constant 2 : i32
      %add3A_97 = arith.addi %add3A_84, %add3A_96 : i32
      %lt3A = arith.constant 80 : i32
      %lt3A_98 = arith.cmpi slt, %add3A_97, %lt3A : i32
      %convert_element_type3A = arith.extui %lt3A_98 : i1 to i32
      %cond3A = arith.constant 0 : i32
      %cond3A_99 = arith.cmpi ne, %convert_element_type3A, %cond3A : i32
      scf.if %cond3A_99 {
        %add3A_121 = arith.constant 2 : i32
        %add3A_122 = arith.addi %add3A_84, %add3A_121 : i32
        %dma_start3A_123 = arith.constant 0 : i32
        %dma_start3A_124 = arith.constant 0 : i32
        %dma_start3A_125 = arith.constant 0 : i32
        %dma_start3A_126 = tpu.memref_slice %arg8[%dma_start3A_123, %dma_start3A_124, %dma_start3A_125] : memref<2x128x16xf32, #tpu.memory_space<vmem>> -> memref<1x128x16xf32, #tpu.memory_space<vmem>>
        %dma_start3A_127 = tpu.memref_squeeze %dma_start3A_126 : memref<1x128x16xf32, #tpu.memory_space<vmem>> -> memref<128x16xf32, #tpu.memory_space<vmem>>
        %dma_start3A_128 = arith.constant 0 : i32
        %dma_start3A_129 = tpu.memref_slice %arg6[%add3A_122, %dma_start3A_128] : memref<80x128xi32, #tpu.memory_space<vmem>> -> memref<1x128xi32, #tpu.memory_space<vmem>>
        %dma_start3A_130 = tpu.memref_squeeze %dma_start3A_129 : memref<1x128xi32, #tpu.memory_space<vmem>> -> memref<128xi32, #tpu.memory_space<vmem>>
        %dma_start3A_131 = arith.constant 0 : i32
        %dma_start3A_132 = arith.constant 0 : i32
        %dma_start3A_133 = tpu.memref_slice %arg9[%dma_start3A_131, %dma_start3A_132] : memref<10240x16xf32, #tpu.memory_space<vmem_shared>> -> memref<10240x16xf32, #tpu.memory_space<vmem_shared>>
        tpu.enqueue_indirect_dma source(%dma_start3A_133 : memref<10240x16xf32, #tpu.memory_space<vmem_shared>>) target(%dma_start3A_127 : memref<128x16xf32, #tpu.memory_space<vmem>>) offsets(%dma_start3A_130 : memref<128xi32, #tpu.memory_space<vmem>>) semaphore(%arg11 : memref<!tpu.dma_semaphore, #tpu.memory_space<semaphore_mem>>)
      } else {
      }
      %add3A_100 = arith.constant 1 : i32
      %add3A_101 = arith.addi %add3A_82, %add3A_100 : i32
      %dma_wait3A_102 = arith.constant 1 : i32
      %dma_wait3A_103 = arith.constant 0 : i32
      %dma_wait3A_104 = arith.constant 0 : i32
      %dma_wait3A_105 = tpu.memref_slice %arg8[%dma_wait3A_102, %dma_wait3A_103, %dma_wait3A_104] : memref<2x128x16xf32, #tpu.memory_space<vmem>> -> memref<1x128x16xf32, #tpu.memory_space<vmem>>
      %dma_wait3A_106 = tpu.memref_squeeze %dma_wait3A_105 : memref<1x128x16xf32, #tpu.memory_space<vmem>> -> memref<128x16xf32, #tpu.memory_space<vmem>>
      %dma_wait3A_107 = arith.constant 0 : i32
      %dma_wait3A_108 = tpu.memref_slice %arg6[%add3A_101, %dma_wait3A_107] : memref<80x128xi32, #tpu.memory_space<vmem>> -> memref<1x128xi32, #tpu.memory_space<vmem>>
      %dma_wait3A_109 = tpu.memref_squeeze %dma_wait3A_108 : memref<1x128xi32, #tpu.memory_space<vmem>> -> memref<128xi32, #tpu.memory_space<vmem>>
      %dma_wait3A_110 = arith.constant 0 : i32
      %dma_wait3A_111 = arith.constant 0 : i32
      %dma_wait3A_112 = tpu.memref_slice %arg9[%dma_wait3A_110, %dma_wait3A_111] : memref<10240x16xf32, #tpu.memory_space<vmem_shared>> -> memref<10240x16xf32, #tpu.memory_space<vmem_shared>>
      tpu.wait_indirect_dma semaphore(%arg11 : memref<!tpu.dma_semaphore, #tpu.memory_space<semaphore_mem>>) src(%dma_wait3A_112 : memref<10240x16xf32, #tpu.memory_space<vmem_shared>>) dst(%dma_wait3A_106 : memref<128x16xf32, #tpu.memory_space<vmem>>)
      %run_scoped3A_113 = arith.constant 1 : i32
      "tpu.region"() ({
        %run_scoped3A_121 = tpu.sem_alloc : memref<!tpu.dma_semaphore, #tpu.memory_space<semaphore_mem>>
        %dma_start3A_122 = arith.constant 0 : i32
        %dma_start3A_123 = arith.constant 0 : i32
        %dma_start3A_124 = tpu.memref_slice %arg8[%run_scoped3A_113, %dma_start3A_122, %dma_start3A_123] : memref<2x128x16xf32, #tpu.memory_space<vmem>> -> memref<1x128x16xf32, #tpu.memory_space<vmem>>
        %dma_start3A_125 = tpu.memref_squeeze %dma_start3A_124 : memref<1x128x16xf32, #tpu.memory_space<vmem>> -> memref<128x16xf32, #tpu.memory_space<vmem>>
        %dma_start3A_126 = arith.constant 0 : i32
        %dma_start3A_127 = tpu.memref_slice %arg7[%add3A_101, %dma_start3A_126] : memref<80x128xi32, #tpu.memory_space<vmem>> -> memref<1x128xi32, #tpu.memory_space<vmem>>
        %dma_start3A_128 = tpu.memref_squeeze %dma_start3A_127 : memref<1x128xi32, #tpu.memory_space<vmem>> -> memref<128xi32, #tpu.memory_space<vmem>>
        %dma_start3A_129 = arith.constant 0 : i32
        %dma_start3A_130 = arith.constant 0 : i32
        %dma_start3A_131 = tpu.memref_slice %arg10[%dma_start3A_129, %dma_start3A_130] : memref<10240x16xf32, #tpu.memory_space<vmem_shared>> -> memref<10240x16xf32, #tpu.memory_space<vmem_shared>>
        tpu.enqueue_indirect_dma source(%dma_start3A_125 : memref<128x16xf32, #tpu.memory_space<vmem>>) target(%dma_start3A_131 : memref<10240x16xf32, #tpu.memory_space<vmem_shared>>) offsets(%dma_start3A_128 : memref<128xi32, #tpu.memory_space<vmem>>) semaphore(%run_scoped3A_121 : memref<!tpu.dma_semaphore, #tpu.memory_space<semaphore_mem>>) {add = true}
        %dma_wait3A_132 = arith.constant 0 : i32
        %dma_wait3A_133 = arith.constant 0 : i32
        %dma_wait3A_134 = tpu.memref_slice %arg8[%run_scoped3A_113, %dma_wait3A_132, %dma_wait3A_133] : memref<2x128x16xf32, #tpu.memory_space<vmem>> -> memref<1x128x16xf32, #tpu.memory_space<vmem>>
        %dma_wait3A_135 = tpu.memref_squeeze %dma_wait3A_134 : memref<1x128x16xf32, #tpu.memory_space<vmem>> -> memref<128x16xf32, #tpu.memory_space<vmem>>
        %dma_wait3A_136 = arith.constant 0 : i32
        %dma_wait3A_137 = tpu.memref_slice %arg7[%add3A_101, %dma_wait3A_136] : memref<80x128xi32, #tpu.memory_space<vmem>> -> memref<1x128xi32, #tpu.memory_space<vmem>>
        %dma_wait3A_138 = tpu.memref_squeeze %dma_wait3A_137 : memref<1x128xi32, #tpu.memory_space<vmem>> -> memref<128xi32, #tpu.memory_space<vmem>>
        %dma_wait3A_139 = arith.constant 0 : i32
        %dma_wait3A_140 = arith.constant 0 : i32
        %dma_wait3A_141 = tpu.memref_slice %arg10[%dma_wait3A_139, %dma_wait3A_140] : memref<10240x16xf32, #tpu.memory_space<vmem_shared>> -> memref<10240x16xf32, #tpu.memory_space<vmem_shared>>
        tpu.wait_indirect_dma semaphore(%run_scoped3A_121 : memref<!tpu.dma_semaphore, #tpu.memory_space<semaphore_mem>>) src(%dma_wait3A_135 : memref<128x16xf32, #tpu.memory_space<vmem>>) dst(%dma_wait3A_141 : memref<10240x16xf32, #tpu.memory_space<vmem_shared>>)
        tpu.yield
      }) : () -> ()
      %add3A_114 = arith.constant 2 : i32
      %add3A_115 = arith.addi %add3A_101, %add3A_114 : i32
      %lt3A_116 = arith.constant 80 : i32
      %lt3A_117 = arith.cmpi slt, %add3A_115, %lt3A_116 : i32
      %convert_element_type3A_118 = arith.extui %lt3A_117 : i1 to i32
      %cond3A_119 = arith.constant 0 : i32
      %cond3A_120 = arith.cmpi ne, %convert_element_type3A_118, %cond3A_119 : i32
      scf.if %cond3A_120 {
        %add3A_121 = arith.constant 2 : i32
        %add3A_122 = arith.addi %add3A_101, %add3A_121 : i32
        %dma_start3A_123 = arith.constant 1 : i32
        %dma_start3A_124 = arith.constant 0 : i32
        %dma_start3A_125 = arith.constant 0 : i32
        %dma_start3A_126 = tpu.memref_slice %arg8[%dma_start3A_123, %dma_start3A_124, %dma_start3A_125] : memref<2x128x16xf32, #tpu.memory_space<vmem>> -> memref<1x128x16xf32, #tpu.memory_space<vmem>>
        %dma_start3A_127 = tpu.memref_squeeze %dma_start3A_126 : memref<1x128x16xf32, #tpu.memory_space<vmem>> -> memref<128x16xf32, #tpu.memory_space<vmem>>
        %dma_start3A_128 = arith.constant 0 : i32
        %dma_start3A_129 = tpu.memref_slice %arg6[%add3A_122, %dma_start3A_128] : memref<80x128xi32, #tpu.memory_space<vmem>> -> memref<1x128xi32, #tpu.memory_space<vmem>>
        %dma_start3A_130 = tpu.memref_squeeze %dma_start3A_129 : memref<1x128xi32, #tpu.memory_space<vmem>> -> memref<128xi32, #tpu.memory_space<vmem>>
        %dma_start3A_131 = arith.constant 0 : i32
        %dma_start3A_132 = arith.constant 0 : i32
        %dma_start3A_133 = tpu.memref_slice %arg9[%dma_start3A_131, %dma_start3A_132] : memref<10240x16xf32, #tpu.memory_space<vmem_shared>> -> memref<10240x16xf32, #tpu.memory_space<vmem_shared>>
        tpu.enqueue_indirect_dma source(%dma_start3A_133 : memref<10240x16xf32, #tpu.memory_space<vmem_shared>>) target(%dma_start3A_127 : memref<128x16xf32, #tpu.memory_space<vmem>>) offsets(%dma_start3A_130 : memref<128xi32, #tpu.memory_space<vmem>>) semaphore(%arg11 : memref<!tpu.dma_semaphore, #tpu.memory_space<semaphore_mem>>)
      } else {
      }
    }
    %scan3A_76 = arith.constant 40 : i32
    %barrier3A_77 = arith.constant 0 : index
    tpu.barrier barrier_id(%barrier3A_77)
    "tpu.region"() ({
      %run_scoped3A = tpu.sem_alloc : memref<!tpu.dma_semaphore, #tpu.memory_space<semaphore_mem>>
      %dma_start3A_78 = arith.constant 0 : i32
      %dma_start3A_79 = tpu.memref_slice %arg5[%arg0, %mul3A_2, %dma_start3A_78] : memref<2x10240x128xf32, #tpu.memory_space<hbm>> -> memref<1x640x16xf32, #tpu.memory_space<hbm>>
      %dma_start3A_80 = tpu.memref_squeeze %dma_start3A_79 : memref<1x640x16xf32, #tpu.memory_space<hbm>> -> memref<640x16xf32, #tpu.memory_space<hbm>>
      %dma_start3A_81 = arith.constant 0 : i32
      %dma_start3A_82 = tpu.memref_slice %arg10[%mul3A_2, %dma_start3A_81] : memref<10240x16xf32, #tpu.memory_space<vmem_shared>> -> memref<640x16xf32, #tpu.memory_space<vmem_shared>>
      tpu.enqueue_dma source(%dma_start3A_82 : memref<640x16xf32, #tpu.memory_space<vmem_shared>>) target(%dma_start3A_80 : memref<640x16xf32, #tpu.memory_space<hbm>>) target_semaphore(%run_scoped3A : memref<!tpu.dma_semaphore, #tpu.memory_space<semaphore_mem>>)
      %dma_wait3A_83 = arith.constant 0 : i32
      %dma_wait3A_84 = tpu.memref_slice %arg5[%arg0, %mul3A_2, %dma_wait3A_83] : memref<2x10240x128xf32, #tpu.memory_space<hbm>> -> memref<1x640x16xf32, #tpu.memory_space<hbm>>
      %dma_wait3A_85 = tpu.memref_squeeze %dma_wait3A_84 : memref<1x640x16xf32, #tpu.memory_space<hbm>> -> memref<640x16xf32, #tpu.memory_space<hbm>>
      %dma_wait3A_86 = arith.constant 0 : i32
      %dma_wait3A_87 = tpu.memref_slice %arg10[%mul3A_2, %dma_wait3A_86] : memref<10240x16xf32, #tpu.memory_space<vmem_shared>> -> memref<640x16xf32, #tpu.memory_space<vmem_shared>>
      tpu.wait_dma2 semaphore(%run_scoped3A : memref<!tpu.dma_semaphore, #tpu.memory_space<semaphore_mem>>) src(%dma_wait3A_87 : memref<640x16xf32, #tpu.memory_space<vmem_shared>>) dst(%dma_wait3A_85 : memref<640x16xf32, #tpu.memory_space<hbm>>)
      tpu.yield
    }) : () -> ()
    return
  }
}

module attributes {stable_mosaic.version = 14 : i64} {
  func.func @_tc_first_body(%arg0: i32, %arg1: memref<2048x128xf32, #tpu.memory_space<vmem>>, %arg2: memref<2x2048x128xf32, #tpu.memory_space<vmem>>, %arg3: memref<128x128xf32, #tpu.memory_space<vmem>>, %arg4: memref<2048x128xf32, #tpu.memory_space<vmem>>, %arg5: memref<2048x128xf32, #tpu.memory_space<vmem>>) attributes {dimension_semantics = [#tpu.dimension_semantics<arbitrary>], iteration_bounds = array<i64: 5>, scalar_prefetch = 0 : i64, scratch_operands = 0 : i64, tpu.core_type = #tpu.core_type<tc>, window_params = [{transform_indices = @transform_0, window_bounds = array<i64: 2048, 128>}, {transform_indices = @transform_1, window_bounds = array<i64: 2, 2048, 128>}, {pipeline_mode = #tpu.pipeline_mode<synchronous>, transform_indices = @transform_2, window_bounds = array<i64: 128, 128>}, {transform_indices = @transform_3, window_bounds = array<i64: 2048, 128>}, {transform_indices = @transform_4, window_bounds = array<i64: 2048, 128>}]} {
    %get3A = arith.constant 0 : index
    %get3A_0 = arith.constant 0 : index
    %get3A_1 = arith.constant 0 : index
    %get3A_2 = vector.load %arg2[%get3A, %get3A_0, %get3A_1] : memref<2x2048x128xf32, #tpu.memory_space<vmem>>, vector<2x2048x128xf32>
    %slice3A = vector.extract_strided_slice %get3A_2 {offsets = [0, 0, 0], sizes = [1, 2048, 1], strides = [1, 1, 1]} : vector<2x2048x128xf32> to vector<1x2048x1xf32>
    %squeeze3A = vector.shape_cast %slice3A : vector<1x2048x1xf32> to vector<2048xf32>
    %slice3A_3 = vector.extract_strided_slice %get3A_2 {offsets = [1, 0, 0], sizes = [1, 2048, 1], strides = [1, 1, 1]} : vector<2x2048x128xf32> to vector<1x2048x1xf32>
    %squeeze3A_4 = vector.shape_cast %slice3A_3 : vector<1x2048x1xf32> to vector<2048xf32>
    %add3A = arith.addf %squeeze3A, %squeeze3A_4 : vector<2048xf32>
    %add3A_5 = arith.constant 1.000000e+00 : f32
    %add3A_6 = vector.broadcast %add3A_5 : f32 to vector<2048xf32>
    %add3A_7 = arith.addf %add3A, %add3A_6 : vector<2048xf32>
    %rsqrt3A = math.rsqrt %add3A_7 : vector<2048xf32>
    %get3A_8 = arith.constant 0 : index
    %get3A_9 = arith.constant 0 : index
    %get3A_10 = vector.load %arg1[%get3A_8, %get3A_9] : memref<2048x128xf32, #tpu.memory_space<vmem>>, vector<2048x128xf32>
    %get3A_11 = arith.constant 0 : index
    %get3A_12 = arith.constant 0 : index
    %get3A_13 = vector.load %arg3[%get3A_11, %get3A_12] : memref<128x128xf32, #tpu.memory_space<vmem>>, vector<128x128xf32>
    %dot_general3A = arith.constant dense<0.000000e+00> : vector<2048x128xf32>
    %dot_general3A_14 = tpu.matmul %get3A_10, %get3A_13, %dot_general3A {dimension_numbers = #tpu.dot_dimension_numbers<[1], [0], [0], [1], [0, 0, 1, 1], [], []>, transpose_lhs_hint = false} : vector<2048x128xf32>, vector<128x128xf32>, vector<2048x128xf32> -> vector<2048x128xf32>
    %broadcast_in_dim3A = vector.shape_cast %rsqrt3A : vector<2048xf32> to vector<2048x1xf32>
    %mul3A = vector.broadcast %broadcast_in_dim3A : vector<2048x1xf32> to vector<2048x128xf32>
    %mul3A_15 = arith.mulf %mul3A, %dot_general3A_14 : vector<2048x128xf32>
    %swap3A = arith.constant 0 : index
    %swap3A_16 = arith.constant 0 : index
    %swap3A_17 = vector.load %arg4[%swap3A, %swap3A_16] : memref<2048x128xf32, #tpu.memory_space<vmem>>, vector<2048x128xf32>
    tpu.vector_store %arg4[%swap3A, %swap3A_16], %mul3A_15 {strides = array<i32>} : memref<2048x128xf32, #tpu.memory_space<vmem>>, vector<2048x128xf32>,
    %broadcast_in_dim3A_18 = vector.shape_cast %rsqrt3A : vector<2048xf32> to vector<2048x1xf32>
    %broadcast_in_dim3A_19 = vector.shape_cast %broadcast_in_dim3A_18 : vector<2048x1xf32> to vector<2048x1xf32>
    %broadcast_in_dim3A_20 = vector.broadcast %broadcast_in_dim3A_19 : vector<2048x1xf32> to vector<2048x128xf32>
    %swap3A_21 = arith.constant 0 : index
    %swap3A_22 = arith.constant 0 : index
    %swap3A_23 = vector.load %arg5[%swap3A_21, %swap3A_22] : memref<2048x128xf32, #tpu.memory_space<vmem>>, vector<2048x128xf32>
    tpu.vector_store %arg5[%swap3A_21, %swap3A_22], %broadcast_in_dim3A_20 {strides = array<i32>} : memref<2048x128xf32, #tpu.memory_space<vmem>>, vector<2048x128xf32>,
    return
  }
  func.func @transform_0(%arg0: i32) -> (i32, i32) {
    %c0_i32 = arith.constant 0 : i32
    %c0_i32_0 = arith.constant 0 : i32
    return %arg0, %c0_i32 : i32, i32
  }
  func.func @transform_1(%arg0: i32) -> (i32, i32, i32) {
    %c0_i32 = arith.constant 0 : i32
    %c0_i32_0 = arith.constant 0 : i32
    %c0_i32_1 = arith.constant 0 : i32
    return %c0_i32, %arg0, %c0_i32_0 : i32, i32, i32
  }
  func.func @transform_2(%arg0: i32) -> (i32, i32) {
    %c0_i32 = arith.constant 0 : i32
    %c0_i32_0 = arith.constant 0 : i32
    %c0_i32_1 = arith.constant 0 : i32
    return %c0_i32, %c0_i32_0 : i32, i32
  }
  func.func @transform_3(%arg0: i32) -> (i32, i32) {
    %c0_i32 = arith.constant 0 : i32
    %c0_i32_0 = arith.constant 0 : i32
    return %arg0, %c0_i32 : i32, i32
  }
  func.func @transform_4(%arg0: i32) -> (i32, i32) {
    %c0_i32 = arith.constant 0 : i32
    %c0_i32_0 = arith.constant 0 : i32
    return %arg0, %c0_i32 : i32, i32
  }
}

module attributes {stable_mosaic.version = 14 : i64} {
  func.func @_tc_mid_body(%arg0: i32, %arg1: memref<2048x128xf32, #tpu.memory_space<vmem>>, %arg2: memref<2048x128xf32, #tpu.memory_space<vmem>>, %arg3: memref<2048x128xf32, #tpu.memory_space<vmem>>, %arg4: memref<1x128xf32, #tpu.memory_space<vmem>>, %arg5: memref<128x128xf32, #tpu.memory_space<vmem>>, %arg6: memref<2048x128xf32, #tpu.memory_space<vmem>>) attributes {dimension_semantics = [#tpu.dimension_semantics<arbitrary>], iteration_bounds = array<i64: 5>, scalar_prefetch = 0 : i64, scratch_operands = 0 : i64, tpu.core_type = #tpu.core_type<tc>, window_params = [{transform_indices = @transform_0, window_bounds = array<i64: 2048, 128>}, {transform_indices = @transform_1, window_bounds = array<i64: 2048, 128>}, {transform_indices = @transform_2, window_bounds = array<i64: 2048, 128>}, {pipeline_mode = #tpu.pipeline_mode<synchronous>, transform_indices = @transform_3, window_bounds = array<i64: 1, 128>}, {pipeline_mode = #tpu.pipeline_mode<synchronous>, transform_indices = @transform_4, window_bounds = array<i64: 128, 128>}, {transform_indices = @transform_5, window_bounds = array<i64: 2048, 128>}]} {
    %get3A = arith.constant 0 : index
    %get3A_0 = arith.constant 0 : index
    %get3A_1 = vector.load %arg3[%get3A, %get3A_0] : memref<2048x128xf32, #tpu.memory_space<vmem>>, vector<2048x128xf32>
    %get3A_2 = arith.constant 0 : index
    %get3A_3 = arith.constant 0 : index
    %get3A_4 = vector.load %arg1[%get3A_2, %get3A_3] : memref<2048x128xf32, #tpu.memory_space<vmem>>, vector<2048x128xf32>
    %get3A_5 = arith.constant 0 : index
    %get3A_6 = arith.constant 0 : index
    %get3A_7 = vector.load %arg2[%get3A_5, %get3A_6] : memref<2048x128xf32, #tpu.memory_space<vmem>>, vector<2048x128xf32>
    %add3A = arith.addf %get3A_4, %get3A_7 : vector<2048x128xf32>
    %mul3A = arith.mulf %get3A_1, %add3A : vector<2048x128xf32>
    %get3A_8 = arith.constant 0 : index
    %get3A_9 = arith.constant 0 : index
    %get3A_10 = vector.load %arg4[%get3A_8, %get3A_9] : memref<1x128xf32, #tpu.memory_space<vmem>>, vector<1x128xf32>
    %add3A_11 = vector.broadcast %get3A_10 : vector<1x128xf32> to vector<2048x128xf32>
    %add3A_12 = arith.addf %mul3A, %add3A_11 : vector<2048x128xf32>
    %max3A = arith.constant 0.000000e+00 : f32
    %max3A_13 = vector.broadcast %max3A : f32 to vector<2048x128xf32>
    %max3A_14 = arith.maximumf %add3A_12, %max3A_13 : vector<2048x128xf32>
    %get3A_15 = arith.constant 0 : index
    %get3A_16 = arith.constant 0 : index
    %get3A_17 = vector.load %arg5[%get3A_15, %get3A_16] : memref<128x128xf32, #tpu.memory_space<vmem>>, vector<128x128xf32>
    %dot_general3A = arith.constant dense<0.000000e+00> : vector<2048x128xf32>
    %dot_general3A_18 = tpu.matmul %max3A_14, %get3A_17, %dot_general3A {dimension_numbers = #tpu.dot_dimension_numbers<[1], [0], [0], [1], [0, 0, 1, 1], [], []>, transpose_lhs_hint = false} : vector<2048x128xf32>, vector<128x128xf32>, vector<2048x128xf32> -> vector<2048x128xf32>
    %mul3A_19 = arith.mulf %get3A_1, %dot_general3A_18 : vector<2048x128xf32>
    %swap3A = arith.constant 0 : index
    %swap3A_20 = arith.constant 0 : index
    %swap3A_21 = vector.load %arg6[%swap3A, %swap3A_20] : memref<2048x128xf32, #tpu.memory_space<vmem>>, vector<2048x128xf32>
    tpu.vector_store %arg6[%swap3A, %swap3A_20], %mul3A_19 {strides = array<i32>} : memref<2048x128xf32, #tpu.memory_space<vmem>>, vector<2048x128xf32>,
    return
  }
  func.func @transform_0(%arg0: i32) -> (i32, i32) {
    %c0_i32 = arith.constant 0 : i32
    %c0_i32_0 = arith.constant 0 : i32
    return %arg0, %c0_i32 : i32, i32
  }
  func.func @transform_1(%arg0: i32) -> (i32, i32) {
    %c0_i32 = arith.constant 0 : i32
    %c0_i32_0 = arith.constant 0 : i32
    return %arg0, %c0_i32 : i32, i32
  }
  func.func @transform_2(%arg0: i32) -> (i32, i32) {
    %c0_i32 = arith.constant 0 : i32
    %c0_i32_0 = arith.constant 0 : i32
    return %arg0, %c0_i32 : i32, i32
  }
  func.func @transform_3(%arg0: i32) -> (i32, i32) {
    %c0_i32 = arith.constant 0 : i32
    %c0_i32_0 = arith.constant 0 : i32
    %c0_i32_1 = arith.constant 0 : i32
    return %c0_i32, %c0_i32_0 : i32, i32
  }
  func.func @transform_4(%arg0: i32) -> (i32, i32) {
    %c0_i32 = arith.constant 0 : i32
    %c0_i32_0 = arith.constant 0 : i32
    %c0_i32_1 = arith.constant 0 : i32
    return %c0_i32, %c0_i32_0 : i32, i32
  }
  func.func @transform_5(%arg0: i32) -> (i32, i32) {
    %c0_i32 = arith.constant 0 : i32
    %c0_i32_0 = arith.constant 0 : i32
    return %arg0, %c0_i32 : i32, i32
  }
}

module attributes {stable_mosaic.version = 14 : i64} {
  func.func @_tc_pool_body(%arg0: i32, %arg1: memref<2x2048x128xf32, #tpu.memory_space<vmem>>, %arg2: memref<2048x128xf32, #tpu.memory_space<vmem>>, %arg3: memref<2048x128xf32, #tpu.memory_space<vmem>>, %arg4: memref<1x16xf32, #tpu.memory_space<vmem>>, %arg5: memref<2048x128xi32, #tpu.memory_space<vmem>>, %arg6: memref<64x16xf32, #tpu.memory_space<vmem>>, %arg7: memref<64x16xf32, #tpu.memory_space<vmem>>, %arg8: memref<64x16xf32, #tpu.memory_space<vmem>>) attributes {dimension_semantics = [#tpu.dimension_semantics<arbitrary>], iteration_bounds = array<i64: 5>, scalar_prefetch = 0 : i64, scratch_operands = 2 : i64, tpu.core_type = #tpu.core_type<tc>, window_params = [{transform_indices = @transform_0, window_bounds = array<i64: 2, 2048, 128>}, {transform_indices = @transform_1, window_bounds = array<i64: 2048, 128>}, {transform_indices = @transform_2, window_bounds = array<i64: 2048, 128>}, {pipeline_mode = #tpu.pipeline_mode<synchronous>, transform_indices = @transform_3, window_bounds = array<i64: 1, 16>}, {transform_indices = @transform_4, window_bounds = array<i64: 2048, 128>}, {pipeline_mode = #tpu.pipeline_mode<synchronous>, transform_indices = @transform_5, window_bounds = array<i64: 64, 16>}]} {
    %get3A = arith.constant 0 : index
    %get3A_0 = arith.constant 0 : index
    %get3A_1 = arith.constant 0 : index
    %get3A_2 = vector.load %arg1[%get3A, %get3A_0, %get3A_1] : memref<2x2048x128xf32, #tpu.memory_space<vmem>>, vector<2x2048x128xf32>
    %get3A_3 = arith.constant 0 : index
    %get3A_4 = arith.constant 0 : index
    %get3A_5 = vector.load %arg3[%get3A_3, %get3A_4] : memref<2048x128xf32, #tpu.memory_space<vmem>>, vector<2048x128xf32>
    %slice3A = vector.extract_strided_slice %get3A_5 {offsets = [0, 0], sizes = [2048, 16], strides = [1, 1]} : vector<2048x128xf32> to vector<2048x16xf32>
    %slice3A_6 = vector.extract_strided_slice %get3A_2 {offsets = [0, 0, 0], sizes = [1, 2048, 16], strides = [1, 1, 1]} : vector<2x2048x128xf32> to vector<1x2048x16xf32>
    %squeeze3A = vector.shape_cast %slice3A_6 : vector<1x2048x16xf32> to vector<2048x16xf32>
    %slice3A_7 = vector.extract_strided_slice %get3A_2 {offsets = [1, 0, 0], sizes = [1, 2048, 16], strides = [1, 1, 1]} : vector<2x2048x128xf32> to vector<1x2048x16xf32>
    %squeeze3A_8 = vector.shape_cast %slice3A_7 : vector<1x2048x16xf32> to vector<2048x16xf32>
    %add3A = arith.addf %squeeze3A, %squeeze3A_8 : vector<2048x16xf32>
    %get3A_9 = arith.constant 0 : index
    %get3A_10 = arith.constant 0 : index
    %get3A_11 = vector.load %arg2[%get3A_9, %get3A_10] : memref<2048x128xf32, #tpu.memory_space<vmem>>, vector<2048x128xf32>
    %slice3A_12 = vector.extract_strided_slice %get3A_11 {offsets = [0, 0], sizes = [2048, 16], strides = [1, 1]} : vector<2048x128xf32> to vector<2048x16xf32>
    %add3A_13 = arith.addf %add3A, %slice3A_12 : vector<2048x16xf32>
    %mul3A = arith.mulf %slice3A, %add3A_13 : vector<2048x16xf32>
    %get3A_14 = arith.constant 0 : index
    %get3A_15 = arith.constant 0 : index
    %get3A_16 = vector.load %arg4[%get3A_14, %get3A_15] : memref<1x16xf32, #tpu.memory_space<vmem>>, vector<1x16xf32>
    %add3A_17 = vector.broadcast %get3A_16 : vector<1x16xf32> to vector<2048x16xf32>
    %add3A_18 = arith.addf %mul3A, %add3A_17 : vector<2048x16xf32>
    %iota3A = tpu.iota {dimensions = array<i32: 1>} : vector<2048x64xi32>
    %get3A_19 = arith.constant 0 : index
    %get3A_20 = arith.constant 0 : index
    %get3A_21 = vector.load %arg5[%get3A_19, %get3A_20] : memref<2048x128xi32, #tpu.memory_space<vmem>>, vector<2048x128xi32>
    %slice3A_22 = vector.extract_strided_slice %get3A_21 {offsets = [0, 0], sizes = [2048, 64], strides = [1, 1]} : vector<2048x128xi32> to vector<2048x64xi32>
    %eq3A = arith.cmpi eq, %slice3A_22, %iota3A : vector<2048x64xi32>
    %convert_element_type3A = arith.extui %eq3A : vector<2048x64xi1> to vector<2048x64xi32>
    %convert_element_type3A_23 = arith.sitofp %convert_element_type3A : vector<2048x64xi32> to vector<2048x64xf32>
    %dot_general3A = arith.constant dense<0.000000e+00> : vector<64x16xf32>
    %dot_general3A_24 = tpu.matmul %convert_element_type3A_23, %add3A_18, %dot_general3A {dimension_numbers = #tpu.dot_dimension_numbers<[0], [0], [1], [1], [0, 1, 1, 1], [], []>, transpose_lhs_hint = false} : vector<2048x64xf32>, vector<2048x16xf32>, vector<64x16xf32> -> vector<64x16xf32>
    %reduce_sum3A = arith.constant dense<0.000000e+00> : vector<64xf32>
    %reduce_sum3A_25 = vector.multi_reduction <add>, %convert_element_type3A_23, %reduce_sum3A [0] : vector<2048x64xf32> to vector<64xf32>
    %eq3A_26 = arith.constant 0 : i32
    %eq3A_27 = arith.cmpi eq, %arg0, %eq3A_26 : i32
    %convert_element_type3A_28 = arith.extui %eq3A_27 : i1 to i32
    %cond3A = arith.constant 0 : i32
    %cond3A_29 = arith.cmpi ne, %convert_element_type3A_28, %cond3A : i32
    scf.if %cond3A_29 {
      %swap3A = arith.constant 0 : index
      %swap3A_39 = arith.constant 0 : index
      %swap3A_40 = vector.load %arg7[%swap3A, %swap3A_39] : memref<64x16xf32, #tpu.memory_space<vmem>>, vector<64x16xf32>
      tpu.vector_store %arg7[%swap3A, %swap3A_39], %dot_general3A_24 {strides = array<i32>} : memref<64x16xf32, #tpu.memory_space<vmem>>, vector<64x16xf32>,
      %broadcast_in_dim3A = vector.shape_cast %reduce_sum3A_25 : vector<64xf32> to vector<64x1xf32>
      %broadcast_in_dim3A_41 = vector.shape_cast %broadcast_in_dim3A : vector<64x1xf32> to vector<64x1xf32>
      %broadcast_in_dim3A_42 = vector.broadcast %broadcast_in_dim3A_41 : vector<64x1xf32> to vector<64x16xf32>
      %swap3A_43 = arith.constant 0 : index
      %swap3A_44 = arith.constant 0 : index
      %swap3A_45 = vector.load %arg8[%swap3A_43, %swap3A_44] : memref<64x16xf32, #tpu.memory_space<vmem>>, vector<64x16xf32>
      tpu.vector_store %arg8[%swap3A_43, %swap3A_44], %broadcast_in_dim3A_42 {strides = array<i32>} : memref<64x16xf32, #tpu.memory_space<vmem>>, vector<64x16xf32>,
    } else {
    }
    %gt3A = arith.constant 0 : i32
    %gt3A_30 = arith.cmpi sgt, %arg0, %gt3A : i32
    %convert_element_type3A_31 = arith.extui %gt3A_30 : i1 to i32
    %cond3A_32 = arith.constant 0 : i32
    %cond3A_33 = arith.cmpi ne, %convert_element_type3A_31, %cond3A_32 : i32
    scf.if %cond3A_33 {
      %get3A_39 = arith.constant 0 : index
      %get3A_40 = arith.constant 0 : index
      %get3A_41 = vector.load %arg7[%get3A_39, %get3A_40] : memref<64x16xf32, #tpu.memory_space<vmem>>, vector<64x16xf32>
      %add3A_42 = arith.addf %get3A_41, %dot_general3A_24 : vector<64x16xf32>
      %swap3A = arith.constant 0 : index
      %swap3A_43 = arith.constant 0 : index
      %swap3A_44 = vector.load %arg7[%swap3A, %swap3A_43] : memref<64x16xf32, #tpu.memory_space<vmem>>, vector<64x16xf32>
      tpu.vector_store %arg7[%swap3A, %swap3A_43], %add3A_42 {strides = array<i32>} : memref<64x16xf32, #tpu.memory_space<vmem>>, vector<64x16xf32>,
      %get3A_45 = arith.constant 0 : index
      %get3A_46 = arith.constant 0 : index
      %get3A_47 = vector.load %arg8[%get3A_45, %get3A_46] : memref<64x16xf32, #tpu.memory_space<vmem>>, vector<64x16xf32>
      %broadcast_in_dim3A = vector.shape_cast %reduce_sum3A_25 : vector<64xf32> to vector<64x1xf32>
      %broadcast_in_dim3A_48 = vector.shape_cast %broadcast_in_dim3A : vector<64x1xf32> to vector<64x1xf32>
      %broadcast_in_dim3A_49 = vector.broadcast %broadcast_in_dim3A_48 : vector<64x1xf32> to vector<64x16xf32>
      %add3A_50 = arith.addf %get3A_47, %broadcast_in_dim3A_49 : vector<64x16xf32>
      %swap3A_51 = arith.constant 0 : index
      %swap3A_52 = arith.constant 0 : index
      %swap3A_53 = vector.load %arg8[%swap3A_51, %swap3A_52] : memref<64x16xf32, #tpu.memory_space<vmem>>, vector<64x16xf32>
      tpu.vector_store %arg8[%swap3A_51, %swap3A_52], %add3A_50 {strides = array<i32>} : memref<64x16xf32, #tpu.memory_space<vmem>>, vector<64x16xf32>,
    } else {
    }
    %eq3A_34 = arith.constant 4 : i32
    %eq3A_35 = arith.cmpi eq, %arg0, %eq3A_34 : i32
    %convert_element_type3A_36 = arith.extui %eq3A_35 : i1 to i32
    %cond3A_37 = arith.constant 0 : i32
    %cond3A_38 = arith.cmpi ne, %convert_element_type3A_36, %cond3A_37 : i32
    scf.if %cond3A_38 {
      %get3A_39 = arith.constant 0 : index
      %get3A_40 = arith.constant 0 : index
      %get3A_41 = vector.load %arg7[%get3A_39, %get3A_40] : memref<64x16xf32, #tpu.memory_space<vmem>>, vector<64x16xf32>
      %get3A_42 = arith.constant 0 : index
      %get3A_43 = arith.constant 0 : index
      %get3A_44 = vector.load %arg8[%get3A_42, %get3A_43] : memref<64x16xf32, #tpu.memory_space<vmem>>, vector<64x16xf32>
      %max3A = arith.constant 1.000000e+00 : f32
      %max3A_45 = vector.broadcast %max3A : f32 to vector<64x16xf32>
      %max3A_46 = arith.maximumf %get3A_44, %max3A_45 : vector<64x16xf32>
      %div3A = arith.divf %get3A_41, %max3A_46 : vector<64x16xf32>
      %swap3A = arith.constant 0 : index
      %swap3A_47 = arith.constant 0 : index
      %swap3A_48 = vector.load %arg6[%swap3A, %swap3A_47] : memref<64x16xf32, #tpu.memory_space<vmem>>, vector<64x16xf32>
      tpu.vector_store %arg6[%swap3A, %swap3A_47], %div3A {strides = array<i32>} : memref<64x16xf32, #tpu.memory_space<vmem>>, vector<64x16xf32>,
    } else {
    }
    return
  }
  func.func @transform_0(%arg0: i32) -> (i32, i32, i32) {
    %c0_i32 = arith.constant 0 : i32
    %c0_i32_0 = arith.constant 0 : i32
    %c0_i32_1 = arith.constant 0 : i32
    return %c0_i32, %arg0, %c0_i32_0 : i32, i32, i32
  }
  func.func @transform_1(%arg0: i32) -> (i32, i32) {
    %c0_i32 = arith.constant 0 : i32
    %c0_i32_0 = arith.constant 0 : i32
    return %arg0, %c0_i32 : i32, i32
  }
  func.func @transform_2(%arg0: i32) -> (i32, i32) {
    %c0_i32 = arith.constant 0 : i32
    %c0_i32_0 = arith.constant 0 : i32
    return %arg0, %c0_i32 : i32, i32
  }
  func.func @transform_3(%arg0: i32) -> (i32, i32) {
    %c0_i32 = arith.constant 0 : i32
    %c0_i32_0 = arith.constant 0 : i32
    %c0_i32_1 = arith.constant 0 : i32
    return %c0_i32, %c0_i32_0 : i32, i32
  }
  func.func @transform_4(%arg0: i32) -> (i32, i32) {
    %c0_i32 = arith.constant 0 : i32
    %c0_i32_0 = arith.constant 0 : i32
    return %arg0, %c0_i32 : i32, i32
  }
  func.func @transform_5(%arg0: i32) -> (i32, i32) {
    %c0_i32 = arith.constant 0 : i32
    %c0_i32_0 = arith.constant 0 : i32
    %c0_i32_1 = arith.constant 0 : i32
    return %c0_i32, %c0_i32_0 : i32, i32
  }
}

</mosaic_0001>

<sc_bundles>
// kernel: kernel.12.cloned.1.call-start
scs
__scs_entry_jumppad:
0x0: {  	(pc) =	sbr.rel $0x88, $3  }
0x1: {  	(tag) =	ssettag $0x0;
	lr =	simm.s32 $0x1  }
0x2: {  	[smem:$0x3F96] =	sst lr;
	_ =	strace $0xD0000000  }
0x3: {  	_ = 	snop  }
0x4: {  	_ = 	snop  }
0x5: {  	_ = 	snop  }
0x6: {  	_ = 	snop  }
0x7: {  	_ = 	snop  }
__scs_overlays_trampoline_lowered:
0x8: {  	[smem:$0x3FA5] =	sst s0  }
0x9: {  	[smem:$0x3FA6] =	sst s1  }
0xa: {  	[smem:$0x3FA7] =	sst s2  }
0xb: {  	[smem:$0x3FA8] =	sst s3  }
0xc: {  	[smem:$0x3FA9] =	sst s4  }
0xd: {  	[smem:$0x3FAA] =	sst s5  }
0xe: {  	[smem:$0x3FAB] =	sst s6  }
0xf: {  	[smem:$0x3FAC] =	sst s7  }
0x10: {  	[smem:$0x3FAD] =	sst s8  }
0x11: {  	[smem:$0x3FAE] =	sst s9;
	s0 =	simm.s32 @!p0 $0x0  }
0x12: {  	s1 =	sld [smem:$0x3F94];
	s0 =	simm.s32 @p0 $0x1  }
0x13: {  	[smem:$0x3FAF] =	sst s0;
	s0 =	simm.s32 @!p1 $0x0  }
0x14: {  	s2 =	sld [smem:$0x3F93];
	s0 =	simm.s32 @p1 $0x1  }
0x15: {  	[smem:$0x3FB0] =	sst s0;
	s0 =	simm.s32 @!p2 $0x0  }
0x16: {  	s3 =	sld [smem:$0x3FDB];
	s0 =	simm.s32 @p2 $0x1  }
0x17: {  	s4 =	simm.s32 $0x1BF5;
	[smem:$0x3FB2] =	sst s0  }
0x18: {  	s0 =	sld [smem:$0x3F95];
	_ =	swait.ge [sflag:s4], $0x0  }
0x19: {  	s7 =	sld [smem:$0x3F96]  }
0x1a: {  	s8 =	sadd.s32 $0xFFFFE003, lr  }
0x1b: {  	s9 =	sadd.s32 $0xFFFFFEF7, lr;
	s5 =	simm.s32 $0xFFFFFFFF;
	p2 =	slt.u32 s8, $0xFFFFF086  }
0x1c: {  	p1 =	slt.u32 s9, $0xF7A;
	s5 =	simm.s32 @!p2 $0x0  }
0x1d: {  	s5 =	simm.s32 @p1 $0x1;
	p0 =	seq.s32 s7, s2  }
0x1e: {  	s7 =	smul.u32 @!p0 $0xF7A, s2;
	p2 =	seq.s32 @!p0 s5, $0x0  }
0x1f: {  	s9 =	smul.u32 $0xF7A, s1;
	s8 =	simm.s32 @!p0 $0x1BF5;
	p2 =	por !p2, p0  }
0x20: {  	[sflag:s8] =	ssyncset.s32 @!p0 $0xFFFFF086;
	s6 =	sadd.s32 @!p0 s3, s7;
	s7 =	simm.s32 @!p0 $0x108  }
0x21: {  	s3 =	sadd.s32 s3, s9;
	s6 =	sadd.s32 @!p0 $0x88, s6;
	s7 =	simm.s32 @p2 $0x1082  }
0x22: {  	[simem:s7], [sflag:s8] =	dma.local @!p0 [hbm:s6], $0xF7A  }
0x23: {  	s9 =	sor.u32 $0xD0000000, s2;
	s6 =	simm.s32 $0x108;
	_ =	swait.ge @!p0 [sflag:s8], $0x0  }
0x24: {  	s3 =	sadd.s32 $0x88, s3;
	s6 =	simm.s32 @!p1 $0x1082;
	[sflag:s4] =	ssyncset.s32 $0xFFFFF086  }
0x25: {  	[simem:s6], [sflag:s4] =	dma.local [hbm:s3], $0xF7A  }
0x26: {  	[smem:$0x3F96] =	sst s1;
	(tag) =	ssettag s2;
	_ =	strace s9  }
0x27: {  	s1 =	sld [smem:$0x3FA6]  }
0x28: {  	s2 =	sld [smem:$0x3FA7]  }
0x29: {  	s4 =	sld [smem:$0x3FA9]  }
0x2a: {  	p0 =	seq.s32 s5, $0x0;
	s5 =	sld [smem:$0x3FAA]  }
0x2b: {  	s6 =	sld [smem:$0x3FAB]  }
0x2c: {  	s7 =	sld [smem:$0x3FAC]  }
0x2d: {  	s3 =	simm.s32 $0x108;
	s8 =	sld [smem:$0x3FAD]  }
0x2e: {  	s3 =	simm.s32 @!p0 $0x1082;
	s9 =	sld [smem:$0x3FAE]  }
0x2f: {  	lr =	sadd.s32 s0, s3;
	s0 =	sld [smem:$0x3FA5]  }
0x30: {  	s3 =	sld [smem:$0x3FA8]  }
0x31: {  	[smem:$0x3FB1] =	sst s10  }
0x32: {  	s10 =	sld [smem:$0x3FAF];
	_ =	sdelay $0x3  }
0x33: {  	p0 =	seq.s32 s10, $0x1;
	s10 =	sld [smem:$0x3FB1];
	_ =	sdelay $0x3  }
0x34: {  	[smem:$0x3FB1] =	sst s10  }
0x35: {  	s10 =	sld [smem:$0x3FB0];
	_ =	sdelay $0x3  }
0x36: {  	p1 =	seq.s32 s10, $0x1;
	s10 =	sld [smem:$0x3FB1];
	_ =	sdelay $0x3  }
0x37: {  	[smem:$0x3FB1] =	sst s10  }
0x38: {  	s10 =	sld [smem:$0x3FB2]  }
0x39: {  	_ = 	snop;
	(pc) =	sbr.ind lr, $3  }
0x3a: {  	_ = 	snop  }
0x3b: {  	_ = 	snop  }
0x3c: {  	p2 =	seq.s32 s10, $0x1;
	s10 =	sld [smem:$0x3FB1]  }
0x3d: {  	_ =	shalt  }
0x3e: {  	_ =	shalt  }
0x3f: {  	_ =	shalt  }
0x40: {  	_ =	shalt  }
0x41: {  	_ =	shalt  }
0x42: {  	_ =	shalt  }
0x43: {  	_ =	shalt  }
0x44: {  	_ =	shalt  }
0x45: {  	_ =	shalt  }
0x46: {  	_ =	shalt  }
0x47: {  	_ =	shalt  }
0x48: {  	_ =	shalt  }
0x49: {  	_ =	shalt  }
0x4a: {  	_ =	shalt  }
0x4b: {  	_ =	shalt  }
0x4c: {  	_ =	shalt  }
0x4d: {  	_ =	shalt  }
0x4e: {  	_ =	shalt  }
0x4f: {  	_ =	shalt  }
0x50: {  	_ =	shalt  }
0x51: {  	_ =	shalt  }
0x52: {  	_ =	shalt  }
0x53: {  	_ =	shalt  }
0x54: {  	_ =	shalt  }
0x55: {  	_ =	shalt  }
0x56: {  	_ =	shalt  }
0x57: {  	_ =	shalt  }
0x58: {  	_ =	shalt  }
0x59: {  	_ =	shalt  }
0x5a: {  	_ =	shalt  }
0x5b: {  	_ =	shalt  }
0x5c: {  	_ =	shalt  }
0x5d: {  	_ =	shalt  }
0x5e: {  	_ =	shalt  }
0x5f: {  	_ =	shalt  }
0x60: {  	_ =	shalt  }
0x61: {  	_ =	shalt  }
0x62: {  	_ =	shalt  }
0x63: {  	_ =	shalt  }
0x64: {  	_ =	shalt  }
0x65: {  	_ =	shalt  }
0x66: {  	_ =	shalt  }
0x67: {  	_ =	shalt  }
0x68: {  	_ =	shalt  }
0x69: {  	_ =	shalt  }
0x6a: {  	_ =	shalt  }
0x6b: {  	_ =	shalt  }
0x6c: {  	_ =	shalt  }
0x6d: {  	_ =	shalt  }
0x6e: {  	_ =	shalt  }
0x6f: {  	_ =	shalt  }
0x70: {  	_ =	shalt  }
0x71: {  	_ =	shalt  }
0x72: {  	_ =	shalt  }
0x73: {  	_ =	shalt  }
0x74: {  	_ =	shalt  }
0x75: {  	_ =	shalt  }
0x76: {  	_ =	shalt  }
0x77: {  	_ =	shalt  }
0x78: {  	_ =	shalt  }
0x79: {  	_ =	shalt  }
0x7a: {  	_ =	shalt  }
0x7b: {  	_ =	shalt  }
0x7c: {  	_ =	shalt  }
0x7d: {  	_ =	shalt  }
0x7e: {  	_ =	shalt  }
0x7f: {  	_ =	shalt  }
0x80: {  	_ =	shalt  }
0x81: {  	_ =	shalt  }
0x82: {  	_ =	shalt  }
0x83: {  	_ =	shalt  }
0x84: {  	_ =	shalt  }
0x85: {  	_ =	shalt  }
0x86: {  	_ =	shalt  }
0x87: {  	_ =	shalt  }
.Lfunc_end0:
.L_simem_size_0:
called_computation_lowered:
.L_overlay_start_0:
0x88: {  	s2 =	sld [smem:$0x3FD9]  }
0x89: {  	s3 =	sld [smem:$0x3FFE];
	_ =	sdelay $0x1  }
0x8a: {  	s1 =	srdreg.scid  }
0x8b: {  	s0 =	sand.u32 $0x1, s1  }
0x8c: {  	s17 =	sshll.u32 s0, $0xA;
	s2 =	sadd.s32 s3, s2  }
0x8d: {  	s2 =	sadd.s32 s2, s17  }
0x8e: {  	[smem:$0x3FBD] =	sst s2  }
0x8f: {  	_ = 	snop  }
0x90: {  	s2 =	sld [smem:$0x3FD0];
	(tm) =	ssettm $0x1  }
0x91: {  	s18 =	sld [smem:$0x3FFB];
	_ =	sdelay $0x3  }
0x92: {  	_ =	strace s18  }
0x93: {  	s3 =	sld [smem:$0x3FFC];
	_ =	sdelay $0x3  }
0x94: {  	_ =	strace s3  }
0x95: {  	s3 =	sld [smem:$0x3FFD];
	_ =	sdelay $0x3  }
0x96: {  	_ =	strace s3  }
0x97: {  	_ =	strace $0x8FFFFFFF  }
0x98: {  	s19 =	sld [smem:$0x3FDB];
	_ =	sdelay $0x1  }
0x99: {  	s4 =	simm.s32 $_scs_section_size  }
0x9a: {  	s5 =	simm.s32 $_size__tile_overlayer_lowered;
	s6 =	simm.s32 $_tile_overlayer_lowered  }
0x9b: {  	s22 =	simm.s32 $0x1BFF;
	s21 =	sshll.u32 s6, $0x1;
	s3 =	sadd.s32 s4, s19  }
0x9c: {  	s7 =	simm.s32 $0x0;
	s20 =	sshll.u32 s5, $0x1;
	s5 =	sadd.s32 s21, s3  }
0x9d: {  	[timem:s7], [sflag:s22] =	dma.local [hbm:s5], s20  }
0x9e: {  	_ =	swait.ge [sflag:s22], s20  }
0x9f: {  	s4 =	ssub.s32 $0x0, s20;
	[sflag:s22] =	ssyncset.done $0x0  }
0xa0: {  	[sflag:s22] =	ssyncadd.s32 s4;
	_ =	sdelay $0x1  }
0xa1: {  	s23 =	simm.s32 $0x1B8B  }
0xa2: {  	_ =	swait.ge [sflag:s23], $0x1  }
0xa3: {  	[sflag:s23] =	ssyncset.done $0x0  }
0xa4: {  	s25 =	simm.s32 $0x1B8E;
	s24 =	sld [smem:$0x3FFE];
	[sflag:s23] =	ssyncadd.s32 $0xFFFFFFFF  }
0xa5: {  	s26 =	simm.s32 $execute0_lowered;
	[smem:$0x3FD2] =	sst s25  }
0xa6: {  	s5 =	sshll.u32 s26, $0x1;
	_ =	strace $0x80000046;
	[dreg:$0x1] =	wrdreg $0xFFFFFFFF  }
0xa7: {  	s28 =	simm.s32 $_size_execute0_lowered;
	s3 =	sadd.s32 s3, s5;
	[dreg:$0x0] =	wrdreg $0x0  }
0xa8: {  	s5 =	sshll.u32 s28, $0x1;
	[dreg:$0x2] =	wrdreg s3  }
0xa9: {  	[dreg:$0x3] =	wrdreg s5  }
0xaa: {  	[dreg:$0x4] =	wrdreg $0xC0  }
0xab: {  	_ =	task [dreg:s7], $0x5FFFF  }
0xac: {  	[dreg:$0x1] =	wrdreg $0xFFFFFFFF  }
0xad: {  	[dreg:$0x0] =	wrdreg $0x60  }
0xae: {  	[dreg:$0x2] =	wrdreg s24  }
0xaf: {  	[dreg:$0x3] =	wrdreg s2  }
0xb0: {  	[dreg:$0x4] =	wrdreg $0x30000  }
0xb1: {  	[dreg:$0x5] =	wrdreg $0x9  }
0xb2: {  	_ =	task.clear_ibuf [dreg:s7], $0x6FFFF;
	_ =	strace $0x90000046  }
0xb3: {  	s29 =	simm.s32 $0x9;
	_ =	strace $0x80000048  }
0xb4: {  	_ =	swait.ge [sflag:s29], $0x1  }
0xb5: {  	[sflag:s29] =	ssyncadd.s32 $0xFFFFFFFF  }
0xb6: {  	_ =	strace $0x90000048  }
0xb7: {  	_ =	sfence  }
0xb8: {  	s30 =	sld [smem:$0x0];
	_ =	sdelay $0x2  }
0xb9: {  	s31 =	sshll.u32 s1, $0xD;
	s1 =	sshrl.u32 s1, $0x2  }
0xba: {  	s3 =	sand.u32 $0x4000, s31;
	s1 =	sadd.s32 s1, s30  }
0xbb: {  	s0 =	sor.u32 s3, s0;
	s1 =	sshll.u32 s1, $0x11  }
0xbc: {  	s0 =	sor.u32 s1, s0  }
0xbd: {  	s0 =	sadd.s32 $0x8F2B, s0  }
0xbe: {  	[sflag:s0] =	ssyncadd.remote.s32 $0x1  }
0xbf: {  	_ =	sfence.sel $0xFFFF  }
0xc0: {  	[dreg:$0x0] =	wrdreg $0xFFFFFFFF;
	(pc) =	sbr.abs _section_cstart, $3  }
0xc1: {  	[dreg:$0x1] =	wrdreg $0xFFFFFFFF  }
0xc2: {  	_ =	task.clear_ibuf [dreg:s7], $0x2FFFF;
	_ =	strace $0x9FFFFFFF  }
0xc3: {  	(tm) =	ssettm $0x7FFFFFFF  }
tec
execute0_lowered:
.L_overlay_start_1:
0x0: {  	(tag) =	ssettag $0x1  }
0x1: {  	s6 =	rddreg [dreg:$0x0]  }
0x2: {  	s1 =	rddreg [dreg:$0x1]  }
0x3: {  	s2 =	rddreg [dreg:$0x2]  }
0x4: {  	s3 =	srdreg.scid;
	s0 =	rddreg [dreg:$0x3];
	s4 =	simm.s32 $0x0  }
0x5: {  	s13 =	simm.s32 $0x80;
	s14 =	simm.s32 $0x1;
	s15 =	simm.s32 $0x10  }
0x6: {  	s16 =	simm.s32 $0x0;
	s7 =	sand.u32 $0x1, s3;
	s3 =	stileid.u32  }
0x7: {  	[smem:$0x7FF] =	sst s4;
	s5 =	sadd.s32 $0x18200, s6;
	s8 =	smul.u32 $0x140000, s7  }
0x8: {  	s9 =	smul.u32 $0x14000, s3;
	s10 =	sshll.u32 s7, $0x4;
	_ =	strace $0x80000047  }
0x9: {  	s7 =	ssub.s32 $0x2, s7;
	s11 =	smul.u32 $0xA000, s3;
	s31 =	sshll.u32 s3, $0x6  }
0xa: {  	s10 =	sor.u32 s3, s10;
	s28 =	sshrl.u32 s7, $0x1;
	s8 =	sadd.s32 s9, s8  }
0xb: {  	s26 =	smul.u32 $0x2800, s10;
	s10 =	ssub.s32 s7, s28;
	s30 =	sshrl.u32 s11, $0x2  }
0xc: {  	s11 =	simm.s32 $0x2;
	s8 =	sshrl.u32 s8, $0x3;
	s12 =	sadd.s32 s30, s2  }
0xd: {  	s9 =	smax.u32 s10, $0x1;
	s8 =	sadd.s32 s8, s6;
	s29 =	sshrl.u32 s26, $0x3  }
0xe: {  	s10 =	sshrl.u32 s12, $0x3;
	s12 =	simm.s32 $0x2800;
	s7 =	sadd.s32 s6, s29  }
0xf: {  	s6 =	sor.u32 $0x1C02, s31;
	s8 =	sadd.s32 $0x18800, s8;
	s7 =	sadd.s32 $0xE200, s7  }
.LBB2_1:
0x10: {  	[spmem:s10], [sflag:s6] =	dma.local [hbm:s5], $0x500  }
0x11: {  	_ =	swait.ge [sflag:s11], $0x500  }
0x12: {  	[sflag:s11] =	ssyncset.done $0x0  }
0x13: {  	[sflag:s11] =	ssyncadd.s32 $0xFFFFFB00  }
0x14: {  	[tilespmem:s12], [sflag:$0x2] =	stream.linear.gather [hbm4b:s1+s4], $0x800, $0x38;
	[tilespmem:$0x5800] =	vst v63  }
0x15: {  	_ =	swait.ge [sflag:s11], $0x800  }
0x16: {  	[sflag:s11] =	ssyncset.done $0x0  }
0x17: {  	[sflag:s11] =	ssyncadd.s32 $0xFFFFF800  }
0x18: {  	[tilespmem:s4], [sflag:$0x2] =	stream.linear.gather [hbm4b:s7+s4], $0x2800, $0x38;
	[tilespmem:$0x5800] =	vst v63  }
0x19: {  	_ =	swait.ge [sflag:s11], $0x2800  }
0x1a: {  	[sflag:s11] =	ssyncset.done $0x0  }
0x1b: {  	[sflag:s11] =	ssyncadd.s32 $0xFFFFD800  }
0x1c: {  	[bflag:$0x0] =	sbarrier.arrive $0xFFFF  }
0x1d: {  	[spmem:s2] =	stream.indirect.scatter.add.f32 [tilespmem:s12], [sflag:$0x1], $0x10, s4, s13, $0xb8;
	[tilespmem:$0x5800] =	vst v63  }
0x1e: {  	s17 =	simm.s32 $0x80  }
0x1f: {  	[spmem:s2] =	stream.indirect.scatter.add.f32 [tilespmem:s12], [sflag:$0x1], $0x10, s17, s13, $0xb8;
	[tilespmem:$0x5800] =	vst v63  }
0x20: {  	_ =	swait.ge [sflag:s14], $0x800  }
0x21: {  	s17 =	simm.s32 $0x400;
	[sflag:s14] =	ssyncset.done $0x0  }
.LBB2_2:
0x22: {  	s18 =	sshra.s32 s17, $0x2;
	[sflag:s14] =	ssyncadd.s32 $0xFFFFF800;
	p0 =	sne.s32 s17, $0x9E00  }
0x23: {  	[spmem:s2] =	stream.indirect.scatter.add.f32 [tilespmem:s12], [sflag:$0x1], $0x10, s18, s13, $0xb8;
	[tilespmem:$0x5800] =	vst v63  }
.Ltmp0:
0x24: {  	_ = 	snop;
	(pc) =	sbr.rel @p0 .LBB2_2-.Ltmp0, $4  }
0x25: {  	_ = 	snop  }
0x26: {  	s17 =	sadd.s32 $0x200, s17  }
0x27: {  	_ =	swait.ge [sflag:s14], $0x800  }
0x28: {  	[sflag:s14] =	ssyncset.done $0x0  }
0x29: {  	[sflag:s14] =	ssyncadd.s32 $0xFFFFF800  }
0x2a: {  	_ =	swait.ge [sflag:s14], $0x800  }
0x2b: {  	s16 =	sadd.s32 $0x1, s16;
	[sflag:s14] =	ssyncset.done $0x0  }
0x2c: {  	p0 =	sne.s32 s16, s9;
	[sflag:s14] =	ssyncadd.s32 $0xFFFFF800  }
.Ltmp1:
0x2d: {  	[bflag:$0x0] =	sbarrier.arrive $0xFFFF;
	(pc) =	sbr.rel @p0 .LBB2_1-.Ltmp1, $4  }
0x2e: {  	[hbm:s8@s15], [sflag:s6] =	dma.strided [spmem:s10@s11], $0x500, s14, $0x2   }
0x2f: {  	_ =	swait.ge [sflag:s11], $0x500  }
0x30: {  	[sflag:s11] =	ssyncset.done $0x0  }
0x31: {  	[sflag:s11] =	ssyncadd.s32 $0xFFFFFB00  }
0x32: {  	_ =	sfence.sel $0x180000  }
0x33: {  	[bflag:$0x0] =	sbarrier.arrive $0xFFFF  }
0x34: {  	p0 =	sne.s32 s3, $0x0;
	_ =	strace $0x90000047  }
0x35: {  	s0 =	sadd.s32 @!p0 $0x100000, s0;
	[bflag:$0x2] =	sbarrier.arrive $0xFFFF  }
0x36: {  	[sflag:s0] =	ssyncadd.tile.s32 @!p0 $0x1;
	_ =	shalt  }
.Lfunc_end2:
_tile_overlayer_lowered:
.L_overlay_start_2:
0x37: {  	(tag) =	ssettag $0x2  }
0x38: {  	s0 =	rddreg [dreg:$0x0];
	s2 =	stileid.u32  }
0x39: {  	s1 =	rddreg [dreg:$0x1];
	p0 =	sne.s32 s2, $0x0  }
0x3a: {  	s3 =	rddreg [dreg:$0x2];
	[bflag:$0x3] =	sbarrier.arrive $0xFFFF;
	s2 =	simm.s32 @!p0 $0x1C02  }
0x3b: {  	[timem:s3], [sflag:s2] =	dma.local @!p0 [hbm:s0], s1  }
0x3c: {  	s0 =	simm.s32 @!p0 $0x2  }
0x3d: {  	_ =	swait.ge @!p0 [sflag:s0], s1  }
0x3e: {  	s1 =	ssub.s32 @!p0 $0x0, s1;
	[sflag:s0] =	ssyncset.done @!p0 $0x0  }
0x3f: {  	[sflag:s0] =	ssyncadd.s32 @!p0 s1  }
0x40: {  	[bflag:$0x3] =	sbarrier.arrive $0xFFFF  }
0x41: {  	_ =	shalt  }

// kernel: kernel.15.cloned.1.call-start
scs
__scs_entry_jumppad:
0x0: {  	(pc) =	sbr.rel $0x88, $3  }
0x1: {  	(tag) =	ssettag $0x0;
	lr =	simm.s32 $0x1  }
0x2: {  	[smem:$0x3F96] =	sst lr;
	_ =	strace $0xD0000000  }
0x3: {  	_ = 	snop  }
0x4: {  	_ = 	snop  }
0x5: {  	_ = 	snop  }
0x6: {  	_ = 	snop  }
0x7: {  	_ = 	snop  }
__scs_overlays_trampoline_lowered:
0x8: {  	[smem:$0x3FA5] =	sst s0  }
0x9: {  	[smem:$0x3FA6] =	sst s1  }
0xa: {  	[smem:$0x3FA7] =	sst s2  }
0xb: {  	[smem:$0x3FA8] =	sst s3  }
0xc: {  	[smem:$0x3FA9] =	sst s4  }
0xd: {  	[smem:$0x3FAA] =	sst s5  }
0xe: {  	[smem:$0x3FAB] =	sst s6  }
0xf: {  	[smem:$0x3FAC] =	sst s7  }
0x10: {  	[smem:$0x3FAD] =	sst s8  }
0x11: {  	[smem:$0x3FAE] =	sst s9;
	s0 =	simm.s32 @!p0 $0x0  }
0x12: {  	s1 =	sld [smem:$0x3F94];
	s0 =	simm.s32 @p0 $0x1  }
0x13: {  	[smem:$0x3FAF] =	sst s0;
	s0 =	simm.s32 @!p1 $0x0  }
0x14: {  	s2 =	sld [smem:$0x3F93];
	s0 =	simm.s32 @p1 $0x1  }
0x15: {  	[smem:$0x3FB0] =	sst s0;
	s0 =	simm.s32 @!p2 $0x0  }
0x16: {  	s3 =	sld [smem:$0x3FDB];
	s0 =	simm.s32 @p2 $0x1  }
0x17: {  	s4 =	simm.s32 $0x1BF5;
	[smem:$0x3FB2] =	sst s0  }
0x18: {  	s0 =	sld [smem:$0x3F95];
	_ =	swait.ge [sflag:s4], $0x0  }
0x19: {  	s7 =	sld [smem:$0x3F96]  }
0x1a: {  	s8 =	sadd.s32 $0xFFFFE003, lr  }
0x1b: {  	s9 =	sadd.s32 $0xFFFFFEF7, lr;
	s5 =	simm.s32 $0xFFFFFFFF;
	p2 =	slt.u32 s8, $0xFFFFF086  }
0x1c: {  	p1 =	slt.u32 s9, $0xF7A;
	s5 =	simm.s32 @!p2 $0x0  }
0x1d: {  	s5 =	simm.s32 @p1 $0x1;
	p0 =	seq.s32 s7, s2  }
0x1e: {  	s7 =	smul.u32 @!p0 $0xF7A, s2;
	p2 =	seq.s32 @!p0 s5, $0x0  }
0x1f: {  	s9 =	smul.u32 $0xF7A, s1;
	s8 =	simm.s32 @!p0 $0x1BF5;
	p2 =	por !p2, p0  }
0x20: {  	[sflag:s8] =	ssyncset.s32 @!p0 $0xFFFFF086;
	s6 =	sadd.s32 @!p0 s3, s7;
	s7 =	simm.s32 @!p0 $0x108  }
0x21: {  	s3 =	sadd.s32 s3, s9;
	s6 =	sadd.s32 @!p0 $0x88, s6;
	s7 =	simm.s32 @p2 $0x1082  }
0x22: {  	[simem:s7], [sflag:s8] =	dma.local @!p0 [hbm:s6], $0xF7A  }
0x23: {  	s9 =	sor.u32 $0xD0000000, s2;
	s6 =	simm.s32 $0x108;
	_ =	swait.ge @!p0 [sflag:s8], $0x0  }
0x24: {  	s3 =	sadd.s32 $0x88, s3;
	s6 =	simm.s32 @!p1 $0x1082;
	[sflag:s4] =	ssyncset.s32 $0xFFFFF086  }
0x25: {  	[simem:s6], [sflag:s4] =	dma.local [hbm:s3], $0xF7A  }
0x26: {  	[smem:$0x3F96] =	sst s1;
	(tag) =	ssettag s2;
	_ =	strace s9  }
0x27: {  	s1 =	sld [smem:$0x3FA6]  }
0x28: {  	s2 =	sld [smem:$0x3FA7]  }
0x29: {  	s4 =	sld [smem:$0x3FA9]  }
0x2a: {  	p0 =	seq.s32 s5, $0x0;
	s5 =	sld [smem:$0x3FAA]  }
0x2b: {  	s6 =	sld [smem:$0x3FAB]  }
0x2c: {  	s7 =	sld [smem:$0x3FAC]  }
0x2d: {  	s3 =	simm.s32 $0x108;
	s8 =	sld [smem:$0x3FAD]  }
0x2e: {  	s3 =	simm.s32 @!p0 $0x1082;
	s9 =	sld [smem:$0x3FAE]  }
0x2f: {  	lr =	sadd.s32 s0, s3;
	s0 =	sld [smem:$0x3FA5]  }
0x30: {  	s3 =	sld [smem:$0x3FA8]  }
0x31: {  	[smem:$0x3FB1] =	sst s10  }
0x32: {  	s10 =	sld [smem:$0x3FAF];
	_ =	sdelay $0x3  }
0x33: {  	p0 =	seq.s32 s10, $0x1;
	s10 =	sld [smem:$0x3FB1];
	_ =	sdelay $0x3  }
0x34: {  	[smem:$0x3FB1] =	sst s10  }
0x35: {  	s10 =	sld [smem:$0x3FB0];
	_ =	sdelay $0x3  }
0x36: {  	p1 =	seq.s32 s10, $0x1;
	s10 =	sld [smem:$0x3FB1];
	_ =	sdelay $0x3  }
0x37: {  	[smem:$0x3FB1] =	sst s10  }
0x38: {  	s10 =	sld [smem:$0x3FB2]  }
0x39: {  	_ = 	snop;
	(pc) =	sbr.ind lr, $3  }
0x3a: {  	_ = 	snop  }
0x3b: {  	_ = 	snop  }
0x3c: {  	p2 =	seq.s32 s10, $0x1;
	s10 =	sld [smem:$0x3FB1]  }
0x3d: {  	_ =	shalt  }
0x3e: {  	_ =	shalt  }
0x3f: {  	_ =	shalt  }
0x40: {  	_ =	shalt  }
0x41: {  	_ =	shalt  }
0x42: {  	_ =	shalt  }
0x43: {  	_ =	shalt  }
0x44: {  	_ =	shalt  }
0x45: {  	_ =	shalt  }
0x46: {  	_ =	shalt  }
0x47: {  	_ =	shalt  }
0x48: {  	_ =	shalt  }
0x49: {  	_ =	shalt  }
0x4a: {  	_ =	shalt  }
0x4b: {  	_ =	shalt  }
0x4c: {  	_ =	shalt  }
0x4d: {  	_ =	shalt  }
0x4e: {  	_ =	shalt  }
0x4f: {  	_ =	shalt  }
0x50: {  	_ =	shalt  }
0x51: {  	_ =	shalt  }
0x52: {  	_ =	shalt  }
0x53: {  	_ =	shalt  }
0x54: {  	_ =	shalt  }
0x55: {  	_ =	shalt  }
0x56: {  	_ =	shalt  }
0x57: {  	_ =	shalt  }
0x58: {  	_ =	shalt  }
0x59: {  	_ =	shalt  }
0x5a: {  	_ =	shalt  }
0x5b: {  	_ =	shalt  }
0x5c: {  	_ =	shalt  }
0x5d: {  	_ =	shalt  }
0x5e: {  	_ =	shalt  }
0x5f: {  	_ =	shalt  }
0x60: {  	_ =	shalt  }
0x61: {  	_ =	shalt  }
0x62: {  	_ =	shalt  }
0x63: {  	_ =	shalt  }
0x64: {  	_ =	shalt  }
0x65: {  	_ =	shalt  }
0x66: {  	_ =	shalt  }
0x67: {  	_ =	shalt  }
0x68: {  	_ =	shalt  }
0x69: {  	_ =	shalt  }
0x6a: {  	_ =	shalt  }
0x6b: {  	_ =	shalt  }
0x6c: {  	_ =	shalt  }
0x6d: {  	_ =	shalt  }
0x6e: {  	_ =	shalt  }
0x6f: {  	_ =	shalt  }
0x70: {  	_ =	shalt  }
0x71: {  	_ =	shalt  }
0x72: {  	_ =	shalt  }
0x73: {  	_ =	shalt  }
0x74: {  	_ =	shalt  }
0x75: {  	_ =	shalt  }
0x76: {  	_ =	shalt  }
0x77: {  	_ =	shalt  }
0x78: {  	_ =	shalt  }
0x79: {  	_ =	shalt  }
0x7a: {  	_ =	shalt  }
0x7b: {  	_ =	shalt  }
0x7c: {  	_ =	shalt  }
0x7d: {  	_ =	shalt  }
0x7e: {  	_ =	shalt  }
0x7f: {  	_ =	shalt  }
0x80: {  	_ =	shalt  }
0x81: {  	_ =	shalt  }
0x82: {  	_ =	shalt  }
0x83: {  	_ =	shalt  }
0x84: {  	_ =	shalt  }
0x85: {  	_ =	shalt  }
0x86: {  	_ =	shalt  }
0x87: {  	_ =	shalt  }
.Lfunc_end0:
.L_simem_size_0:
called_computation.1_lowered:
.L_overlay_start_0:
0x88: {  	s2 =	sld [smem:$0x3FD9]  }
0x89: {  	s3 =	sld [smem:$0x3FFE];
	_ =	sdelay $0x1  }
0x8a: {  	s1 =	srdreg.scid  }
0x8b: {  	s0 =	sand.u32 $0x1, s1  }
0x8c: {  	s16 =	sshll.u32 s0, $0xA;
	s2 =	sadd.s32 s3, s2  }
0x8d: {  	s2 =	sadd.s32 s2, s16  }
0x8e: {  	[smem:$0x3FBD] =	sst s2  }
0x8f: {  	_ = 	snop  }
0x90: {  	(tm) =	ssettm $0x1  }
0x91: {  	s17 =	sld [smem:$0x3FFB];
	_ =	sdelay $0x3  }
0x92: {  	_ =	strace s17  }
0x93: {  	s2 =	sld [smem:$0x3FFC];
	_ =	sdelay $0x3  }
0x94: {  	_ =	strace s2  }
0x95: {  	s2 =	sld [smem:$0x3FFD];
	_ =	sdelay $0x3  }
0x96: {  	_ =	strace s2  }
0x97: {  	_ =	strace $0x8FFFFFFF  }
0x98: {  	s18 =	sld [smem:$0x3FDB];
	_ =	sdelay $0x1  }
0x99: {  	s19 =	simm.s32 $_scs_section_size  }
0x9a: {  	s4 =	simm.s32 $_size__tile_overlayer_lowered;
	s5 =	simm.s32 $_tile_overlayer_lowered  }
0x9b: {  	s22 =	simm.s32 $0x1BFF;
	s21 =	sshll.u32 s5, $0x1;
	s2 =	sadd.s32 s19, s18  }
0x9c: {  	s6 =	simm.s32 $0x0;
	s20 =	sshll.u32 s4, $0x1;
	s4 =	sadd.s32 s21, s2  }
0x9d: {  	[timem:s6], [sflag:s22] =	dma.local [hbm:s4], s20  }
0x9e: {  	_ =	swait.ge [sflag:s22], s20  }
0x9f: {  	s3 =	ssub.s32 $0x0, s20;
	[sflag:s22] =	ssyncset.done $0x0  }
0xa0: {  	[sflag:s22] =	ssyncadd.s32 s3;
	_ =	sdelay $0x1  }
0xa1: {  	s23 =	simm.s32 $0x1B8B  }
0xa2: {  	_ =	swait.ge [sflag:s23], $0x1  }
0xa3: {  	[sflag:s23] =	ssyncset.done $0x0  }
0xa4: {  	s25 =	simm.s32 $0x1B8E;
	s24 =	sld [smem:$0x3FFE];
	[sflag:s23] =	ssyncadd.s32 $0xFFFFFFFF  }
0xa5: {  	s26 =	simm.s32 $execute0_lowered;
	[smem:$0x3FD2] =	sst s25  }
0xa6: {  	s4 =	sshll.u32 s26, $0x1;
	_ =	strace $0x80000049;
	[dreg:$0x1] =	wrdreg $0xFFFFFFFF  }
0xa7: {  	s28 =	simm.s32 $_size_execute0_lowered;
	s2 =	sadd.s32 s2, s4;
	[dreg:$0x0] =	wrdreg $0x0  }
0xa8: {  	s4 =	sshll.u32 s28, $0x1;
	[dreg:$0x2] =	wrdreg s2  }
0xa9: {  	[dreg:$0x3] =	wrdreg s4  }
0xaa: {  	[dreg:$0x4] =	wrdreg $0xC0  }
0xab: {  	_ =	task [dreg:s6], $0x5FFFF  }
0xac: {  	[dreg:$0x1] =	wrdreg $0xFFFFFFFF  }
0xad: {  	[dreg:$0x0] =	wrdreg $0x60  }
0xae: {  	[dreg:$0x2] =	wrdreg s24  }
0xaf: {  	[dreg:$0x3] =	wrdreg $0xA8000  }
0xb0: {  	[dreg:$0x4] =	wrdreg $0x148000  }
0xb1: {  	[dreg:$0x5] =	wrdreg $0x9  }
0xb2: {  	_ =	task.clear_ibuf [dreg:s6], $0x6FFFF;
	_ =	strace $0x90000049  }
0xb3: {  	s29 =	simm.s32 $0x9;
	_ =	strace $0x8000004B  }
0xb4: {  	_ =	swait.ge [sflag:s29], $0x1  }
0xb5: {  	[sflag:s29] =	ssyncadd.s32 $0xFFFFFFFF  }
0xb6: {  	_ =	strace $0x9000004B  }
0xb7: {  	_ =	sfence  }
0xb8: {  	s30 =	sld [smem:$0x0];
	_ =	sdelay $0x2  }
0xb9: {  	s31 =	sshll.u32 s1, $0xD;
	s1 =	sshrl.u32 s1, $0x2  }
0xba: {  	s3 =	sand.u32 $0x4000, s31;
	s1 =	sadd.s32 s1, s30  }
0xbb: {  	s0 =	sor.u32 s3, s0;
	s1 =	sshll.u32 s1, $0x11  }
0xbc: {  	s0 =	sor.u32 s1, s0  }
0xbd: {  	s0 =	sadd.s32 $0x8F2B, s0  }
0xbe: {  	[sflag:s0] =	ssyncadd.remote.s32 $0x1  }
0xbf: {  	_ =	sfence.sel $0xFFFF  }
0xc0: {  	[dreg:$0x0] =	wrdreg $0xFFFFFFFF;
	(pc) =	sbr.abs _section_cstart, $3  }
0xc1: {  	[dreg:$0x1] =	wrdreg $0xFFFFFFFF  }
0xc2: {  	_ =	task.clear_ibuf [dreg:s6], $0x2FFFF;
	_ =	strace $0x9FFFFFFF  }
0xc3: {  	(tm) =	ssettm $0x7FFFFFFF  }
tec
execute0_lowered:
.L_overlay_start_1:
0x0: {  	(tag) =	ssettag $0x1  }
0x1: {  	s0 =	rddreg [dreg:$0x0]  }
0x2: {  	s1 =	rddreg [dreg:$0x1]  }
0x3: {  	s3 =	rddreg [dreg:$0x2]  }
0x4: {  	s4 =	simm.s32 $0x0;
	s2 =	srdreg.scid;
	s10 =	stileid.u32  }
0x5: {  	s14 =	simm.s32 $0x1;
	s15 =	simm.s32 $0x8;
	s16 =	simm.s32 $0x10  }
0x6: {  	s18 =	simm.s32 $0x1400;
	s19 =	simm.s32 $0x80;
	s20 =	simm.s32 $0x2800  }
0x7: {  	s28 =	simm.s32 $0x1500;
	s29 =	simm.s32 $0x2;
	s30 =	simm.s32 $0x200  }
0x8: {  	s31 =	simm.s32 $0x1580;
	[smem:$0x7FF] =	sst s4;
	s6 =	smul.u32 $0x14000, s10  }
0x9: {  	s2 =	sand.u32 $0x1, s2;
	s5 =	sadd.s32 $0x4200, s0;
	s22 =	smul.u32 $0xA000, s10  }
0xa: {  	s8 =	sadd.s32 $0x40800, s0;
	s23 =	sshll.u32 s10, $0x6;
	s10 =	smul.u32 $0x5000, s10  }
0xb: {  	_ =	strace $0x8000004A;
	s7 =	sshll.u32 s2, $0x6;
	[dreg:$0x4] =	wrdreg s8  }
0xc: {  	s2 =	ssub.s32 $0x2, s2;
	[dreg:$0x5] =	wrdreg s23;
	s6 =	sor.u32 s7, s6  }
0xd: {  	s21 =	sshrl.u32 s2, $0x1;
	s24 =	sadd.s32 s22, s1;
	s25 =	sadd.s32 s22, s3  }
0xe: {  	s22 =	simm.s32 $0x100;
	s6 =	sshrl.u32 s6, $0x3;
	s2 =	ssub.s32 s2, s21  }
0xf: {  	s13 =	sshrl.u32 s24, $0x3;
	s17 =	sshrl.u32 s25, $0x3;
	s21 =	simm.s32 $0x4800  }
.Ltmp0:
0x10: {  	s24 =	simm.s32 $0x1480;
	s25 =	simm.s32 $0x180;
	(pc) =	sbr.rel .LBB2_1-.Ltmp0, $4  }
0x11: {  	s0 =	sadd.s32 s6, s0;
	s26 =	smax.u32 s2, $0x1;
	s2 =	simm.s32 $0x3  }
0x12: {  	s9 =	sadd.s32 $0x18800, s0;
	s0 =	sadd.s32 $0x41C00, s0;
	[dreg:$0x8] =	wrdreg s26  }
0x13: {  	s26 =	simm.s32 $0x8800;
	[dreg:$0x6] =	wrdreg s9;
	s9 =	sor.u32 $0x1C01, s23  }
0x14: {  	[dreg:$0x7] =	wrdreg s0;
	s23 =	simm.s32 $0x6800;
	s0 =	simm.s32 $0x280  }
.LBB2_6:
0x15: {  	[bflag:$0x0] =	sbarrier.arrive $0xFFFF  }
0x16: {  	s6 =	rddreg [dreg:$0x5]  }
0x17: {  	s7 =	rddreg [dreg:$0x7];
	s6 =	sor.u32 $0x1C03, s6  }
0x18: {  	[hbm:s7@s16], [sflag:s6] =	dma.strided [spmem:s17@s15], $0x1400, s14, $0x8   }
0x19: {  	_ =	swait.ge [sflag:s2], $0x1400  }
0x1a: {  	s4 =	sadd.s32 $0x1, s4;
	s12 =	rddreg [dreg:$0x8]  }
0x1b: {  	p0 =	sne.s32 s4, s12  }
.Ltmp1:
0x1c: {  	_ = 	snop;
	(pc) =	sbr.rel @!p0 .LBB2_7-.Ltmp1, $3  }
0x1d: {  	_ =	sdelay $0x1  }
0x1e: {  	[sflag:s2] =	ssyncset.done $0x0  }
0x1f: {  	[sflag:s2] =	ssyncadd.s32 $0xFFFFEC00  }
.LBB2_1:
0x20: {  	s6 =	rddreg [dreg:$0x6]  }
0x21: {  	[spmem:s13@s15], [sflag:s9] =	dma.strided [hbm:s6@s16], $0x1400, s14, $0x8   }
0x22: {  	s6 =	rddreg [dreg:$0x4]  }
0x23: {  	[spmem:s17], [sflag:s9] =	dma.local [hbm:s6], $0x1400  }
0x24: {  	_ =	swait.ge [sflag:s14], $0x1400  }
0x25: {  	[sflag:s14] =	ssyncset.done $0x0  }
0x26: {  	[sflag:s14] =	ssyncadd.s32 $0xFFFFEC00  }
.Ltmp2:
0x27: {  	_ =	swait.ge [sflag:s14], $0x1400;
	(pc) =	sbr.rel .LBB2_2-.Ltmp2, $4  }
0x28: {  	[sflag:s14] =	ssyncset.done $0x0  }
0x29: {  	[sflag:s14] =	ssyncadd.s32 $0xFFFFEC00  }
0x2a: {  	[bflag:$0x0] =	sbarrier.arrive $0xFFFF  }
0x2b: {  	s6 =	simm.s32 $0x0  }
.LBB2_5:
0x2c: {  	_ =	swait.ge [sflag:s14], $0x2000  }
0x2d: {  	[sflag:s14] =	ssyncset.done $0x0  }
0x2e: {  	[sflag:s14] =	ssyncadd.s32 $0xFFFFE000  }
0x2f: {  	[spmem:s3] =	stream.indirect.scatter.add.f32 [tilespmem:s26], [sflag:$0x2], $0x40, s11, s19, $0xb8;
	[tilespmem:$0x1E800] =	vst v63  }
0x30: {  	_ =	swait.ge [sflag:s29], $0x2000  }
0x31: {  	[sflag:s29] =	ssyncset.done $0x0  }
0x32: {  	s6 =	sadd.s32 $0x1, s6;
	[sflag:s29] =	ssyncadd.s32 $0xFFFFE000  }
0x33: {  	p0 =	sne.s32 s6, $0x4;
	_ =	swait.ge [sflag:s29], $0x2000  }
.Ltmp3:
0x34: {  	[sflag:s29] =	ssyncset.done $0x0;
	(pc) =	sbr.rel @!p0 .LBB2_6-.Ltmp3, $4  }
0x35: {  	[sflag:s29] =	ssyncadd.s32 $0xFFFFE000  }
0x36: {  	_ =	swait.ge [sflag:s29], $0x2000  }
0x37: {  	[sflag:s29] =	ssyncset.done $0x0  }
0x38: {  	[sflag:s29] =	ssyncadd.s32 $0xFFFFE000  }
.LBB2_2:
0x39: {  	s7 =	smul.u32 $0x1400, s6;
	_ =	sdelay $0x1  }
0x3a: {  	s7 =	sadd.s32 s10, s7  }
0x3b: {  	s7 =	sshrl.u32 s7, $0x3  }
0x3c: {  	s8 =	simm.s32 $0x0;
	s7 =	sadd.s32 s5, s7  }
0x3d: {  	[tilespmem:s8], [sflag:$0x1] =	stream.linear.gather [hbm4b:s7+s8], $0x1400, $0x38;
	[tilespmem:$0x1E800] =	vst v63  }
0x3e: {  	s7 =	sadd.s32 $0xA000, s7  }
0x3f: {  	[tilespmem:s18], [sflag:$0x1] =	stream.linear.gather [hbm4b:s7+s8], $0x1400, $0x38;
	[tilespmem:$0x1E800] =	vst v63  }
0x40: {  	_ =	swait.ge [sflag:s14], $0x1400  }
0x41: {  	[sflag:s14] =	ssyncset.done $0x0  }
0x42: {  	[sflag:s14] =	ssyncadd.s32 $0xFFFFEC00  }
0x43: {  	_ =	swait.ge [sflag:s14], $0x1400  }
0x44: {  	[sflag:s14] =	ssyncset.done $0x0  }
0x45: {  	[sflag:s14] =	ssyncadd.s32 $0xFFFFEC00  }
0x46: {  	[tilespmem:s20], [sflag:$0x1] =	stream.indirect.gather [spmem:s1], $0x40, s8, s19, $0xb8;
	[tilespmem:$0x1E800] =	vst v63  }
0x47: {  	_ = 	snop  }
0x48: {  	[tilespmem:s21], [sflag:$0x1] =	stream.indirect.gather [spmem:s1], $0x40, s19, s19, $0xb8;
	[tilespmem:$0x1E800] =	vst v63  }
0x49: {  	_ =	swait.ge [sflag:s14], $0x2000  }
0x4a: {  	[sflag:s14] =	ssyncset.done $0x0  }
0x4b: {  	[sflag:s14] =	ssyncadd.s32 $0xFFFFE000  }
0x4c: {  	[spmem:s3] =	stream.indirect.scatter.add.f32 [tilespmem:s20], [sflag:$0x2], $0x40, s18, s19, $0xb8;
	[tilespmem:$0x1E800] =	vst v63  }
0x4d: {  	_ = 	snop  }
0x4e: {  	[tilespmem:s23], [sflag:$0x1] =	stream.indirect.gather [spmem:s1], $0x40, s22, s19, $0xb8;
	[tilespmem:$0x1E800] =	vst v63  }
0x4f: {  	_ =	swait.ge [sflag:s14], $0x2000  }
0x50: {  	[sflag:s14] =	ssyncset.done $0x0  }
0x51: {  	[sflag:s14] =	ssyncadd.s32 $0xFFFFE000  }
0x52: {  	[spmem:s3] =	stream.indirect.scatter.add.f32 [tilespmem:s21], [sflag:$0x2], $0x40, s24, s19, $0xb8;
	[tilespmem:$0x1E800] =	vst v63  }
0x53: {  	_ = 	snop  }
0x54: {  	[tilespmem:s26], [sflag:$0x1] =	stream.indirect.gather [spmem:s1], $0x40, s25, s19, $0xb8;
	[tilespmem:$0x1E800] =	vst v63  }
0x55: {  	_ =	swait.ge [sflag:s14], $0x2000  }
0x56: {  	[sflag:s14] =	ssyncset.done $0x0  }
0x57: {  	[sflag:s14] =	ssyncadd.s32 $0xFFFFE000  }
0x58: {  	[spmem:s3] =	stream.indirect.scatter.add.f32 [tilespmem:s23], [sflag:$0x2], $0x40, s28, s19, $0xb8;
	[tilespmem:$0x1E800] =	vst v63  }
0x59: {  	_ =	swait.ge [sflag:s29], $0x2000  }
0x5a: {  	[sflag:s29] =	ssyncset.done $0x0  }
0x5b: {  	[sflag:s29] =	ssyncadd.s32 $0xFFFFE000  }
0x5c: {  	[tilespmem:s20], [sflag:$0x1] =	stream.indirect.gather [spmem:s1], $0x40, s30, s19, $0xb8;
	[tilespmem:$0x1E800] =	vst v63  }
0x5d: {  	_ =	swait.ge [sflag:s14], $0x2000  }
0x5e: {  	[sflag:s14] =	ssyncset.done $0x0  }
0x5f: {  	[sflag:s14] =	ssyncadd.s32 $0xFFFFE000  }
0x60: {  	[spmem:s3] =	stream.indirect.scatter.add.f32 [tilespmem:s26], [sflag:$0x2], $0x40, s31, s19, $0xb8;
	[tilespmem:$0x1E800] =	vst v63  }
0x61: {  	_ =	swait.ge [sflag:s29], $0x2000  }
0x62: {  	[sflag:s29] =	ssyncset.done $0x0  }
0x63: {  	[sflag:s29] =	ssyncadd.s32 $0xFFFFE000  }
0x64: {  	[tilespmem:s21], [sflag:$0x1] =	stream.indirect.gather [spmem:s1], $0x40, s0, s19, $0xb8;
	[tilespmem:$0x1E800] =	vst v63  }
.LBB2_3:
0x65: {  	_ =	swait.ge [sflag:s14], $0x2000  }
0x66: {  	s7 =	sshra.s32 s8, $0x2;
	[sflag:s14] =	ssyncset.done $0x0  }
0x67: {  	s11 =	sadd.s32 $0x1600, s7;
	[sflag:s14] =	ssyncadd.s32 $0xFFFFE000  }
0x68: {  	[spmem:s3] =	stream.indirect.scatter.add.f32 [tilespmem:s20], [sflag:$0x2], $0x40, s11, s19, $0xb8;
	[tilespmem:$0x1E800] =	vst v63  }
0x69: {  	_ =	swait.ge [sflag:s29], $0x2000  }
0x6a: {  	[sflag:s29] =	ssyncset.done $0x0  }
0x6b: {  	s12 =	sadd.s32 $0x300, s7;
	[sflag:s29] =	ssyncadd.s32 $0xFFFFE000  }
0x6c: {  	[tilespmem:s23], [sflag:$0x1] =	stream.indirect.gather [spmem:s1], $0x40, s12, s19, $0xb8;
	[tilespmem:$0x1E800] =	vst v63  }
0x6d: {  	_ =	swait.ge [sflag:s14], $0x2000  }
0x6e: {  	[sflag:s14] =	ssyncset.done $0x0  }
0x6f: {  	s12 =	sadd.s32 $0x1680, s7;
	[sflag:s14] =	ssyncadd.s32 $0xFFFFE000  }
0x70: {  	[spmem:s3] =	stream.indirect.scatter.add.f32 [tilespmem:s21], [sflag:$0x2], $0x40, s12, s19, $0xb8;
	[tilespmem:$0x1E800] =	vst v63  }
0x71: {  	_ =	swait.ge [sflag:s29], $0x2000  }
0x72: {  	[sflag:s29] =	ssyncset.done $0x0  }
0x73: {  	s12 =	sadd.s32 $0x380, s7;
	[sflag:s29] =	ssyncadd.s32 $0xFFFFE000  }
0x74: {  	[tilespmem:s26], [sflag:$0x1] =	stream.indirect.gather [spmem:s1], $0x40, s12, s19, $0xb8;
	[tilespmem:$0x1E800] =	vst v63  }
0x75: {  	_ =	swait.ge [sflag:s14], $0x2000  }
0x76: {  	p0 =	seq.s32 s8, $0x4000;
	[sflag:s14] =	ssyncset.done $0x0  }
.Ltmp4:
0x77: {  	s12 =	sadd.s32 $0x1700, s7;
	[sflag:s14] =	ssyncadd.s32 $0xFFFFE000;
	(pc) =	sbr.rel @p0 .LBB2_5-.Ltmp4, $4  }
0x78: {  	[spmem:s3] =	stream.indirect.scatter.add.f32 [tilespmem:s23], [sflag:$0x2], $0x40, s12, s19, $0xb8;
	[tilespmem:$0x1E800] =	vst v63  }
0x79: {  	_ =	swait.ge [sflag:s29], $0x2000  }
0x7a: {  	[sflag:s29] =	ssyncset.done $0x0  }
0x7b: {  	s11 =	sadd.s32 $0x1780, s7;
	[sflag:s29] =	ssyncadd.s32 $0xFFFFE000  }
0x7c: {  	s12 =	sadd.s32 $0x400, s7  }
0x7d: {  	[tilespmem:s20], [sflag:$0x1] =	stream.indirect.gather [spmem:s1], $0x40, s12, s19, $0xb8;
	[tilespmem:$0x1E800] =	vst v63  }
0x7e: {  	_ =	swait.ge [sflag:s14], $0x2000  }
0x7f: {  	[sflag:s14] =	ssyncset.done $0x0  }
0x80: {  	[sflag:s14] =	ssyncadd.s32 $0xFFFFE000  }
0x81: {  	[spmem:s3] =	stream.indirect.scatter.add.f32 [tilespmem:s26], [sflag:$0x2], $0x40, s11, s19, $0xb8;
	[tilespmem:$0x1E800] =	vst v63  }
.Ltmp5:
0x82: {  	_ = 	snop;
	(pc) =	sbr.rel .LBB2_3-.Ltmp5, $4  }
0x83: {  	_ =	swait.ge [sflag:s29], $0x2000  }
0x84: {  	[sflag:s29] =	ssyncset.done $0x0  }
0x85: {  	s8 =	sadd.s32 $0x800, s8;
	s12 =	sadd.s32 $0x480, s7;
	[sflag:s29] =	ssyncadd.s32 $0xFFFFE000  }
0x86: {  	[tilespmem:s21], [sflag:$0x1] =	stream.indirect.gather [spmem:s1], $0x40, s12, s19, $0xb8;
	[tilespmem:$0x1E800] =	vst v63  }
.LBB2_7:
0x87: {  	_ =	sfence.sel $0x180000  }
0x88: {  	[bflag:$0x0] =	sbarrier.arrive $0xFFFF  }
0x89: {  	_ =	strace $0x9000004A  }
0x8a: {  	s0 =	stileid.u32;
	[bflag:$0x2] =	sbarrier.arrive $0xFFFF  }
0x8b: {  	p0 =	sne.s32 s0, $0x0;
	s0 =	rddreg [dreg:$0x3]  }
0x8c: {  	s0 =	sadd.s32 @!p0 $0x100000, s0  }
0x8d: {  	[sflag:s0] =	ssyncadd.tile.s32 @!p0 $0x1;
	_ =	shalt  }
.Lfunc_end2:
_tile_overlayer_lowered:
.L_overlay_start_2:
0x8e: {  	(tag) =	ssettag $0x2  }
0x8f: {  	s0 =	rddreg [dreg:$0x0];
	s2 =	stileid.u32  }
0x90: {  	s1 =	rddreg [dreg:$0x1];
	p0 =	sne.s32 s2, $0x0  }
0x91: {  	s3 =	rddreg [dreg:$0x2];
	[bflag:$0x3] =	sbarrier.arrive $0xFFFF;
	s2 =	simm.s32 @!p0 $0x1C03  }
0x92: {  	[timem:s3], [sflag:s2] =	dma.local @!p0 [hbm:s0], s1  }
0x93: {  	s0 =	simm.s32 @!p0 $0x3  }
0x94: {  	_ =	swait.ge @!p0 [sflag:s0], s1  }
0x95: {  	s1 =	ssub.s32 @!p0 $0x0, s1;
	[sflag:s0] =	ssyncset.done @!p0 $0x0  }
0x96: {  	[sflag:s0] =	ssyncadd.s32 @!p0 s1  }
0x97: {  	[bflag:$0x3] =	sbarrier.arrive $0xFFFF  }
0x98: {  	_ =	shalt  }

// kernel: kernel.18.cloned.1.call-start
scs
__scs_entry_jumppad:
0x0: {  	(pc) =	sbr.rel $0x88, $3  }
0x1: {  	(tag) =	ssettag $0x0;
	lr =	simm.s32 $0x1  }
0x2: {  	[smem:$0x3F96] =	sst lr;
	_ =	strace $0xD0000000  }
0x3: {  	_ = 	snop  }
0x4: {  	_ = 	snop  }
0x5: {  	_ = 	snop  }
0x6: {  	_ = 	snop  }
0x7: {  	_ = 	snop  }
__scs_overlays_trampoline_lowered:
0x8: {  	[smem:$0x3FA5] =	sst s0  }
0x9: {  	[smem:$0x3FA6] =	sst s1  }
0xa: {  	[smem:$0x3FA7] =	sst s2  }
0xb: {  	[smem:$0x3FA8] =	sst s3  }
0xc: {  	[smem:$0x3FA9] =	sst s4  }
0xd: {  	[smem:$0x3FAA] =	sst s5  }
0xe: {  	[smem:$0x3FAB] =	sst s6  }
0xf: {  	[smem:$0x3FAC] =	sst s7  }
0x10: {  	[smem:$0x3FAD] =	sst s8  }
0x11: {  	[smem:$0x3FAE] =	sst s9;
	s0 =	simm.s32 @!p0 $0x0  }
0x12: {  	s1 =	sld [smem:$0x3F94];
	s0 =	simm.s32 @p0 $0x1  }
0x13: {  	[smem:$0x3FAF] =	sst s0;
	s0 =	simm.s32 @!p1 $0x0  }
0x14: {  	s2 =	sld [smem:$0x3F93];
	s0 =	simm.s32 @p1 $0x1  }
0x15: {  	[smem:$0x3FB0] =	sst s0;
	s0 =	simm.s32 @!p2 $0x0  }
0x16: {  	s3 =	sld [smem:$0x3FDB];
	s0 =	simm.s32 @p2 $0x1  }
0x17: {  	s4 =	simm.s32 $0x1BF5;
	[smem:$0x3FB2] =	sst s0  }
0x18: {  	s0 =	sld [smem:$0x3F95];
	_ =	swait.ge [sflag:s4], $0x0  }
0x19: {  	s7 =	sld [smem:$0x3F96]  }
0x1a: {  	s8 =	sadd.s32 $0xFFFFE003, lr  }
0x1b: {  	s9 =	sadd.s32 $0xFFFFFEF7, lr;
	s5 =	simm.s32 $0xFFFFFFFF;
	p2 =	slt.u32 s8, $0xFFFFF086  }
0x1c: {  	p1 =	slt.u32 s9, $0xF7A;
	s5 =	simm.s32 @!p2 $0x0  }
0x1d: {  	s5 =	simm.s32 @p1 $0x1;
	p0 =	seq.s32 s7, s2  }
0x1e: {  	s7 =	smul.u32 @!p0 $0xF7A, s2;
	p2 =	seq.s32 @!p0 s5, $0x0  }
0x1f: {  	s9 =	smul.u32 $0xF7A, s1;
	s8 =	simm.s32 @!p0 $0x1BF5;
	p2 =	por !p2, p0  }
0x20: {  	[sflag:s8] =	ssyncset.s32 @!p0 $0xFFFFF086;
	s6 =	sadd.s32 @!p0 s3, s7;
	s7 =	simm.s32 @!p0 $0x108  }
0x21: {  	s3 =	sadd.s32 s3, s9;
	s6 =	sadd.s32 @!p0 $0x88, s6;
	s7 =	simm.s32 @p2 $0x1082  }
0x22: {  	[simem:s7], [sflag:s8] =	dma.local @!p0 [hbm:s6], $0xF7A  }
0x23: {  	s9 =	sor.u32 $0xD0000000, s2;
	s6 =	simm.s32 $0x108;
	_ =	swait.ge @!p0 [sflag:s8], $0x0  }
0x24: {  	s3 =	sadd.s32 $0x88, s3;
	s6 =	simm.s32 @!p1 $0x1082;
	[sflag:s4] =	ssyncset.s32 $0xFFFFF086  }
0x25: {  	[simem:s6], [sflag:s4] =	dma.local [hbm:s3], $0xF7A  }
0x26: {  	[smem:$0x3F96] =	sst s1;
	(tag) =	ssettag s2;
	_ =	strace s9  }
0x27: {  	s1 =	sld [smem:$0x3FA6]  }
0x28: {  	s2 =	sld [smem:$0x3FA7]  }
0x29: {  	s4 =	sld [smem:$0x3FA9]  }
0x2a: {  	p0 =	seq.s32 s5, $0x0;
	s5 =	sld [smem:$0x3FAA]  }
0x2b: {  	s6 =	sld [smem:$0x3FAB]  }
0x2c: {  	s7 =	sld [smem:$0x3FAC]  }
0x2d: {  	s3 =	simm.s32 $0x108;
	s8 =	sld [smem:$0x3FAD]  }
0x2e: {  	s3 =	simm.s32 @!p0 $0x1082;
	s9 =	sld [smem:$0x3FAE]  }
0x2f: {  	lr =	sadd.s32 s0, s3;
	s0 =	sld [smem:$0x3FA5]  }
0x30: {  	s3 =	sld [smem:$0x3FA8]  }
0x31: {  	[smem:$0x3FB1] =	sst s10  }
0x32: {  	s10 =	sld [smem:$0x3FAF];
	_ =	sdelay $0x3  }
0x33: {  	p0 =	seq.s32 s10, $0x1;
	s10 =	sld [smem:$0x3FB1];
	_ =	sdelay $0x3  }
0x34: {  	[smem:$0x3FB1] =	sst s10  }
0x35: {  	s10 =	sld [smem:$0x3FB0];
	_ =	sdelay $0x3  }
0x36: {  	p1 =	seq.s32 s10, $0x1;
	s10 =	sld [smem:$0x3FB1];
	_ =	sdelay $0x3  }
0x37: {  	[smem:$0x3FB1] =	sst s10  }
0x38: {  	s10 =	sld [smem:$0x3FB2]  }
0x39: {  	_ = 	snop;
	(pc) =	sbr.ind lr, $3  }
0x3a: {  	_ = 	snop  }
0x3b: {  	_ = 	snop  }
0x3c: {  	p2 =	seq.s32 s10, $0x1;
	s10 =	sld [smem:$0x3FB1]  }
0x3d: {  	_ =	shalt  }
0x3e: {  	_ =	shalt  }
0x3f: {  	_ =	shalt  }
0x40: {  	_ =	shalt  }
0x41: {  	_ =	shalt  }
0x42: {  	_ =	shalt  }
0x43: {  	_ =	shalt  }
0x44: {  	_ =	shalt  }
0x45: {  	_ =	shalt  }
0x46: {  	_ =	shalt  }
0x47: {  	_ =	shalt  }
0x48: {  	_ =	shalt  }
0x49: {  	_ =	shalt  }
0x4a: {  	_ =	shalt  }
0x4b: {  	_ =	shalt  }
0x4c: {  	_ =	shalt  }
0x4d: {  	_ =	shalt  }
0x4e: {  	_ =	shalt  }
0x4f: {  	_ =	shalt  }
0x50: {  	_ =	shalt  }
0x51: {  	_ =	shalt  }
0x52: {  	_ =	shalt  }
0x53: {  	_ =	shalt  }
0x54: {  	_ =	shalt  }
0x55: {  	_ =	shalt  }
0x56: {  	_ =	shalt  }
0x57: {  	_ =	shalt  }
0x58: {  	_ =	shalt  }
0x59: {  	_ =	shalt  }
0x5a: {  	_ =	shalt  }
0x5b: {  	_ =	shalt  }
0x5c: {  	_ =	shalt  }
0x5d: {  	_ =	shalt  }
0x5e: {  	_ =	shalt  }
0x5f: {  	_ =	shalt  }
0x60: {  	_ =	shalt  }
0x61: {  	_ =	shalt  }
0x62: {  	_ =	shalt  }
0x63: {  	_ =	shalt  }
0x64: {  	_ =	shalt  }
0x65: {  	_ =	shalt  }
0x66: {  	_ =	shalt  }
0x67: {  	_ =	shalt  }
0x68: {  	_ =	shalt  }
0x69: {  	_ =	shalt  }
0x6a: {  	_ =	shalt  }
0x6b: {  	_ =	shalt  }
0x6c: {  	_ =	shalt  }
0x6d: {  	_ =	shalt  }
0x6e: {  	_ =	shalt  }
0x6f: {  	_ =	shalt  }
0x70: {  	_ =	shalt  }
0x71: {  	_ =	shalt  }
0x72: {  	_ =	shalt  }
0x73: {  	_ =	shalt  }
0x74: {  	_ =	shalt  }
0x75: {  	_ =	shalt  }
0x76: {  	_ =	shalt  }
0x77: {  	_ =	shalt  }
0x78: {  	_ =	shalt  }
0x79: {  	_ =	shalt  }
0x7a: {  	_ =	shalt  }
0x7b: {  	_ =	shalt  }
0x7c: {  	_ =	shalt  }
0x7d: {  	_ =	shalt  }
0x7e: {  	_ =	shalt  }
0x7f: {  	_ =	shalt  }
0x80: {  	_ =	shalt  }
0x81: {  	_ =	shalt  }
0x82: {  	_ =	shalt  }
0x83: {  	_ =	shalt  }
0x84: {  	_ =	shalt  }
0x85: {  	_ =	shalt  }
0x86: {  	_ =	shalt  }
0x87: {  	_ =	shalt  }
.Lfunc_end0:
.L_simem_size_0:
called_computation.2_lowered:
.L_overlay_start_0:
0x88: {  	s2 =	sld [smem:$0x3FD9]  }
0x89: {  	s3 =	sld [smem:$0x3FFE];
	_ =	sdelay $0x1  }
0x8a: {  	s1 =	srdreg.scid  }
0x8b: {  	s0 =	sand.u32 $0x1, s1  }
0x8c: {  	s16 =	sshll.u32 s0, $0xA;
	s2 =	sadd.s32 s3, s2  }
0x8d: {  	s2 =	sadd.s32 s2, s16  }
0x8e: {  	[smem:$0x3FBD] =	sst s2  }
0x8f: {  	_ = 	snop  }
0x90: {  	(tm) =	ssettm $0x1  }
0x91: {  	s17 =	sld [smem:$0x3FFB];
	_ =	sdelay $0x3  }
0x92: {  	_ =	strace s17  }
0x93: {  	s2 =	sld [smem:$0x3FFC];
	_ =	sdelay $0x3  }
0x94: {  	_ =	strace s2  }
0x95: {  	s2 =	sld [smem:$0x3FFD];
	_ =	sdelay $0x3  }
0x96: {  	_ =	strace s2  }
0x97: {  	_ =	strace $0x8FFFFFFF  }
0x98: {  	s18 =	sld [smem:$0x3FDB];
	_ =	sdelay $0x1  }
0x99: {  	s19 =	simm.s32 $_scs_section_size  }
0x9a: {  	s4 =	simm.s32 $_size__tile_overlayer_lowered;
	s5 =	simm.s32 $_tile_overlayer_lowered  }
0x9b: {  	s22 =	simm.s32 $0x1BFF;
	s21 =	sshll.u32 s5, $0x1;
	s2 =	sadd.s32 s19, s18  }
0x9c: {  	s6 =	simm.s32 $0x0;
	s20 =	sshll.u32 s4, $0x1;
	s4 =	sadd.s32 s21, s2  }
0x9d: {  	[timem:s6], [sflag:s22] =	dma.local [hbm:s4], s20  }
0x9e: {  	_ =	swait.ge [sflag:s22], s20  }
0x9f: {  	s3 =	ssub.s32 $0x0, s20;
	[sflag:s22] =	ssyncset.done $0x0  }
0xa0: {  	[sflag:s22] =	ssyncadd.s32 s3;
	_ =	sdelay $0x1  }
0xa1: {  	s23 =	simm.s32 $0x1B8B  }
0xa2: {  	_ =	swait.ge [sflag:s23], $0x1  }
0xa3: {  	[sflag:s23] =	ssyncset.done $0x0  }
0xa4: {  	s25 =	simm.s32 $0x1B8E;
	s24 =	sld [smem:$0x3FFE];
	[sflag:s23] =	ssyncadd.s32 $0xFFFFFFFF  }
0xa5: {  	s26 =	simm.s32 $execute0_lowered;
	[smem:$0x3FD2] =	sst s25  }
0xa6: {  	s4 =	sshll.u32 s26, $0x1;
	_ =	strace $0x8000004C;
	[dreg:$0x1] =	wrdreg $0xFFFFFFFF  }
0xa7: {  	s28 =	simm.s32 $_size_execute0_lowered;
	s2 =	sadd.s32 s2, s4;
	[dreg:$0x0] =	wrdreg $0x0  }
0xa8: {  	s4 =	sshll.u32 s28, $0x1;
	[dreg:$0x2] =	wrdreg s2  }
0xa9: {  	[dreg:$0x3] =	wrdreg s4  }
0xaa: {  	[dreg:$0x4] =	wrdreg $0xC0  }
0xab: {  	_ =	task [dreg:s6], $0x5FFFF  }
0xac: {  	[dreg:$0x1] =	wrdreg $0xFFFFFFFF  }
0xad: {  	[dreg:$0x0] =	wrdreg $0x60  }
0xae: {  	[dreg:$0x2] =	wrdreg s24  }
0xaf: {  	[dreg:$0x3] =	wrdreg $0xA8000  }
0xb0: {  	[dreg:$0x4] =	wrdreg $0x148000  }
0xb1: {  	[dreg:$0x5] =	wrdreg $0x9  }
0xb2: {  	_ =	task.clear_ibuf [dreg:s6], $0x6FFFF;
	_ =	strace $0x9000004C  }
0xb3: {  	s29 =	simm.s32 $0x9;
	_ =	strace $0x8000004E  }
0xb4: {  	_ =	swait.ge [sflag:s29], $0x1  }
0xb5: {  	[sflag:s29] =	ssyncadd.s32 $0xFFFFFFFF  }
0xb6: {  	_ =	strace $0x9000004E  }
0xb7: {  	_ =	sfence  }
0xb8: {  	s30 =	sld [smem:$0x0];
	_ =	sdelay $0x2  }
0xb9: {  	s31 =	sshll.u32 s1, $0xD;
	s1 =	sshrl.u32 s1, $0x2  }
0xba: {  	s3 =	sand.u32 $0x4000, s31;
	s1 =	sadd.s32 s1, s30  }
0xbb: {  	s0 =	sor.u32 s3, s0;
	s1 =	sshll.u32 s1, $0x11  }
0xbc: {  	s0 =	sor.u32 s1, s0  }
0xbd: {  	s0 =	sadd.s32 $0x8F2B, s0  }
0xbe: {  	[sflag:s0] =	ssyncadd.remote.s32 $0x1  }
0xbf: {  	_ =	sfence.sel $0xFFFF  }
0xc0: {  	[dreg:$0x0] =	wrdreg $0xFFFFFFFF;
	(pc) =	sbr.abs _section_cstart, $3  }
0xc1: {  	[dreg:$0x1] =	wrdreg $0xFFFFFFFF  }
0xc2: {  	_ =	task.clear_ibuf [dreg:s6], $0x2FFFF;
	_ =	strace $0x9FFFFFFF  }
0xc3: {  	(tm) =	ssettm $0x7FFFFFFF  }
tec
execute0_lowered:
.L_overlay_start_1:
0x0: {  	(tag) =	ssettag $0x1  }
0x1: {  	s0 =	rddreg [dreg:$0x0]  }
0x2: {  	s1 =	rddreg [dreg:$0x1]  }
0x3: {  	s3 =	rddreg [dreg:$0x2]  }
0x4: {  	s4 =	simm.s32 $0x0;
	s2 =	srdreg.scid;
	s10 =	stileid.u32  }
0x5: {  	s14 =	simm.s32 $0x1;
	s15 =	simm.s32 $0x8;
	s16 =	simm.s32 $0x10  }
0x6: {  	s18 =	simm.s32 $0x1400;
	s19 =	simm.s32 $0x80;
	s20 =	simm.s32 $0x2800  }
0x7: {  	s28 =	simm.s32 $0x1500;
	s29 =	simm.s32 $0x2;
	s30 =	simm.s32 $0x200  }
0x8: {  	s31 =	simm.s32 $0x1580;
	[smem:$0x7FF] =	sst s4;
	s6 =	smul.u32 $0x14000, s10  }
0x9: {  	s2 =	sand.u32 $0x1, s2;
	s5 =	sadd.s32 $0x4200, s0;
	s22 =	smul.u32 $0xA000, s10  }
0xa: {  	s8 =	sadd.s32 $0x40800, s0;
	s23 =	sshll.u32 s10, $0x6;
	s10 =	smul.u32 $0x5000, s10  }
0xb: {  	_ =	strace $0x8000004D;
	s7 =	sshll.u32 s2, $0x6;
	[dreg:$0x4] =	wrdreg s8  }
0xc: {  	s2 =	ssub.s32 $0x2, s2;
	[dreg:$0x5] =	wrdreg s23;
	s6 =	sor.u32 s7, s6  }
0xd: {  	s21 =	sshrl.u32 s2, $0x1;
	s24 =	sadd.s32 s22, s1;
	s25 =	sadd.s32 s22, s3  }
0xe: {  	s22 =	simm.s32 $0x100;
	s6 =	sshrl.u32 s6, $0x3;
	s2 =	ssub.s32 s2, s21  }
0xf: {  	s13 =	sshrl.u32 s24, $0x3;
	s17 =	sshrl.u32 s25, $0x3;
	s21 =	simm.s32 $0x4800  }
.Ltmp0:
0x10: {  	s24 =	simm.s32 $0x1480;
	s25 =	simm.s32 $0x180;
	(pc) =	sbr.rel .LBB2_1-.Ltmp0, $4  }
0x11: {  	s0 =	sadd.s32 s6, s0;
	s26 =	smax.u32 s2, $0x1;
	s2 =	simm.s32 $0x3  }
0x12: {  	s9 =	sadd.s32 $0x18800, s0;
	s0 =	sadd.s32 $0x41C00, s0;
	[dreg:$0x8] =	wrdreg s26  }
0x13: {  	s26 =	simm.s32 $0x8800;
	[dreg:$0x6] =	wrdreg s9;
	s9 =	sor.u32 $0x1C01, s23  }
0x14: {  	[dreg:$0x7] =	wrdreg s0;
	s23 =	simm.s32 $0x6800;
	s0 =	simm.s32 $0x280  }
.LBB2_6:
0x15: {  	[bflag:$0x0] =	sbarrier.arrive $0xFFFF  }
0x16: {  	s6 =	rddreg [dreg:$0x5]  }
0x17: {  	s7 =	rddreg [dreg:$0x7];
	s6 =	sor.u32 $0x1C03, s6  }
0x18: {  	[hbm:s7@s16], [sflag:s6] =	dma.strided [spmem:s17@s15], $0x1400, s14, $0x8   }
0x19: {  	_ =	swait.ge [sflag:s2], $0x1400  }
0x1a: {  	s4 =	sadd.s32 $0x1, s4;
	s12 =	rddreg [dreg:$0x8]  }
0x1b: {  	p0 =	sne.s32 s4, s12  }
.Ltmp1:
0x1c: {  	_ = 	snop;
	(pc) =	sbr.rel @!p0 .LBB2_7-.Ltmp1, $3  }
0x1d: {  	_ =	sdelay $0x1  }
0x1e: {  	[sflag:s2] =	ssyncset.done $0x0  }
0x1f: {  	[sflag:s2] =	ssyncadd.s32 $0xFFFFEC00  }
.LBB2_1:
0x20: {  	s6 =	rddreg [dreg:$0x6]  }
0x21: {  	[spmem:s13@s15], [sflag:s9] =	dma.strided [hbm:s6@s16], $0x1400, s14, $0x8   }
0x22: {  	s6 =	rddreg [dreg:$0x4]  }
0x23: {  	[spmem:s17], [sflag:s9] =	dma.local [hbm:s6], $0x1400  }
0x24: {  	_ =	swait.ge [sflag:s14], $0x1400  }
0x25: {  	[sflag:s14] =	ssyncset.done $0x0  }
0x26: {  	[sflag:s14] =	ssyncadd.s32 $0xFFFFEC00  }
.Ltmp2:
0x27: {  	_ =	swait.ge [sflag:s14], $0x1400;
	(pc) =	sbr.rel .LBB2_2-.Ltmp2, $4  }
0x28: {  	[sflag:s14] =	ssyncset.done $0x0  }
0x29: {  	[sflag:s14] =	ssyncadd.s32 $0xFFFFEC00  }
0x2a: {  	[bflag:$0x0] =	sbarrier.arrive $0xFFFF  }
0x2b: {  	s6 =	simm.s32 $0x0  }
.LBB2_5:
0x2c: {  	_ =	swait.ge [sflag:s14], $0x2000  }
0x2d: {  	[sflag:s14] =	ssyncset.done $0x0  }
0x2e: {  	[sflag:s14] =	ssyncadd.s32 $0xFFFFE000  }
0x2f: {  	[spmem:s3] =	stream.indirect.scatter.add.f32 [tilespmem:s26], [sflag:$0x2], $0x40, s11, s19, $0xb8;
	[tilespmem:$0x1E800] =	vst v63  }
0x30: {  	_ =	swait.ge [sflag:s29], $0x2000  }
0x31: {  	[sflag:s29] =	ssyncset.done $0x0  }
0x32: {  	s6 =	sadd.s32 $0x1, s6;
	[sflag:s29] =	ssyncadd.s32 $0xFFFFE000  }
0x33: {  	p0 =	sne.s32 s6, $0x4;
	_ =	swait.ge [sflag:s29], $0x2000  }
.Ltmp3:
0x34: {  	[sflag:s29] =	ssyncset.done $0x0;
	(pc) =	sbr.rel @!p0 .LBB2_6-.Ltmp3, $4  }
0x35: {  	[sflag:s29] =	ssyncadd.s32 $0xFFFFE000  }
0x36: {  	_ =	swait.ge [sflag:s29], $0x2000  }
0x37: {  	[sflag:s29] =	ssyncset.done $0x0  }
0x38: {  	[sflag:s29] =	ssyncadd.s32 $0xFFFFE000  }
.LBB2_2:
0x39: {  	s7 =	smul.u32 $0x1400, s6;
	_ =	sdelay $0x1  }
0x3a: {  	s7 =	sadd.s32 s10, s7  }
0x3b: {  	s7 =	sshrl.u32 s7, $0x3  }
0x3c: {  	s8 =	simm.s32 $0x0;
	s7 =	sadd.s32 s5, s7  }
0x3d: {  	[tilespmem:s8], [sflag:$0x1] =	stream.linear.gather [hbm4b:s7+s8], $0x1400, $0x38;
	[tilespmem:$0x1E800] =	vst v63  }
0x3e: {  	s7 =	sadd.s32 $0xA000, s7  }
0x3f: {  	[tilespmem:s18], [sflag:$0x1] =	stream.linear.gather [hbm4b:s7+s8], $0x1400, $0x38;
	[tilespmem:$0x1E800] =	vst v63  }
0x40: {  	_ =	swait.ge [sflag:s14], $0x1400  }
0x41: {  	[sflag:s14] =	ssyncset.done $0x0  }
0x42: {  	[sflag:s14] =	ssyncadd.s32 $0xFFFFEC00  }
0x43: {  	_ =	swait.ge [sflag:s14], $0x1400  }
0x44: {  	[sflag:s14] =	ssyncset.done $0x0  }
0x45: {  	[sflag:s14] =	ssyncadd.s32 $0xFFFFEC00  }
0x46: {  	[tilespmem:s20], [sflag:$0x1] =	stream.indirect.gather [spmem:s1], $0x40, s8, s19, $0xb8;
	[tilespmem:$0x1E800] =	vst v63  }
0x47: {  	_ = 	snop  }
0x48: {  	[tilespmem:s21], [sflag:$0x1] =	stream.indirect.gather [spmem:s1], $0x40, s19, s19, $0xb8;
	[tilespmem:$0x1E800] =	vst v63  }
0x49: {  	_ =	swait.ge [sflag:s14], $0x2000  }
0x4a: {  	[sflag:s14] =	ssyncset.done $0x0  }
0x4b: {  	[sflag:s14] =	ssyncadd.s32 $0xFFFFE000  }
0x4c: {  	[spmem:s3] =	stream.indirect.scatter.add.f32 [tilespmem:s20], [sflag:$0x2], $0x40, s18, s19, $0xb8;
	[tilespmem:$0x1E800] =	vst v63  }
0x4d: {  	_ = 	snop  }
0x4e: {  	[tilespmem:s23], [sflag:$0x1] =	stream.indirect.gather [spmem:s1], $0x40, s22, s19, $0xb8;
	[tilespmem:$0x1E800] =	vst v63  }
0x4f: {  	_ =	swait.ge [sflag:s14], $0x2000  }
0x50: {  	[sflag:s14] =	ssyncset.done $0x0  }
0x51: {  	[sflag:s14] =	ssyncadd.s32 $0xFFFFE000  }
0x52: {  	[spmem:s3] =	stream.indirect.scatter.add.f32 [tilespmem:s21], [sflag:$0x2], $0x40, s24, s19, $0xb8;
	[tilespmem:$0x1E800] =	vst v63  }
0x53: {  	_ = 	snop  }
0x54: {  	[tilespmem:s26], [sflag:$0x1] =	stream.indirect.gather [spmem:s1], $0x40, s25, s19, $0xb8;
	[tilespmem:$0x1E800] =	vst v63  }
0x55: {  	_ =	swait.ge [sflag:s14], $0x2000  }
0x56: {  	[sflag:s14] =	ssyncset.done $0x0  }
0x57: {  	[sflag:s14] =	ssyncadd.s32 $0xFFFFE000  }
0x58: {  	[spmem:s3] =	stream.indirect.scatter.add.f32 [tilespmem:s23], [sflag:$0x2], $0x40, s28, s19, $0xb8;
	[tilespmem:$0x1E800] =	vst v63  }
0x59: {  	_ =	swait.ge [sflag:s29], $0x2000  }
0x5a: {  	[sflag:s29] =	ssyncset.done $0x0  }
0x5b: {  	[sflag:s29] =	ssyncadd.s32 $0xFFFFE000  }
0x5c: {  	[tilespmem:s20], [sflag:$0x1] =	stream.indirect.gather [spmem:s1], $0x40, s30, s19, $0xb8;
	[tilespmem:$0x1E800] =	vst v63  }
0x5d: {  	_ =	swait.ge [sflag:s14], $0x2000  }
0x5e: {  	[sflag:s14] =	ssyncset.done $0x0  }
0x5f: {  	[sflag:s14] =	ssyncadd.s32 $0xFFFFE000  }
0x60: {  	[spmem:s3] =	stream.indirect.scatter.add.f32 [tilespmem:s26], [sflag:$0x2], $0x40, s31, s19, $0xb8;
	[tilespmem:$0x1E800] =	vst v63  }
0x61: {  	_ =	swait.ge [sflag:s29], $0x2000  }
0x62: {  	[sflag:s29] =	ssyncset.done $0x0  }
0x63: {  	[sflag:s29] =	ssyncadd.s32 $0xFFFFE000  }
0x64: {  	[tilespmem:s21], [sflag:$0x1] =	stream.indirect.gather [spmem:s1], $0x40, s0, s19, $0xb8;
	[tilespmem:$0x1E800] =	vst v63  }
.LBB2_3:
0x65: {  	_ =	swait.ge [sflag:s14], $0x2000  }
0x66: {  	s7 =	sshra.s32 s8, $0x2;
	[sflag:s14] =	ssyncset.done $0x0  }
0x67: {  	s11 =	sadd.s32 $0x1600, s7;
	[sflag:s14] =	ssyncadd.s32 $0xFFFFE000  }
0x68: {  	[spmem:s3] =	stream.indirect.scatter.add.f32 [tilespmem:s20], [sflag:$0x2], $0x40, s11, s19, $0xb8;
	[tilespmem:$0x1E800] =	vst v63  }
0x69: {  	_ =	swait.ge [sflag:s29], $0x2000  }
0x6a: {  	[sflag:s29] =	ssyncset.done $0x0  }
0x6b: {  	s12 =	sadd.s32 $0x300, s7;
	[sflag:s29] =	ssyncadd.s32 $0xFFFFE000  }
0x6c: {  	[tilespmem:s23], [sflag:$0x1] =	stream.indirect.gather [spmem:s1], $0x40, s12, s19, $0xb8;
	[tilespmem:$0x1E800] =	vst v63  }
0x6d: {  	_ =	swait.ge [sflag:s14], $0x2000  }
0x6e: {  	[sflag:s14] =	ssyncset.done $0x0  }
0x6f: {  	s12 =	sadd.s32 $0x1680, s7;
	[sflag:s14] =	ssyncadd.s32 $0xFFFFE000  }
0x70: {  	[spmem:s3] =	stream.indirect.scatter.add.f32 [tilespmem:s21], [sflag:$0x2], $0x40, s12, s19, $0xb8;
	[tilespmem:$0x1E800] =	vst v63  }
0x71: {  	_ =	swait.ge [sflag:s29], $0x2000  }
0x72: {  	[sflag:s29] =	ssyncset.done $0x0  }
0x73: {  	s12 =	sadd.s32 $0x380, s7;
	[sflag:s29] =	ssyncadd.s32 $0xFFFFE000  }
0x74: {  	[tilespmem:s26], [sflag:$0x1] =	stream.indirect.gather [spmem:s1], $0x40, s12, s19, $0xb8;
	[tilespmem:$0x1E800] =	vst v63  }
0x75: {  	_ =	swait.ge [sflag:s14], $0x2000  }
0x76: {  	p0 =	seq.s32 s8, $0x4000;
	[sflag:s14] =	ssyncset.done $0x0  }
.Ltmp4:
0x77: {  	s12 =	sadd.s32 $0x1700, s7;
	[sflag:s14] =	ssyncadd.s32 $0xFFFFE000;
	(pc) =	sbr.rel @p0 .LBB2_5-.Ltmp4, $4  }
0x78: {  	[spmem:s3] =	stream.indirect.scatter.add.f32 [tilespmem:s23], [sflag:$0x2], $0x40, s12, s19, $0xb8;
	[tilespmem:$0x1E800] =	vst v63  }
0x79: {  	_ =	swait.ge [sflag:s29], $0x2000  }
0x7a: {  	[sflag:s29] =	ssyncset.done $0x0  }
0x7b: {  	s11 =	sadd.s32 $0x1780, s7;
	[sflag:s29] =	ssyncadd.s32 $0xFFFFE000  }
0x7c: {  	s12 =	sadd.s32 $0x400, s7  }
0x7d: {  	[tilespmem:s20], [sflag:$0x1] =	stream.indirect.gather [spmem:s1], $0x40, s12, s19, $0xb8;
	[tilespmem:$0x1E800] =	vst v63  }
0x7e: {  	_ =	swait.ge [sflag:s14], $0x2000  }
0x7f: {  	[sflag:s14] =	ssyncset.done $0x0  }
0x80: {  	[sflag:s14] =	ssyncadd.s32 $0xFFFFE000  }
0x81: {  	[spmem:s3] =	stream.indirect.scatter.add.f32 [tilespmem:s26], [sflag:$0x2], $0x40, s11, s19, $0xb8;
	[tilespmem:$0x1E800] =	vst v63  }
.Ltmp5:
0x82: {  	_ = 	snop;
	(pc) =	sbr.rel .LBB2_3-.Ltmp5, $4  }
0x83: {  	_ =	swait.ge [sflag:s29], $0x2000  }
0x84: {  	[sflag:s29] =	ssyncset.done $0x0  }
0x85: {  	s8 =	sadd.s32 $0x800, s8;
	s12 =	sadd.s32 $0x480, s7;
	[sflag:s29] =	ssyncadd.s32 $0xFFFFE000  }
0x86: {  	[tilespmem:s21], [sflag:$0x1] =	stream.indirect.gather [spmem:s1], $0x40, s12, s19, $0xb8;
	[tilespmem:$0x1E800] =	vst v63  }
.LBB2_7:
0x87: {  	_ =	sfence.sel $0x180000  }
0x88: {  	[bflag:$0x0] =	sbarrier.arrive $0xFFFF  }
0x89: {  	_ =	strace $0x9000004D  }
0x8a: {  	s0 =	stileid.u32;
	[bflag:$0x2] =	sbarrier.arrive $0xFFFF  }
0x8b: {  	p0 =	sne.s32 s0, $0x0;
	s0 =	rddreg [dreg:$0x3]  }
0x8c: {  	s0 =	sadd.s32 @!p0 $0x100000, s0  }
0x8d: {  	[sflag:s0] =	ssyncadd.tile.s32 @!p0 $0x1;
	_ =	shalt  }
.Lfunc_end2:
_tile_overlayer_lowered:
.L_overlay_start_2:
0x8e: {  	(tag) =	ssettag $0x2  }
0x8f: {  	s0 =	rddreg [dreg:$0x0];
	s2 =	stileid.u32  }
0x90: {  	s1 =	rddreg [dreg:$0x1];
	p0 =	sne.s32 s2, $0x0  }
0x91: {  	s3 =	rddreg [dreg:$0x2];
	[bflag:$0x3] =	sbarrier.arrive $0xFFFF;
	s2 =	simm.s32 @!p0 $0x1C03  }
0x92: {  	[timem:s3], [sflag:s2] =	dma.local @!p0 [hbm:s0], s1  }
0x93: {  	s0 =	simm.s32 @!p0 $0x3  }
0x94: {  	_ =	swait.ge @!p0 [sflag:s0], s1  }
0x95: {  	s1 =	ssub.s32 @!p0 $0x0, s1;
	[sflag:s0] =	ssyncset.done @!p0 $0x0  }
0x96: {  	[sflag:s0] =	ssyncadd.s32 @!p0 s1  }
0x97: {  	[bflag:$0x3] =	sbarrier.arrive $0xFFFF  }
0x98: {  	_ =	shalt  }

// kernel: kernel.21.cloned.1.call-start
scs
__scs_entry_jumppad:
0x0: {  	(pc) =	sbr.rel $0x88, $3  }
0x1: {  	(tag) =	ssettag $0x0;
	lr =	simm.s32 $0x1  }
0x2: {  	[smem:$0x3F96] =	sst lr;
	_ =	strace $0xD0000000  }
0x3: {  	_ = 	snop  }
0x4: {  	_ = 	snop  }
0x5: {  	_ = 	snop  }
0x6: {  	_ = 	snop  }
0x7: {  	_ = 	snop  }
__scs_overlays_trampoline_lowered:
0x8: {  	[smem:$0x3FA5] =	sst s0  }
0x9: {  	[smem:$0x3FA6] =	sst s1  }
0xa: {  	[smem:$0x3FA7] =	sst s2  }
0xb: {  	[smem:$0x3FA8] =	sst s3  }
0xc: {  	[smem:$0x3FA9] =	sst s4  }
0xd: {  	[smem:$0x3FAA] =	sst s5  }
0xe: {  	[smem:$0x3FAB] =	sst s6  }
0xf: {  	[smem:$0x3FAC] =	sst s7  }
0x10: {  	[smem:$0x3FAD] =	sst s8  }
0x11: {  	[smem:$0x3FAE] =	sst s9;
	s0 =	simm.s32 @!p0 $0x0  }
0x12: {  	s1 =	sld [smem:$0x3F94];
	s0 =	simm.s32 @p0 $0x1  }
0x13: {  	[smem:$0x3FAF] =	sst s0;
	s0 =	simm.s32 @!p1 $0x0  }
0x14: {  	s2 =	sld [smem:$0x3F93];
	s0 =	simm.s32 @p1 $0x1  }
0x15: {  	[smem:$0x3FB0] =	sst s0;
	s0 =	simm.s32 @!p2 $0x0  }
0x16: {  	s3 =	sld [smem:$0x3FDB];
	s0 =	simm.s32 @p2 $0x1  }
0x17: {  	s4 =	simm.s32 $0x1BF5;
	[smem:$0x3FB2] =	sst s0  }
0x18: {  	s0 =	sld [smem:$0x3F95];
	_ =	swait.ge [sflag:s4], $0x0  }
0x19: {  	s7 =	sld [smem:$0x3F96]  }
0x1a: {  	s8 =	sadd.s32 $0xFFFFE003, lr  }
0x1b: {  	s9 =	sadd.s32 $0xFFFFFEF7, lr;
	s5 =	simm.s32 $0xFFFFFFFF;
	p2 =	slt.u32 s8, $0xFFFFF086  }
0x1c: {  	p1 =	slt.u32 s9, $0xF7A;
	s5 =	simm.s32 @!p2 $0x0  }
0x1d: {  	s5 =	simm.s32 @p1 $0x1;
	p0 =	seq.s32 s7, s2  }
0x1e: {  	s7 =	smul.u32 @!p0 $0xF7A, s2;
	p2 =	seq.s32 @!p0 s5, $0x0  }
0x1f: {  	s9 =	smul.u32 $0xF7A, s1;
	s8 =	simm.s32 @!p0 $0x1BF5;
	p2 =	por !p2, p0  }
0x20: {  	[sflag:s8] =	ssyncset.s32 @!p0 $0xFFFFF086;
	s6 =	sadd.s32 @!p0 s3, s7;
	s7 =	simm.s32 @!p0 $0x108  }
0x21: {  	s3 =	sadd.s32 s3, s9;
	s6 =	sadd.s32 @!p0 $0x88, s6;
	s7 =	simm.s32 @p2 $0x1082  }
0x22: {  	[simem:s7], [sflag:s8] =	dma.local @!p0 [hbm:s6], $0xF7A  }
0x23: {  	s9 =	sor.u32 $0xD0000000, s2;
	s6 =	simm.s32 $0x108;
	_ =	swait.ge @!p0 [sflag:s8], $0x0  }
0x24: {  	s3 =	sadd.s32 $0x88, s3;
	s6 =	simm.s32 @!p1 $0x1082;
	[sflag:s4] =	ssyncset.s32 $0xFFFFF086  }
0x25: {  	[simem:s6], [sflag:s4] =	dma.local [hbm:s3], $0xF7A  }
0x26: {  	[smem:$0x3F96] =	sst s1;
	(tag) =	ssettag s2;
	_ =	strace s9  }
0x27: {  	s1 =	sld [smem:$0x3FA6]  }
0x28: {  	s2 =	sld [smem:$0x3FA7]  }
0x29: {  	s4 =	sld [smem:$0x3FA9]  }
0x2a: {  	p0 =	seq.s32 s5, $0x0;
	s5 =	sld [smem:$0x3FAA]  }
0x2b: {  	s6 =	sld [smem:$0x3FAB]  }
0x2c: {  	s7 =	sld [smem:$0x3FAC]  }
0x2d: {  	s3 =	simm.s32 $0x108;
	s8 =	sld [smem:$0x3FAD]  }
0x2e: {  	s3 =	simm.s32 @!p0 $0x1082;
	s9 =	sld [smem:$0x3FAE]  }
0x2f: {  	lr =	sadd.s32 s0, s3;
	s0 =	sld [smem:$0x3FA5]  }
0x30: {  	s3 =	sld [smem:$0x3FA8]  }
0x31: {  	[smem:$0x3FB1] =	sst s10  }
0x32: {  	s10 =	sld [smem:$0x3FAF];
	_ =	sdelay $0x3  }
0x33: {  	p0 =	seq.s32 s10, $0x1;
	s10 =	sld [smem:$0x3FB1];
	_ =	sdelay $0x3  }
0x34: {  	[smem:$0x3FB1] =	sst s10  }
0x35: {  	s10 =	sld [smem:$0x3FB0];
	_ =	sdelay $0x3  }
0x36: {  	p1 =	seq.s32 s10, $0x1;
	s10 =	sld [smem:$0x3FB1];
	_ =	sdelay $0x3  }
0x37: {  	[smem:$0x3FB1] =	sst s10  }
0x38: {  	s10 =	sld [smem:$0x3FB2]  }
0x39: {  	_ = 	snop;
	(pc) =	sbr.ind lr, $3  }
0x3a: {  	_ = 	snop  }
0x3b: {  	_ = 	snop  }
0x3c: {  	p2 =	seq.s32 s10, $0x1;
	s10 =	sld [smem:$0x3FB1]  }
0x3d: {  	_ =	shalt  }
0x3e: {  	_ =	shalt  }
0x3f: {  	_ =	shalt  }
0x40: {  	_ =	shalt  }
0x41: {  	_ =	shalt  }
0x42: {  	_ =	shalt  }
0x43: {  	_ =	shalt  }
0x44: {  	_ =	shalt  }
0x45: {  	_ =	shalt  }
0x46: {  	_ =	shalt  }
0x47: {  	_ =	shalt  }
0x48: {  	_ =	shalt  }
0x49: {  	_ =	shalt  }
0x4a: {  	_ =	shalt  }
0x4b: {  	_ =	shalt  }
0x4c: {  	_ =	shalt  }
0x4d: {  	_ =	shalt  }
0x4e: {  	_ =	shalt  }
0x4f: {  	_ =	shalt  }
0x50: {  	_ =	shalt  }
0x51: {  	_ =	shalt  }
0x52: {  	_ =	shalt  }
0x53: {  	_ =	shalt  }
0x54: {  	_ =	shalt  }
0x55: {  	_ =	shalt  }
0x56: {  	_ =	shalt  }
0x57: {  	_ =	shalt  }
0x58: {  	_ =	shalt  }
0x59: {  	_ =	shalt  }
0x5a: {  	_ =	shalt  }
0x5b: {  	_ =	shalt  }
0x5c: {  	_ =	shalt  }
0x5d: {  	_ =	shalt  }
0x5e: {  	_ =	shalt  }
0x5f: {  	_ =	shalt  }
0x60: {  	_ =	shalt  }
0x61: {  	_ =	shalt  }
0x62: {  	_ =	shalt  }
0x63: {  	_ =	shalt  }
0x64: {  	_ =	shalt  }
0x65: {  	_ =	shalt  }
0x66: {  	_ =	shalt  }
0x67: {  	_ =	shalt  }
0x68: {  	_ =	shalt  }
0x69: {  	_ =	shalt  }
0x6a: {  	_ =	shalt  }
0x6b: {  	_ =	shalt  }
0x6c: {  	_ =	shalt  }
0x6d: {  	_ =	shalt  }
0x6e: {  	_ =	shalt  }
0x6f: {  	_ =	shalt  }
0x70: {  	_ =	shalt  }
0x71: {  	_ =	shalt  }
0x72: {  	_ =	shalt  }
0x73: {  	_ =	shalt  }
0x74: {  	_ =	shalt  }
0x75: {  	_ =	shalt  }
0x76: {  	_ =	shalt  }
0x77: {  	_ =	shalt  }
0x78: {  	_ =	shalt  }
0x79: {  	_ =	shalt  }
0x7a: {  	_ =	shalt  }
0x7b: {  	_ =	shalt  }
0x7c: {  	_ =	shalt  }
0x7d: {  	_ =	shalt  }
0x7e: {  	_ =	shalt  }
0x7f: {  	_ =	shalt  }
0x80: {  	_ =	shalt  }
0x81: {  	_ =	shalt  }
0x82: {  	_ =	shalt  }
0x83: {  	_ =	shalt  }
0x84: {  	_ =	shalt  }
0x85: {  	_ =	shalt  }
0x86: {  	_ =	shalt  }
0x87: {  	_ =	shalt  }
.Lfunc_end0:
.L_simem_size_0:
called_computation.3_lowered:
.L_overlay_start_0:
0x88: {  	s2 =	sld [smem:$0x3FD9]  }
0x89: {  	s3 =	sld [smem:$0x3FFE];
	_ =	sdelay $0x1  }
0x8a: {  	s1 =	srdreg.scid  }
0x8b: {  	s0 =	sand.u32 $0x1, s1  }
0x8c: {  	s16 =	sshll.u32 s0, $0xA;
	s2 =	sadd.s32 s3, s2  }
0x8d: {  	s2 =	sadd.s32 s2, s16  }
0x8e: {  	[smem:$0x3FBD] =	sst s2  }
0x8f: {  	_ = 	snop  }
0x90: {  	(tm) =	ssettm $0x1  }
0x91: {  	s17 =	sld [smem:$0x3FFB];
	_ =	sdelay $0x3  }
0x92: {  	_ =	strace s17  }
0x93: {  	s2 =	sld [smem:$0x3FFC];
	_ =	sdelay $0x3  }
0x94: {  	_ =	strace s2  }
0x95: {  	s2 =	sld [smem:$0x3FFD];
	_ =	sdelay $0x3  }
0x96: {  	_ =	strace s2  }
0x97: {  	_ =	strace $0x8FFFFFFF  }
0x98: {  	s18 =	sld [smem:$0x3FDB];
	_ =	sdelay $0x1  }
0x99: {  	s19 =	simm.s32 $_scs_section_size  }
0x9a: {  	s4 =	simm.s32 $_size__tile_overlayer_lowered;
	s5 =	simm.s32 $_tile_overlayer_lowered  }
0x9b: {  	s22 =	simm.s32 $0x1BFF;
	s21 =	sshll.u32 s5, $0x1;
	s2 =	sadd.s32 s19, s18  }
0x9c: {  	s6 =	simm.s32 $0x0;
	s20 =	sshll.u32 s4, $0x1;
	s4 =	sadd.s32 s21, s2  }
0x9d: {  	[timem:s6], [sflag:s22] =	dma.local [hbm:s4], s20  }
0x9e: {  	_ =	swait.ge [sflag:s22], s20  }
0x9f: {  	s3 =	ssub.s32 $0x0, s20;
	[sflag:s22] =	ssyncset.done $0x0  }
0xa0: {  	[sflag:s22] =	ssyncadd.s32 s3;
	_ =	sdelay $0x1  }
0xa1: {  	s23 =	simm.s32 $0x1B8B  }
0xa2: {  	_ =	swait.ge [sflag:s23], $0x1  }
0xa3: {  	[sflag:s23] =	ssyncset.done $0x0  }
0xa4: {  	s25 =	simm.s32 $0x1B8E;
	s24 =	sld [smem:$0x3FFE];
	[sflag:s23] =	ssyncadd.s32 $0xFFFFFFFF  }
0xa5: {  	s26 =	simm.s32 $execute0_lowered;
	[smem:$0x3FD2] =	sst s25  }
0xa6: {  	s4 =	sshll.u32 s26, $0x1;
	_ =	strace $0x8000004F;
	[dreg:$0x1] =	wrdreg $0xFFFFFFFF  }
0xa7: {  	s28 =	simm.s32 $_size_execute0_lowered;
	s2 =	sadd.s32 s2, s4;
	[dreg:$0x0] =	wrdreg $0x0  }
0xa8: {  	s4 =	sshll.u32 s28, $0x1;
	[dreg:$0x2] =	wrdreg s2  }
0xa9: {  	[dreg:$0x3] =	wrdreg s4  }
0xaa: {  	[dreg:$0x4] =	wrdreg $0xC0  }
0xab: {  	_ =	task [dreg:s6], $0x5FFFF  }
0xac: {  	[dreg:$0x1] =	wrdreg $0xFFFFFFFF  }
0xad: {  	[dreg:$0x0] =	wrdreg $0x60  }
0xae: {  	[dreg:$0x2] =	wrdreg s24  }
0xaf: {  	[dreg:$0x3] =	wrdreg $0xA8000  }
0xb0: {  	[dreg:$0x4] =	wrdreg $0x148000  }
0xb1: {  	[dreg:$0x5] =	wrdreg $0x9  }
0xb2: {  	_ =	task.clear_ibuf [dreg:s6], $0x6FFFF;
	_ =	strace $0x9000004F  }
0xb3: {  	s29 =	simm.s32 $0x9;
	_ =	strace $0x80000051  }
0xb4: {  	_ =	swait.ge [sflag:s29], $0x1  }
0xb5: {  	[sflag:s29] =	ssyncadd.s32 $0xFFFFFFFF  }
0xb6: {  	_ =	strace $0x90000051  }
0xb7: {  	_ =	sfence  }
0xb8: {  	s30 =	sld [smem:$0x0];
	_ =	sdelay $0x2  }
0xb9: {  	s31 =	sshll.u32 s1, $0xD;
	s1 =	sshrl.u32 s1, $0x2  }
0xba: {  	s3 =	sand.u32 $0x4000, s31;
	s1 =	sadd.s32 s1, s30  }
0xbb: {  	s0 =	sor.u32 s3, s0;
	s1 =	sshll.u32 s1, $0x11  }
0xbc: {  	s0 =	sor.u32 s1, s0  }
0xbd: {  	s0 =	sadd.s32 $0x8F2B, s0  }
0xbe: {  	[sflag:s0] =	ssyncadd.remote.s32 $0x1  }
0xbf: {  	_ =	sfence.sel $0xFFFF  }
0xc0: {  	[dreg:$0x0] =	wrdreg $0xFFFFFFFF;
	(pc) =	sbr.abs _section_cstart, $3  }
0xc1: {  	[dreg:$0x1] =	wrdreg $0xFFFFFFFF  }
0xc2: {  	_ =	task.clear_ibuf [dreg:s6], $0x2FFFF;
	_ =	strace $0x9FFFFFFF  }
0xc3: {  	(tm) =	ssettm $0x7FFFFFFF  }
tec
execute0_lowered:
.L_overlay_start_1:
0x0: {  	(tag) =	ssettag $0x1  }
0x1: {  	s0 =	rddreg [dreg:$0x0]  }
0x2: {  	s1 =	rddreg [dreg:$0x1]  }
0x3: {  	s3 =	rddreg [dreg:$0x2]  }
0x4: {  	s4 =	simm.s32 $0x0;
	s2 =	srdreg.scid;
	s10 =	stileid.u32  }
0x5: {  	s14 =	simm.s32 $0x1;
	s15 =	simm.s32 $0x8;
	s16 =	simm.s32 $0x10  }
0x6: {  	s18 =	simm.s32 $0x1400;
	s19 =	simm.s32 $0x80;
	s20 =	simm.s32 $0x2800  }
0x7: {  	s28 =	simm.s32 $0x1500;
	s29 =	simm.s32 $0x2;
	s30 =	simm.s32 $0x200  }
0x8: {  	s31 =	simm.s32 $0x1580;
	[smem:$0x7FF] =	sst s4;
	s6 =	smul.u32 $0x14000, s10  }
0x9: {  	s2 =	sand.u32 $0x1, s2;
	s5 =	sadd.s32 $0x4200, s0;
	s22 =	smul.u32 $0xA000, s10  }
0xa: {  	s8 =	sadd.s32 $0x40800, s0;
	s23 =	sshll.u32 s10, $0x6;
	s10 =	smul.u32 $0x5000, s10  }
0xb: {  	_ =	strace $0x80000050;
	s7 =	sshll.u32 s2, $0x6;
	[dreg:$0x4] =	wrdreg s8  }
0xc: {  	s2 =	ssub.s32 $0x2, s2;
	[dreg:$0x5] =	wrdreg s23;
	s6 =	sor.u32 s7, s6  }
0xd: {  	s21 =	sshrl.u32 s2, $0x1;
	s24 =	sadd.s32 s22, s1;
	s25 =	sadd.s32 s22, s3  }
0xe: {  	s22 =	simm.s32 $0x100;
	s6 =	sshrl.u32 s6, $0x3;
	s2 =	ssub.s32 s2, s21  }
0xf: {  	s13 =	sshrl.u32 s24, $0x3;
	s17 =	sshrl.u32 s25, $0x3;
	s21 =	simm.s32 $0x4800  }
.Ltmp0:
0x10: {  	s24 =	simm.s32 $0x1480;
	s25 =	simm.s32 $0x180;
	(pc) =	sbr.rel .LBB2_1-.Ltmp0, $4  }
0x11: {  	s0 =	sadd.s32 s6, s0;
	s26 =	smax.u32 s2, $0x1;
	s2 =	simm.s32 $0x3  }
0x12: {  	s9 =	sadd.s32 $0x18800, s0;
	s0 =	sadd.s32 $0x41C00, s0;
	[dreg:$0x8] =	wrdreg s26  }
0x13: {  	s26 =	simm.s32 $0x8800;
	[dreg:$0x6] =	wrdreg s9;
	s9 =	sor.u32 $0x1C01, s23  }
0x14: {  	[dreg:$0x7] =	wrdreg s0;
	s23 =	simm.s32 $0x6800;
	s0 =	simm.s32 $0x280  }
.LBB2_6:
0x15: {  	[bflag:$0x0] =	sbarrier.arrive $0xFFFF  }
0x16: {  	s6 =	rddreg [dreg:$0x5]  }
0x17: {  	s7 =	rddreg [dreg:$0x7];
	s6 =	sor.u32 $0x1C03, s6  }
0x18: {  	[hbm:s7@s16], [sflag:s6] =	dma.strided [spmem:s17@s15], $0x1400, s14, $0x8   }
0x19: {  	_ =	swait.ge [sflag:s2], $0x1400  }
0x1a: {  	s4 =	sadd.s32 $0x1, s4;
	s12 =	rddreg [dreg:$0x8]  }
0x1b: {  	p0 =	sne.s32 s4, s12  }
.Ltmp1:
0x1c: {  	_ = 	snop;
	(pc) =	sbr.rel @!p0 .LBB2_7-.Ltmp1, $3  }
0x1d: {  	_ =	sdelay $0x1  }
0x1e: {  	[sflag:s2] =	ssyncset.done $0x0  }
0x1f: {  	[sflag:s2] =	ssyncadd.s32 $0xFFFFEC00  }
.LBB2_1:
0x20: {  	s6 =	rddreg [dreg:$0x6]  }
0x21: {  	[spmem:s13@s15], [sflag:s9] =	dma.strided [hbm:s6@s16], $0x1400, s14, $0x8   }
0x22: {  	s6 =	rddreg [dreg:$0x4]  }
0x23: {  	[spmem:s17], [sflag:s9] =	dma.local [hbm:s6], $0x1400  }
0x24: {  	_ =	swait.ge [sflag:s14], $0x1400  }
0x25: {  	[sflag:s14] =	ssyncset.done $0x0  }
0x26: {  	[sflag:s14] =	ssyncadd.s32 $0xFFFFEC00  }
.Ltmp2:
0x27: {  	_ =	swait.ge [sflag:s14], $0x1400;
	(pc) =	sbr.rel .LBB2_2-.Ltmp2, $4  }
0x28: {  	[sflag:s14] =	ssyncset.done $0x0  }
0x29: {  	[sflag:s14] =	ssyncadd.s32 $0xFFFFEC00  }
0x2a: {  	[bflag:$0x0] =	sbarrier.arrive $0xFFFF  }
0x2b: {  	s6 =	simm.s32 $0x0  }
.LBB2_5:
0x2c: {  	_ =	swait.ge [sflag:s14], $0x2000  }
0x2d: {  	[sflag:s14] =	ssyncset.done $0x0  }
0x2e: {  	[sflag:s14] =	ssyncadd.s32 $0xFFFFE000  }
0x2f: {  	[spmem:s3] =	stream.indirect.scatter.add.f32 [tilespmem:s26], [sflag:$0x2], $0x40, s11, s19, $0xb8;
	[tilespmem:$0x1E800] =	vst v63  }
0x30: {  	_ =	swait.ge [sflag:s29], $0x2000  }
0x31: {  	[sflag:s29] =	ssyncset.done $0x0  }
0x32: {  	s6 =	sadd.s32 $0x1, s6;
	[sflag:s29] =	ssyncadd.s32 $0xFFFFE000  }
0x33: {  	p0 =	sne.s32 s6, $0x4;
	_ =	swait.ge [sflag:s29], $0x2000  }
.Ltmp3:
0x34: {  	[sflag:s29] =	ssyncset.done $0x0;
	(pc) =	sbr.rel @!p0 .LBB2_6-.Ltmp3, $4  }
0x35: {  	[sflag:s29] =	ssyncadd.s32 $0xFFFFE000  }
0x36: {  	_ =	swait.ge [sflag:s29], $0x2000  }
0x37: {  	[sflag:s29] =	ssyncset.done $0x0  }
0x38: {  	[sflag:s29] =	ssyncadd.s32 $0xFFFFE000  }
.LBB2_2:
0x39: {  	s7 =	smul.u32 $0x1400, s6;
	_ =	sdelay $0x1  }
0x3a: {  	s7 =	sadd.s32 s10, s7  }
0x3b: {  	s7 =	sshrl.u32 s7, $0x3  }
0x3c: {  	s8 =	simm.s32 $0x0;
	s7 =	sadd.s32 s5, s7  }
0x3d: {  	[tilespmem:s8], [sflag:$0x1] =	stream.linear.gather [hbm4b:s7+s8], $0x1400, $0x38;
	[tilespmem:$0x1E800] =	vst v63  }
0x3e: {  	s7 =	sadd.s32 $0xA000, s7  }
0x3f: {  	[tilespmem:s18], [sflag:$0x1] =	stream.linear.gather [hbm4b:s7+s8], $0x1400, $0x38;
	[tilespmem:$0x1E800] =	vst v63  }
0x40: {  	_ =	swait.ge [sflag:s14], $0x1400  }
0x41: {  	[sflag:s14] =	ssyncset.done $0x0  }
0x42: {  	[sflag:s14] =	ssyncadd.s32 $0xFFFFEC00  }
0x43: {  	_ =	swait.ge [sflag:s14], $0x1400  }
0x44: {  	[sflag:s14] =	ssyncset.done $0x0  }
0x45: {  	[sflag:s14] =	ssyncadd.s32 $0xFFFFEC00  }
0x46: {  	[tilespmem:s20], [sflag:$0x1] =	stream.indirect.gather [spmem:s1], $0x40, s8, s19, $0xb8;
	[tilespmem:$0x1E800] =	vst v63  }
0x47: {  	_ = 	snop  }
0x48: {  	[tilespmem:s21], [sflag:$0x1] =	stream.indirect.gather [spmem:s1], $0x40, s19, s19, $0xb8;
	[tilespmem:$0x1E800] =	vst v63  }
0x49: {  	_ =	swait.ge [sflag:s14], $0x2000  }
0x4a: {  	[sflag:s14] =	ssyncset.done $0x0  }
0x4b: {  	[sflag:s14] =	ssyncadd.s32 $0xFFFFE000  }
0x4c: {  	[spmem:s3] =	stream.indirect.scatter.add.f32 [tilespmem:s20], [sflag:$0x2], $0x40, s18, s19, $0xb8;
	[tilespmem:$0x1E800] =	vst v63  }
0x4d: {  	_ = 	snop  }
0x4e: {  	[tilespmem:s23], [sflag:$0x1] =	stream.indirect.gather [spmem:s1], $0x40, s22, s19, $0xb8;
	[tilespmem:$0x1E800] =	vst v63  }
0x4f: {  	_ =	swait.ge [sflag:s14], $0x2000  }
0x50: {  	[sflag:s14] =	ssyncset.done $0x0  }
0x51: {  	[sflag:s14] =	ssyncadd.s32 $0xFFFFE000  }
0x52: {  	[spmem:s3] =	stream.indirect.scatter.add.f32 [tilespmem:s21], [sflag:$0x2], $0x40, s24, s19, $0xb8;
	[tilespmem:$0x1E800] =	vst v63  }
0x53: {  	_ = 	snop  }
0x54: {  	[tilespmem:s26], [sflag:$0x1] =	stream.indirect.gather [spmem:s1], $0x40, s25, s19, $0xb8;
	[tilespmem:$0x1E800] =	vst v63  }
0x55: {  	_ =	swait.ge [sflag:s14], $0x2000  }
0x56: {  	[sflag:s14] =	ssyncset.done $0x0  }
0x57: {  	[sflag:s14] =	ssyncadd.s32 $0xFFFFE000  }
0x58: {  	[spmem:s3] =	stream.indirect.scatter.add.f32 [tilespmem:s23], [sflag:$0x2], $0x40, s28, s19, $0xb8;
	[tilespmem:$0x1E800] =	vst v63  }
0x59: {  	_ =	swait.ge [sflag:s29], $0x2000  }
0x5a: {  	[sflag:s29] =	ssyncset.done $0x0  }
0x5b: {  	[sflag:s29] =	ssyncadd.s32 $0xFFFFE000  }
0x5c: {  	[tilespmem:s20], [sflag:$0x1] =	stream.indirect.gather [spmem:s1], $0x40, s30, s19, $0xb8;
	[tilespmem:$0x1E800] =	vst v63  }
0x5d: {  	_ =	swait.ge [sflag:s14], $0x2000  }
0x5e: {  	[sflag:s14] =	ssyncset.done $0x0  }
0x5f: {  	[sflag:s14] =	ssyncadd.s32 $0xFFFFE000  }
0x60: {  	[spmem:s3] =	stream.indirect.scatter.add.f32 [tilespmem:s26], [sflag:$0x2], $0x40, s31, s19, $0xb8;
	[tilespmem:$0x1E800] =	vst v63  }
0x61: {  	_ =	swait.ge [sflag:s29], $0x2000  }
0x62: {  	[sflag:s29] =	ssyncset.done $0x0  }
0x63: {  	[sflag:s29] =	ssyncadd.s32 $0xFFFFE000  }
0x64: {  	[tilespmem:s21], [sflag:$0x1] =	stream.indirect.gather [spmem:s1], $0x40, s0, s19, $0xb8;
	[tilespmem:$0x1E800] =	vst v63  }
.LBB2_3:
0x65: {  	_ =	swait.ge [sflag:s14], $0x2000  }
0x66: {  	s7 =	sshra.s32 s8, $0x2;
	[sflag:s14] =	ssyncset.done $0x0  }
0x67: {  	s11 =	sadd.s32 $0x1600, s7;
	[sflag:s14] =	ssyncadd.s32 $0xFFFFE000  }
0x68: {  	[spmem:s3] =	stream.indirect.scatter.add.f32 [tilespmem:s20], [sflag:$0x2], $0x40, s11, s19, $0xb8;
	[tilespmem:$0x1E800] =	vst v63  }
0x69: {  	_ =	swait.ge [sflag:s29], $0x2000  }
0x6a: {  	[sflag:s29] =	ssyncset.done $0x0  }
0x6b: {  	s12 =	sadd.s32 $0x300, s7;
	[sflag:s29] =	ssyncadd.s32 $0xFFFFE000  }
0x6c: {  	[tilespmem:s23], [sflag:$0x1] =	stream.indirect.gather [spmem:s1], $0x40, s12, s19, $0xb8;
	[tilespmem:$0x1E800] =	vst v63  }
0x6d: {  	_ =	swait.ge [sflag:s14], $0x2000  }
0x6e: {  	[sflag:s14] =	ssyncset.done $0x0  }
0x6f: {  	s12 =	sadd.s32 $0x1680, s7;
	[sflag:s14] =	ssyncadd.s32 $0xFFFFE000  }
0x70: {  	[spmem:s3] =	stream.indirect.scatter.add.f32 [tilespmem:s21], [sflag:$0x2], $0x40, s12, s19, $0xb8;
	[tilespmem:$0x1E800] =	vst v63  }
0x71: {  	_ =	swait.ge [sflag:s29], $0x2000  }
0x72: {  	[sflag:s29] =	ssyncset.done $0x0  }
0x73: {  	s12 =	sadd.s32 $0x380, s7;
	[sflag:s29] =	ssyncadd.s32 $0xFFFFE000  }
0x74: {  	[tilespmem:s26], [sflag:$0x1] =	stream.indirect.gather [spmem:s1], $0x40, s12, s19, $0xb8;
	[tilespmem:$0x1E800] =	vst v63  }
0x75: {  	_ =	swait.ge [sflag:s14], $0x2000  }
0x76: {  	p0 =	seq.s32 s8, $0x4000;
	[sflag:s14] =	ssyncset.done $0x0  }
.Ltmp4:
0x77: {  	s12 =	sadd.s32 $0x1700, s7;
	[sflag:s14] =	ssyncadd.s32 $0xFFFFE000;
	(pc) =	sbr.rel @p0 .LBB2_5-.Ltmp4, $4  }
0x78: {  	[spmem:s3] =	stream.indirect.scatter.add.f32 [tilespmem:s23], [sflag:$0x2], $0x40, s12, s19, $0xb8;
	[tilespmem:$0x1E800] =	vst v63  }
0x79: {  	_ =	swait.ge [sflag:s29], $0x2000  }
0x7a: {  	[sflag:s29] =	ssyncset.done $0x0  }
0x7b: {  	s11 =	sadd.s32 $0x1780, s7;
	[sflag:s29] =	ssyncadd.s32 $0xFFFFE000  }
0x7c: {  	s12 =	sadd.s32 $0x400, s7  }
0x7d: {  	[tilespmem:s20], [sflag:$0x1] =	stream.indirect.gather [spmem:s1], $0x40, s12, s19, $0xb8;
	[tilespmem:$0x1E800] =	vst v63  }
0x7e: {  	_ =	swait.ge [sflag:s14], $0x2000  }
0x7f: {  	[sflag:s14] =	ssyncset.done $0x0  }
0x80: {  	[sflag:s14] =	ssyncadd.s32 $0xFFFFE000  }
0x81: {  	[spmem:s3] =	stream.indirect.scatter.add.f32 [tilespmem:s26], [sflag:$0x2], $0x40, s11, s19, $0xb8;
	[tilespmem:$0x1E800] =	vst v63  }
.Ltmp5:
0x82: {  	_ = 	snop;
	(pc) =	sbr.rel .LBB2_3-.Ltmp5, $4  }
0x83: {  	_ =	swait.ge [sflag:s29], $0x2000  }
0x84: {  	[sflag:s29] =	ssyncset.done $0x0  }
0x85: {  	s8 =	sadd.s32 $0x800, s8;
	s12 =	sadd.s32 $0x480, s7;
	[sflag:s29] =	ssyncadd.s32 $0xFFFFE000  }
0x86: {  	[tilespmem:s21], [sflag:$0x1] =	stream.indirect.gather [spmem:s1], $0x40, s12, s19, $0xb8;
	[tilespmem:$0x1E800] =	vst v63  }
.LBB2_7:
0x87: {  	_ =	sfence.sel $0x180000  }
0x88: {  	[bflag:$0x0] =	sbarrier.arrive $0xFFFF  }
0x89: {  	_ =	strace $0x90000050  }
0x8a: {  	s0 =	stileid.u32;
	[bflag:$0x2] =	sbarrier.arrive $0xFFFF  }
0x8b: {  	p0 =	sne.s32 s0, $0x0;
	s0 =	rddreg [dreg:$0x3]  }
0x8c: {  	s0 =	sadd.s32 @!p0 $0x100000, s0  }
0x8d: {  	[sflag:s0] =	ssyncadd.tile.s32 @!p0 $0x1;
	_ =	shalt  }
.Lfunc_end2:
_tile_overlayer_lowered:
.L_overlay_start_2:
0x8e: {  	(tag) =	ssettag $0x2  }
0x8f: {  	s0 =	rddreg [dreg:$0x0];
	s2 =	stileid.u32  }
0x90: {  	s1 =	rddreg [dreg:$0x1];
	p0 =	sne.s32 s2, $0x0  }
0x91: {  	s3 =	rddreg [dreg:$0x2];
	[bflag:$0x3] =	sbarrier.arrive $0xFFFF;
	s2 =	simm.s32 @!p0 $0x1C03  }
0x92: {  	[timem:s3], [sflag:s2] =	dma.local @!p0 [hbm:s0], s1  }
0x93: {  	s0 =	simm.s32 @!p0 $0x3  }
0x94: {  	_ =	swait.ge @!p0 [sflag:s0], s1  }
0x95: {  	s1 =	ssub.s32 @!p0 $0x0, s1;
	[sflag:s0] =	ssyncset.done @!p0 $0x0  }
0x96: {  	[sflag:s0] =	ssyncadd.s32 @!p0 s1  }
0x97: {  	[bflag:$0x3] =	sbarrier.arrive $0xFFFF  }
0x98: {  	_ =	shalt  }

// kernel: kernel.24.cloned.1.call-start
scs
__scs_entry_jumppad:
0x0: {  	(pc) =	sbr.rel $0x88, $3  }
0x1: {  	(tag) =	ssettag $0x0;
	lr =	simm.s32 $0x1  }
0x2: {  	[smem:$0x3F96] =	sst lr;
	_ =	strace $0xD0000000  }
0x3: {  	_ = 	snop  }
0x4: {  	_ = 	snop  }
0x5: {  	_ = 	snop  }
0x6: {  	_ = 	snop  }
0x7: {  	_ = 	snop  }
__scs_overlays_trampoline_lowered:
0x8: {  	[smem:$0x3FA5] =	sst s0  }
0x9: {  	[smem:$0x3FA6] =	sst s1  }
0xa: {  	[smem:$0x3FA7] =	sst s2  }
0xb: {  	[smem:$0x3FA8] =	sst s3  }
0xc: {  	[smem:$0x3FA9] =	sst s4  }
0xd: {  	[smem:$0x3FAA] =	sst s5  }
0xe: {  	[smem:$0x3FAB] =	sst s6  }
0xf: {  	[smem:$0x3FAC] =	sst s7  }
0x10: {  	[smem:$0x3FAD] =	sst s8  }
0x11: {  	[smem:$0x3FAE] =	sst s9;
	s0 =	simm.s32 @!p0 $0x0  }
0x12: {  	s1 =	sld [smem:$0x3F94];
	s0 =	simm.s32 @p0 $0x1  }
0x13: {  	[smem:$0x3FAF] =	sst s0;
	s0 =	simm.s32 @!p1 $0x0  }
0x14: {  	s2 =	sld [smem:$0x3F93];
	s0 =	simm.s32 @p1 $0x1  }
0x15: {  	[smem:$0x3FB0] =	sst s0;
	s0 =	simm.s32 @!p2 $0x0  }
0x16: {  	s3 =	sld [smem:$0x3FDB];
	s0 =	simm.s32 @p2 $0x1  }
0x17: {  	s4 =	simm.s32 $0x1BF5;
	[smem:$0x3FB2] =	sst s0  }
0x18: {  	s0 =	sld [smem:$0x3F95];
	_ =	swait.ge [sflag:s4], $0x0  }
0x19: {  	s7 =	sld [smem:$0x3F96]  }
0x1a: {  	s8 =	sadd.s32 $0xFFFFE003, lr  }
0x1b: {  	s9 =	sadd.s32 $0xFFFFFEF7, lr;
	s5 =	simm.s32 $0xFFFFFFFF;
	p2 =	slt.u32 s8, $0xFFFFF086  }
0x1c: {  	p1 =	slt.u32 s9, $0xF7A;
	s5 =	simm.s32 @!p2 $0x0  }
0x1d: {  	s5 =	simm.s32 @p1 $0x1;
	p0 =	seq.s32 s7, s2  }
0x1e: {  	s7 =	smul.u32 @!p0 $0xF7A, s2;
	p2 =	seq.s32 @!p0 s5, $0x0  }
0x1f: {  	s9 =	smul.u32 $0xF7A, s1;
	s8 =	simm.s32 @!p0 $0x1BF5;
	p2 =	por !p2, p0  }
0x20: {  	[sflag:s8] =	ssyncset.s32 @!p0 $0xFFFFF086;
	s6 =	sadd.s32 @!p0 s3, s7;
	s7 =	simm.s32 @!p0 $0x108  }
0x21: {  	s3 =	sadd.s32 s3, s9;
	s6 =	sadd.s32 @!p0 $0x88, s6;
	s7 =	simm.s32 @p2 $0x1082  }
0x22: {  	[simem:s7], [sflag:s8] =	dma.local @!p0 [hbm:s6], $0xF7A  }
0x23: {  	s9 =	sor.u32 $0xD0000000, s2;
	s6 =	simm.s32 $0x108;
	_ =	swait.ge @!p0 [sflag:s8], $0x0  }
0x24: {  	s3 =	sadd.s32 $0x88, s3;
	s6 =	simm.s32 @!p1 $0x1082;
	[sflag:s4] =	ssyncset.s32 $0xFFFFF086  }
0x25: {  	[simem:s6], [sflag:s4] =	dma.local [hbm:s3], $0xF7A  }
0x26: {  	[smem:$0x3F96] =	sst s1;
	(tag) =	ssettag s2;
	_ =	strace s9  }
0x27: {  	s1 =	sld [smem:$0x3FA6]  }
0x28: {  	s2 =	sld [smem:$0x3FA7]  }
0x29: {  	s4 =	sld [smem:$0x3FA9]  }
0x2a: {  	p0 =	seq.s32 s5, $0x0;
	s5 =	sld [smem:$0x3FAA]  }
0x2b: {  	s6 =	sld [smem:$0x3FAB]  }
0x2c: {  	s7 =	sld [smem:$0x3FAC]  }
0x2d: {  	s3 =	simm.s32 $0x108;
	s8 =	sld [smem:$0x3FAD]  }
0x2e: {  	s3 =	simm.s32 @!p0 $0x1082;
	s9 =	sld [smem:$0x3FAE]  }
0x2f: {  	lr =	sadd.s32 s0, s3;
	s0 =	sld [smem:$0x3FA5]  }
0x30: {  	s3 =	sld [smem:$0x3FA8]  }
0x31: {  	[smem:$0x3FB1] =	sst s10  }
0x32: {  	s10 =	sld [smem:$0x3FAF];
	_ =	sdelay $0x3  }
0x33: {  	p0 =	seq.s32 s10, $0x1;
	s10 =	sld [smem:$0x3FB1];
	_ =	sdelay $0x3  }
0x34: {  	[smem:$0x3FB1] =	sst s10  }
0x35: {  	s10 =	sld [smem:$0x3FB0];
	_ =	sdelay $0x3  }
0x36: {  	p1 =	seq.s32 s10, $0x1;
	s10 =	sld [smem:$0x3FB1];
	_ =	sdelay $0x3  }
0x37: {  	[smem:$0x3FB1] =	sst s10  }
0x38: {  	s10 =	sld [smem:$0x3FB2]  }
0x39: {  	_ = 	snop;
	(pc) =	sbr.ind lr, $3  }
0x3a: {  	_ = 	snop  }
0x3b: {  	_ = 	snop  }
0x3c: {  	p2 =	seq.s32 s10, $0x1;
	s10 =	sld [smem:$0x3FB1]  }
0x3d: {  	_ =	shalt  }
0x3e: {  	_ =	shalt  }
0x3f: {  	_ =	shalt  }
0x40: {  	_ =	shalt  }
0x41: {  	_ =	shalt  }
0x42: {  	_ =	shalt  }
0x43: {  	_ =	shalt  }
0x44: {  	_ =	shalt  }
0x45: {  	_ =	shalt  }
0x46: {  	_ =	shalt  }
0x47: {  	_ =	shalt  }
0x48: {  	_ =	shalt  }
0x49: {  	_ =	shalt  }
0x4a: {  	_ =	shalt  }
0x4b: {  	_ =	shalt  }
0x4c: {  	_ =	shalt  }
0x4d: {  	_ =	shalt  }
0x4e: {  	_ =	shalt  }
0x4f: {  	_ =	shalt  }
0x50: {  	_ =	shalt  }
0x51: {  	_ =	shalt  }
0x52: {  	_ =	shalt  }
0x53: {  	_ =	shalt  }
0x54: {  	_ =	shalt  }
0x55: {  	_ =	shalt  }
0x56: {  	_ =	shalt  }
0x57: {  	_ =	shalt  }
0x58: {  	_ =	shalt  }
0x59: {  	_ =	shalt  }
0x5a: {  	_ =	shalt  }
0x5b: {  	_ =	shalt  }
0x5c: {  	_ =	shalt  }
0x5d: {  	_ =	shalt  }
0x5e: {  	_ =	shalt  }
0x5f: {  	_ =	shalt  }
0x60: {  	_ =	shalt  }
0x61: {  	_ =	shalt  }
0x62: {  	_ =	shalt  }
0x63: {  	_ =	shalt  }
0x64: {  	_ =	shalt  }
0x65: {  	_ =	shalt  }
0x66: {  	_ =	shalt  }
0x67: {  	_ =	shalt  }
0x68: {  	_ =	shalt  }
0x69: {  	_ =	shalt  }
0x6a: {  	_ =	shalt  }
0x6b: {  	_ =	shalt  }
0x6c: {  	_ =	shalt  }
0x6d: {  	_ =	shalt  }
0x6e: {  	_ =	shalt  }
0x6f: {  	_ =	shalt  }
0x70: {  	_ =	shalt  }
0x71: {  	_ =	shalt  }
0x72: {  	_ =	shalt  }
0x73: {  	_ =	shalt  }
0x74: {  	_ =	shalt  }
0x75: {  	_ =	shalt  }
0x76: {  	_ =	shalt  }
0x77: {  	_ =	shalt  }
0x78: {  	_ =	shalt  }
0x79: {  	_ =	shalt  }
0x7a: {  	_ =	shalt  }
0x7b: {  	_ =	shalt  }
0x7c: {  	_ =	shalt  }
0x7d: {  	_ =	shalt  }
0x7e: {  	_ =	shalt  }
0x7f: {  	_ =	shalt  }
0x80: {  	_ =	shalt  }
0x81: {  	_ =	shalt  }
0x82: {  	_ =	shalt  }
0x83: {  	_ =	shalt  }
0x84: {  	_ =	shalt  }
0x85: {  	_ =	shalt  }
0x86: {  	_ =	shalt  }
0x87: {  	_ =	shalt  }
.Lfunc_end0:
.L_simem_size_0:
called_computation.4_lowered:
.L_overlay_start_0:
0x88: {  	s2 =	sld [smem:$0x3FD9]  }
0x89: {  	s3 =	sld [smem:$0x3FFE];
	_ =	sdelay $0x1  }
0x8a: {  	s1 =	srdreg.scid  }
0x8b: {  	s0 =	sand.u32 $0x1, s1  }
0x8c: {  	s16 =	sshll.u32 s0, $0xA;
	s2 =	sadd.s32 s3, s2  }
0x8d: {  	s2 =	sadd.s32 s2, s16  }
0x8e: {  	[smem:$0x3FBD] =	sst s2  }
0x8f: {  	_ = 	snop  }
0x90: {  	(tm) =	ssettm $0x1  }
0x91: {  	s17 =	sld [smem:$0x3FFB];
	_ =	sdelay $0x3  }
0x92: {  	_ =	strace s17  }
0x93: {  	s2 =	sld [smem:$0x3FFC];
	_ =	sdelay $0x3  }
0x94: {  	_ =	strace s2  }
0x95: {  	s2 =	sld [smem:$0x3FFD];
	_ =	sdelay $0x3  }
0x96: {  	_ =	strace s2  }
0x97: {  	_ =	strace $0x8FFFFFFF  }
0x98: {  	s18 =	sld [smem:$0x3FDB];
	_ =	sdelay $0x1  }
0x99: {  	s19 =	simm.s32 $_scs_section_size  }
0x9a: {  	s4 =	simm.s32 $_size__tile_overlayer_lowered;
	s5 =	simm.s32 $_tile_overlayer_lowered  }
0x9b: {  	s22 =	simm.s32 $0x1BFF;
	s21 =	sshll.u32 s5, $0x1;
	s2 =	sadd.s32 s19, s18  }
0x9c: {  	s6 =	simm.s32 $0x0;
	s20 =	sshll.u32 s4, $0x1;
	s4 =	sadd.s32 s21, s2  }
0x9d: {  	[timem:s6], [sflag:s22] =	dma.local [hbm:s4], s20  }
0x9e: {  	_ =	swait.ge [sflag:s22], s20  }
0x9f: {  	s3 =	ssub.s32 $0x0, s20;
	[sflag:s22] =	ssyncset.done $0x0  }
0xa0: {  	[sflag:s22] =	ssyncadd.s32 s3;
	_ =	sdelay $0x1  }
0xa1: {  	s23 =	simm.s32 $0x1B8B  }
0xa2: {  	_ =	swait.ge [sflag:s23], $0x1  }
0xa3: {  	[sflag:s23] =	ssyncset.done $0x0  }
0xa4: {  	s25 =	simm.s32 $0x1B8E;
	s24 =	sld [smem:$0x3FFE];
	[sflag:s23] =	ssyncadd.s32 $0xFFFFFFFF  }
0xa5: {  	s26 =	simm.s32 $execute0_lowered;
	[smem:$0x3FD2] =	sst s25  }
0xa6: {  	s4 =	sshll.u32 s26, $0x1;
	_ =	strace $0x80000052;
	[dreg:$0x1] =	wrdreg $0xFFFFFFFF  }
0xa7: {  	s28 =	simm.s32 $_size_execute0_lowered;
	s2 =	sadd.s32 s2, s4;
	[dreg:$0x0] =	wrdreg $0x0  }
0xa8: {  	s4 =	sshll.u32 s28, $0x1;
	[dreg:$0x2] =	wrdreg s2  }
0xa9: {  	[dreg:$0x3] =	wrdreg s4  }
0xaa: {  	[dreg:$0x4] =	wrdreg $0xC0  }
0xab: {  	_ =	task [dreg:s6], $0x5FFFF  }
0xac: {  	[dreg:$0x1] =	wrdreg $0xFFFFFFFF  }
0xad: {  	[dreg:$0x0] =	wrdreg $0x60  }
0xae: {  	[dreg:$0x2] =	wrdreg s24  }
0xaf: {  	[dreg:$0x3] =	wrdreg $0x60000  }
0xb0: {  	[dreg:$0x4] =	wrdreg $0x88000  }
0xb1: {  	[dreg:$0x5] =	wrdreg $0x9  }
0xb2: {  	_ =	task.clear_ibuf [dreg:s6], $0x6FFFF;
	_ =	strace $0x90000052  }
0xb3: {  	s29 =	simm.s32 $0x9;
	_ =	strace $0x80000054  }
0xb4: {  	_ =	swait.ge [sflag:s29], $0x1  }
0xb5: {  	[sflag:s29] =	ssyncadd.s32 $0xFFFFFFFF  }
0xb6: {  	_ =	strace $0x90000054  }
0xb7: {  	_ =	sfence  }
0xb8: {  	s30 =	sld [smem:$0x0];
	_ =	sdelay $0x2  }
0xb9: {  	s31 =	sshll.u32 s1, $0xD;
	s1 =	sshrl.u32 s1, $0x2  }
0xba: {  	s3 =	sand.u32 $0x4000, s31;
	s1 =	sadd.s32 s1, s30  }
0xbb: {  	s0 =	sor.u32 s3, s0;
	s1 =	sshll.u32 s1, $0x11  }
0xbc: {  	s0 =	sor.u32 s1, s0  }
0xbd: {  	s0 =	sadd.s32 $0x8F2B, s0  }
0xbe: {  	[sflag:s0] =	ssyncadd.remote.s32 $0x1  }
0xbf: {  	_ =	sfence.sel $0xFFFF  }
0xc0: {  	[dreg:$0x0] =	wrdreg $0xFFFFFFFF;
	(pc) =	sbr.abs _section_cstart, $3  }
0xc1: {  	[dreg:$0x1] =	wrdreg $0xFFFFFFFF  }
0xc2: {  	_ =	task.clear_ibuf [dreg:s6], $0x2FFFF;
	_ =	strace $0x9FFFFFFF  }
0xc3: {  	(tm) =	ssettm $0x7FFFFFFF  }
tec
execute0_lowered:
.L_overlay_start_1:
0x0: {  	(tag) =	ssettag $0x1  }
0x1: {  	s6 =	rddreg [dreg:$0x0]  }
0x2: {  	s2 =	rddreg [dreg:$0x1]  }
0x3: {  	s0 =	srdreg.scid;
	s3 =	rddreg [dreg:$0x2]  }
0x4: {  	s4 =	simm.s32 $0x0;
	s17 =	simm.s32 $0x2800;
	s18 =	simm.s32 $0x80  }
0x5: {  	s19 =	simm.s32 $0x5000;
	s20 =	simm.s32 $0x5800;
	s21 =	simm.s32 $0x4F00  }
0x6: {  	s22 =	simm.s32 $0x4F80;
	s7 =	sand.u32 $0x1, s0;
	s0 =	stileid.u32  }
0x7: {  	s24 =	simm.s32 $0x0;
	[smem:$0x7FF] =	sst s4;
	s8 =	smul.u32 $0x14000, s0  }
0x8: {  	s1 =	sshll.u32 s7, $0x4;
	s10 =	smul.u32 $0x140000, s7;
	s7 =	ssub.s32 $0x2, s7  }
0x9: {  	s12 =	smul.u32 $0x2800, s0;
	s23 =	sshll.u32 s0, $0x6;
	s5 =	sor.u32 s0, s1  }
0xa: {  	s1 =	rddreg [dreg:$0x3];
	_ =	strace $0x80000053;
	s31 =	sshrl.u32 s7, $0x1  }
0xb: {  	s5 =	smul.u32 $0x2800, s5;
	s9 =	sshrl.u32 s8, $0x3;
	s8 =	sadd.s32 s8, s10  }
0xc: {  	s14 =	ssub.s32 s7, s31;
	s15 =	sadd.s32 s12, s2;
	s7 =	sor.u32 $0x1C01, s23  }
0xd: {  	s16 =	sadd.s32 s12, s3;
	s23 =	sor.u32 $0x1C02, s23;
	s9 =	sadd.s32 s9, s6  }
0xe: {  	s8 =	sshrl.u32 s8, $0x3;
	s12 =	sshrl.u32 s15, $0x3;
	s15 =	simm.s32 $0x10  }
0xf: {  	s16 =	sshrl.u32 s16, $0x3;
	s5 =	sshrl.u32 s5, $0x3;
	s13 =	sadd.s32 s8, s6  }
0x10: {  	s11 =	sadd.s32 s5, s6;
	s5 =	sadd.s32 $0x18200, s6;
	s6 =	sadd.s32 $0x18800, s9  }
0x11: {  	s10 =	sadd.s32 $0x40800, s13;
	s13 =	simm.s32 $0x1;
	s8 =	sadd.s32 $0x4200, s11  }
0x12: {  	s9 =	sadd.s32 $0xE200, s11;
	s11 =	smax.u32 s14, $0x1;
	s14 =	simm.s32 $0x2  }
.LBB2_1:
0x13: {  	[spmem:s12@s14], [sflag:s7] =	dma.strided [hbm:s6@s15], $0x500, s13, $0x2   }
0x14: {  	[spmem:s16], [sflag:s7] =	dma.local [hbm:s5], $0x500  }
0x15: {  	[tilespmem:s4], [sflag:$0x1] =	stream.linear.gather [hbm4b:s8+s4], $0x2800, $0x38;
	[tilespmem:$0xB000] =	vst v63  }
0x16: {  	_ = 	snop  }
0x17: {  	[tilespmem:s17], [sflag:$0x1] =	stream.linear.gather [hbm4b:s9+s4], $0x2800, $0x38;
	[tilespmem:$0xB000] =	vst v63  }
0x18: {  	_ =	swait.ge [sflag:s13], $0x500  }
0x19: {  	[sflag:s13] =	ssyncset.done $0x0  }
0x1a: {  	[sflag:s13] =	ssyncadd.s32 $0xFFFFFB00  }
0x1b: {  	_ =	swait.ge [sflag:s13], $0x500  }
0x1c: {  	[sflag:s13] =	ssyncset.done $0x0  }
0x1d: {  	[sflag:s13] =	ssyncadd.s32 $0xFFFFFB00  }
0x1e: {  	_ =	swait.ge [sflag:s13], $0x2800  }
0x1f: {  	[sflag:s13] =	ssyncset.done $0x0  }
0x20: {  	[sflag:s13] =	ssyncadd.s32 $0xFFFFD800  }
0x21: {  	_ =	swait.ge [sflag:s13], $0x2800  }
0x22: {  	[sflag:s13] =	ssyncset.done $0x0  }
0x23: {  	[sflag:s13] =	ssyncadd.s32 $0xFFFFD800  }
0x24: {  	[bflag:$0x0] =	sbarrier.arrive $0xFFFF  }
0x25: {  	[tilespmem:s19], [sflag:$0x1] =	stream.indirect.gather [spmem:s2], $0x10, s4, s18, $0xb8;
	[tilespmem:$0xB000] =	vst v63  }
0x26: {  	_ = 	snop  }
0x27: {  	[tilespmem:s20], [sflag:$0x1] =	stream.indirect.gather [spmem:s2], $0x10, s18, s18, $0xb8;
	[tilespmem:$0xB000] =	vst v63  }
0x28: {  	_ =	swait.ge [sflag:s13], $0x800  }
0x29: {  	[sflag:s13] =	ssyncset.done $0x0  }
0x2a: {  	s25 =	simm.s32 $0x2800;
	[sflag:s13] =	ssyncadd.s32 $0xFFFFF800  }
0x2b: {  	[spmem:s3] =	stream.indirect.scatter.add.f32 [tilespmem:s19], [sflag:$0x2], $0x10, s25, s18, $0xb8;
	[tilespmem:$0xB000] =	vst v63  }
0x2c: {  	_ =	swait.ge [sflag:s14], $0x800  }
0x2d: {  	[sflag:s14] =	ssyncset.done $0x0  }
0x2e: {  	s30 =	simm.s32 $0x100;
	[sflag:s14] =	ssyncadd.s32 $0xFFFFF800  }
0x2f: {  	[tilespmem:s19], [sflag:$0x1] =	stream.indirect.gather [spmem:s2], $0x10, s30, s18, $0xb8;
	[tilespmem:$0xB000] =	vst v63  }
0x30: {  	_ =	swait.ge [sflag:s13], $0x800  }
0x31: {  	[sflag:s13] =	ssyncset.done $0x0  }
0x32: {  	s31 =	simm.s32 $0x2880;
	[sflag:s13] =	ssyncadd.s32 $0xFFFFF800  }
0x33: {  	[spmem:s3] =	stream.indirect.scatter.add.f32 [tilespmem:s20], [sflag:$0x2], $0x10, s31, s18, $0xb8;
	[tilespmem:$0xB000] =	vst v63  }
0x34: {  	_ =	swait.ge [sflag:s14], $0x800  }
0x35: {  	[sflag:s14] =	ssyncset.done $0x0  }
0x36: {  	s26 =	simm.s32 $0x180;
	s25 =	simm.s32 $0x400;
	[sflag:s14] =	ssyncadd.s32 $0xFFFFF800  }
.LBB2_2:
0x37: {  	[tilespmem:s20], [sflag:$0x1] =	stream.indirect.gather [spmem:s2], $0x10, s26, s18, $0xb8;
	[tilespmem:$0xB000] =	vst v63  }
0x38: {  	s26 =	smov.u32 s25  }
0x39: {  	p0 =	sne.s32 s25, $0x9800;
	s25 =	sadd.s32 $0x400, s25;
	_ =	swait.ge [sflag:s13], $0x800  }
0x3a: {  	s26 =	sshra.s32 s26, $0x2;
	[sflag:s13] =	ssyncset.done $0x0  }
0x3b: {  	s28 =	sadd.s32 $0x2800, s26;
	[sflag:s13] =	ssyncadd.s32 $0xFFFFF800  }
0x3c: {  	[spmem:s3] =	stream.indirect.scatter.add.f32 [tilespmem:s19], [sflag:$0x2], $0x10, s28, s18, $0xb8;
	[tilespmem:$0xB000] =	vst v63  }
0x3d: {  	_ =	swait.ge [sflag:s14], $0x800  }
0x3e: {  	[sflag:s14] =	ssyncset.done $0x0  }
0x3f: {  	s28 =	sadd.s32 $0x100, s26;
	[sflag:s14] =	ssyncadd.s32 $0xFFFFF800  }
0x40: {  	[tilespmem:s19], [sflag:$0x1] =	stream.indirect.gather [spmem:s2], $0x10, s28, s18, $0xb8;
	[tilespmem:$0xB000] =	vst v63  }
0x41: {  	_ =	swait.ge [sflag:s13], $0x800  }
0x42: {  	[sflag:s13] =	ssyncset.done $0x0  }
.Ltmp0:
0x43: {  	s28 =	sadd.s32 $0x2880, s26;
	[sflag:s13] =	ssyncadd.s32 $0xFFFFF800;
	(pc) =	sbr.rel @p0 .LBB2_2-.Ltmp0, $4  }
0x44: {  	[spmem:s3] =	stream.indirect.scatter.add.f32 [tilespmem:s20], [sflag:$0x2], $0x10, s28, s18, $0xb8;
	[tilespmem:$0xB000] =	vst v63  }
0x45: {  	_ =	swait.ge [sflag:s14], $0x800  }
0x46: {  	[sflag:s14] =	ssyncset.done $0x0  }
0x47: {  	s26 =	sadd.s32 $0x180, s26;
	[sflag:s14] =	ssyncadd.s32 $0xFFFFF800  }
0x48: {  	[tilespmem:s20], [sflag:$0x1] =	stream.indirect.gather [spmem:s2], $0x10, s26, s18, $0xb8;
	[tilespmem:$0xB000] =	vst v63  }
0x49: {  	_ =	swait.ge [sflag:s13], $0x800  }
0x4a: {  	[sflag:s13] =	ssyncset.done $0x0  }
0x4b: {  	[sflag:s13] =	ssyncadd.s32 $0xFFFFF800  }
0x4c: {  	[spmem:s3] =	stream.indirect.scatter.add.f32 [tilespmem:s19], [sflag:$0x2], $0x10, s21, s18, $0xb8;
	[tilespmem:$0xB000] =	vst v63  }
0x4d: {  	_ =	swait.ge [sflag:s14], $0x800  }
0x4e: {  	[sflag:s14] =	ssyncset.done $0x0  }
0x4f: {  	[sflag:s14] =	ssyncadd.s32 $0xFFFFF800  }
0x50: {  	_ =	swait.ge [sflag:s13], $0x800  }
0x51: {  	[sflag:s13] =	ssyncset.done $0x0  }
0x52: {  	[sflag:s13] =	ssyncadd.s32 $0xFFFFF800  }
0x53: {  	[spmem:s3] =	stream.indirect.scatter.add.f32 [tilespmem:s20], [sflag:$0x2], $0x10, s22, s18, $0xb8;
	[tilespmem:$0xB000] =	vst v63  }
0x54: {  	_ =	swait.ge [sflag:s14], $0x800  }
0x55: {  	s24 =	sadd.s32 $0x1, s24;
	[sflag:s14] =	ssyncset.done $0x0  }
0x56: {  	p0 =	sne.s32 s24, s11;
	[sflag:s14] =	ssyncadd.s32 $0xFFFFF800  }
.Ltmp1:
0x57: {  	[bflag:$0x0] =	sbarrier.arrive $0xFFFF;
	(pc) =	sbr.rel @p0 .LBB2_1-.Ltmp1, $4  }
0x58: {  	[hbm:s10@s15], [sflag:s23] =	dma.strided [spmem:s16@s14], $0x500, s13, $0x2   }
0x59: {  	_ =	swait.ge [sflag:s14], $0x500  }
0x5a: {  	[sflag:s14] =	ssyncset.done $0x0  }
0x5b: {  	[sflag:s14] =	ssyncadd.s32 $0xFFFFFB00  }
0x5c: {  	_ =	sfence.sel $0x180000  }
0x5d: {  	[bflag:$0x0] =	sbarrier.arrive $0xFFFF  }
0x5e: {  	p0 =	sne.s32 s0, $0x0;
	_ =	strace $0x90000053  }
0x5f: {  	s0 =	sadd.s32 @!p0 $0x100000, s1;
	[bflag:$0x2] =	sbarrier.arrive $0xFFFF  }
0x60: {  	[sflag:s0] =	ssyncadd.tile.s32 @!p0 $0x1;
	_ =	shalt  }
.Lfunc_end2:
_tile_overlayer_lowered:
.L_overlay_start_2:
0x61: {  	(tag) =	ssettag $0x2  }
0x62: {  	s0 =	rddreg [dreg:$0x0];
	s2 =	stileid.u32  }
0x63: {  	s1 =	rddreg [dreg:$0x1];
	p0 =	sne.s32 s2, $0x0  }
0x64: {  	s3 =	rddreg [dreg:$0x2];
	[bflag:$0x3] =	sbarrier.arrive $0xFFFF;
	s2 =	simm.s32 @!p0 $0x1C02  }
0x65: {  	[timem:s3], [sflag:s2] =	dma.local @!p0 [hbm:s0], s1  }
0x66: {  	s0 =	simm.s32 @!p0 $0x2  }
0x67: {  	_ =	swait.ge @!p0 [sflag:s0], s1  }
0x68: {  	s1 =	ssub.s32 @!p0 $0x0, s1;
	[sflag:s0] =	ssyncset.done @!p0 $0x0  }
0x69: {  	[sflag:s0] =	ssyncadd.s32 @!p0 s1  }
0x6a: {  	[bflag:$0x3] =	sbarrier.arrive $0xFFFF  }
0x6b: {  	_ =	shalt  }

</sc_bundles>
